<compile_context>
chip_gen: v7x
topology: tpu7x:2x2x1
jax: 0.10.2.dev20260603
libtpu: 0.0.44.dev20260713+nightly
codegen_flags: <defaults>
</compile_context>

<pallas_src>
import functools

import numpy as np
import jax
import jax.numpy as jnp
from jax import lax
from jax.experimental import pallas as pl
from jax.experimental.pallas import tpu as pltpu
from jax.experimental.pallas import tpu_sc as plsc

NBINS = 128
EDIM = 64
HD = 512
NV, NF, NE = 25000, 50000, 150000

BLK = 512
NFP = 50176
NFPM = NFP + BLK
NEP = 150016
FPT = NFP // 32
EPT = NEP // 16
MW = 640
WIN = 64
SUPER = 16 * WIN
NSC = (NFP + 2 * SUPER - 1) // (2 * SUPER)
NSUP = NFP // SUPER
PIECE0 = 512
LCAP = (EPT + PIECE0 - 1) // PIECE0 * PIECE0 + PIECE0
RND = 32
BIGD = 1 << 22

_cg = np.cos(np.arange(1, 128) * np.pi / 128.0)
_THRA = np.concatenate([[3.0, 1.5], _cg]).astype(np.float32)[None]
_THRB = np.concatenate([[1.5], _cg, [-3.0]]).astype(np.float32)[None]
_IOTA129 = np.arange(129, dtype=np.float32)[None]
_EYE16 = np.eye(16, dtype=np.float32)


def _sc_face_gather_body(verts_hbm, faces_hbm, fm_hbm, fct_hbm, vl, fl, ol):
    c = lax.axis_index("c")
    s = lax.axis_index("s")
    wid = c * 16 + s
    base = wid * FPT
    pltpu.sync_copy(verts_hbm, vl)
    pltpu.sync_copy(faces_hbm.at[pl.ds(base * 3, FPT * 3)], fl)
    pltpu.sync_copy(fm_hbm.at[pl.ds(base, FPT)], ol.at[pl.ds(9 * FPT, FPT)])

    zz = jnp.zeros((16,), jnp.float32)

    def step(k, carry):
        p0 = k * 16
        fid3 = (p0 + lax.iota(jnp.int32, 16)) * 3
        for v in range(3):
            vidx = plsc.load_gather(fl, [fid3 + v])
            vp = vidx * 3
            for cc in range(3):
                ol[pl.ds((3 * v + cc) * FPT + p0, 16)] = (
                    plsc.load_gather(vl, [vp + cc]))
        for r in range(10, 16):
            ol[pl.ds(r * FPT + p0, 16)] = zz
        return carry

    lax.fori_loop(0, FPT // 16, step, 0)
    for r in range(16):
        pltpu.sync_copy(ol.at[pl.ds(r * FPT, FPT)],
                        fct_hbm.at[pl.ds(r * NFP + base, FPT)])


def _sc_face_gather(verts_flat, faces_flat, fm_f):
    mesh = plsc.VectorSubcoreMesh(core_axis_name="c", subcore_axis_name="s")
    f = pl.kernel(
        _sc_face_gather_body,
        out_type=jax.ShapeDtypeStruct((16 * NFP,), jnp.float32),
        mesh=mesh,
        scratch_types=[
            pltpu.VMEM((NV * 3,), jnp.float32),
            pltpu.VMEM((FPT * 3,), jnp.int32),
            pltpu.VMEM((16 * FPT,), jnp.float32),
        ],
        compiler_params=pltpu.CompilerParams(needs_layout_passes=False),
    )
    return f(verts_flat, faces_flat, fm_f).reshape(16, NFP)


def _tc_face_embed_body(fct_ref, thra_ref, thrb_ref, ev_ref, ea_ref, en_ref,
                        er_ref, pw_ref, pb_ref, sw_ref, sb_ref, h_ref, m_ref):
    f = fct_ref[...]
    v0, v1, v2 = f[0:3], f[3:6], f[6:9]
    fm = f[9:10]
    eps = 1e-8

    def _cos(a, b, c):
        e1 = b - a
        e2 = c - a
        num = jnp.sum(e1 * e2, axis=0, keepdims=True)
        n1 = jnp.sqrt(jnp.sum(e1 * e1, axis=0, keepdims=True))
        n2 = jnp.sqrt(jnp.sum(e2 * e2, axis=0, keepdims=True))
        return num / (n1 * n2 + eps)

    cs = jnp.concatenate(
        [_cos(v0, v1, v2), _cos(v1, v2, v0), _cos(v2, v0, v1)], axis=0)
    u = v1 - v0
    w = v2 - v0
    crs = jnp.concatenate([
        u[1:2] * w[2:3] - u[2:3] * w[1:2],
        u[2:3] * w[0:1] - u[0:1] * w[2:3],
        u[0:1] * w[1:2] - u[1:2] * w[0:1],
    ], axis=0)
    cn = jnp.sqrt(jnp.sum(crs * crs, axis=0, keepdims=True))
    area = 0.5 * cn
    normal = crs / (cn + eps)

    def q(x, hi, lo):
        t = (x - lo) * (float(NBINS) / (hi - lo))
        return jnp.clip(jnp.floor(t), 0.0, float(NBINS - 1)) + 1.0

    bv = q(f[0:9], 1.0, 0.0) * fm
    bn = q(normal, 1.0, -1.0) * fm
    br = q(area, 0.5, 0.0) * fm
    cs = jnp.where(fm > 0.5, cs, 2.0)
    t16 = jnp.concatenate([bv, bn, br, cs], axis=0)
    eye = (lax.broadcasted_iota(jnp.int32, (16, 16), 0)
           == lax.broadcasted_iota(jnp.int32, (16, 16), 1)).astype(jnp.float32)
    tt = lax.dot_general(t16, eye, (((0,), (0,)), ((), ())),
                         preferred_element_type=jnp.float32,
                         precision=lax.Precision.HIGHEST)

    iota = lax.broadcasted_iota(
        jnp.int32, (1, NBINS + 1), 1).astype(jnp.float32)
    thra = thra_ref[...]
    thrb = thrb_ref[...]

    def onehot_eq(col):
        return (col == iota).astype(jnp.float32)

    pieces = []
    ev = ev_ref[...]
    for r in range(9):
        pieces.append(jnp.dot(onehot_eq(tt[:, r:r + 1]), ev,
                              preferred_element_type=jnp.float32, precision=lax.Precision.HIGHEST))
    ea = ea_ref[...]
    for a in range(3):
        col = tt[:, 13 + a:14 + a]
        oh = ((col <= thra).astype(jnp.float32)
              - (col <= thrb).astype(jnp.float32))
        pieces.append(jnp.dot(oh, ea, preferred_element_type=jnp.float32, precision=lax.Precision.HIGHEST))
    en = en_ref[...]
    for n in range(3):
        pieces.append(jnp.dot(onehot_eq(tt[:, 9 + n:10 + n]), en,
                              preferred_element_type=jnp.float32, precision=lax.Precision.HIGHEST))
    er = er_ref[...]
    pieces.append(jnp.dot(onehot_eq(tt[:, 12:13]), er,
                          preferred_element_type=jnp.float32, precision=lax.Precision.HIGHEST))
    feats = jnp.concatenate(pieces, axis=1)

    x = jax.nn.gelu(jnp.dot(feats, pw_ref[...],
                            preferred_element_type=jnp.float32, precision=lax.Precision.HIGHEST) + pb_ref[...])
    msg = jnp.maximum(
        jnp.dot(x, sw_ref[...], preferred_element_type=jnp.float32, precision=lax.Precision.HIGHEST)
        + sb_ref[...], 0.0)
    valid = (pl.program_id(0) < NFP // BLK).astype(jnp.float32)
    h_ref[...] = x * valid
    m_ref[...] = jnp.concatenate(
        [msg, jnp.ones((BLK, MW - HD), jnp.float32)], axis=1) * valid


def _tc_face_embed(fct, ev, ea, en, er, pw, pb, sw, sb):
    grid = (NFPM // BLK,)
    tbl = pl.BlockSpec((NBINS + 1, EDIM), lambda i: (0, 0))
    return pl.pallas_call(
        _tc_face_embed_body,
        grid=grid,
        in_specs=[
            pl.BlockSpec((16, BLK),
                         lambda i: (0, jnp.minimum(i, NFP // BLK - 1))),
            pl.BlockSpec((1, NBINS + 1), lambda i: (0, 0)),
            pl.BlockSpec((1, NBINS + 1), lambda i: (0, 0)),
            tbl, tbl, tbl, tbl,
            pl.BlockSpec((16 * EDIM, HD), lambda i: (0, 0)),
            pl.BlockSpec((1, HD), lambda i: (0, 0)),
            pl.BlockSpec((HD, HD), lambda i: (0, 0)),
            pl.BlockSpec((1, HD), lambda i: (0, 0)),
        ],
        out_specs=[
            pl.BlockSpec((BLK, HD), lambda i: (i, 0)),
            pl.BlockSpec((BLK, MW), lambda i: (i, 0)),
        ],
        out_shape=[
            jax.ShapeDtypeStruct((NFPM, HD), jnp.float32),
            jax.ShapeDtypeStruct((NFPM, MW), jnp.float32),
        ],
    )(fct, jnp.asarray(_THRA), jnp.asarray(_THRB), ev, ea, en, er, pw, pb,
      sw, sb)


PIECE = 512


def _sc_aggregate_body(m_hbm, src_hbm, dst_hbm, z_hbm,
                       agg_hbm,
                       src_l, dst_l, sel_s, sel_o, lb_s, lb_o, st_s, st_o,
                       roundb, slot, acc, cv, ixb, lsp_s, lsp_o, csp, sem):
    c = lax.axis_index("c")
    s = lax.axis_index("s")
    ebase = s * EPT
    pltpu.sync_copy(src_hbm.at[pl.ds(ebase, EPT)], src_l)
    pltpu.sync_copy(dst_hbm.at[pl.ds(ebase, EPT)], dst_l)

    zz = lax.iota(jnp.int32, 16) * 0
    lane0 = lax.iota(jnp.int32, 16) == 0

    def pass_body(p, pcarry):
        sc_idx = 2 * p + c
        lo = sc_idx * SUPER

        @pl.when(sc_idx < NSUP)
        def _phase1():
            def scan_step(k, cur):
                p0 = k * 16
                d = dst_l[pl.ds(p0, 16)]
                sv = src_l[pl.ds(p0, 16)]
                msk = (d >= lo) & (d < lo + SUPER)
                plsc.store_compressed(sel_s.at[pl.ds(cur, 16)], sv, mask=msk)
                plsc.store_compressed(sel_o.at[pl.ds(cur, 16)], d - lo,
                                      mask=msk)
                return cur + plsc.all_reduce_population_count(msk)[0]

            nsel = lax.fori_loop(0, EPT // 16, scan_step, jnp.int32(0))

            def pub_step(j, carry):
                pltpu.sync_copy(sel_s.at[pl.ds(j * PIECE, PIECE)],
                                lsp_s.at[pl.ds(s * LCAP + j * PIECE, PIECE)])
                pltpu.sync_copy(sel_o.at[pl.ds(j * PIECE, PIECE)],
                                lsp_o.at[pl.ds(s * LCAP + j * PIECE, PIECE)])
                return carry

            lax.fori_loop(0, (nsel + PIECE - 1) // PIECE, pub_step, 0)
            cv[pl.ds(0, 16)] = zz + nsel
            pltpu.sync_copy(cv, csp.at[pl.ds(s * 16, 16)])


        plsc.subcore_barrier()

        @pl.when(sc_idx < NSUP)
        def _phase2():
            for j in range(8):
                pltpu.sync_copy(z_hbm, acc.at[pl.ds(j * 8, 8)])
            for j in range(RND * WIN // 16):
                roundb[pl.ds(j * 16, 16)] = zz + NFP
            for j in range(WIN // 16):
                slot[pl.ds(j * 16, 16)] = zz
            wlo = s * WIN

            def flush_all():
                @pl.loop(0, RND)
                def _rnd(rr):
                    for j4 in range(WIN // 16):
                        ixb[pl.ds(j4 * 16, 16)] = (
                            roundb[pl.ds(rr * WIN + j4 * 16, 16)])
                    pltpu.async_copy(m_hbm.at[ixb], acc, sem,
                                     add=True).wait()
                for j2 in range(RND * WIN // 16):
                    roundb[pl.ds(j2 * 16, 16)] = zz + NFP
                for j2 in range(WIN // 16):
                    slot[pl.ds(j2 * 16, 16)] = zz

            def list_body(k, mrk):
                lst = (s + k) & 15
                pltpu.sync_copy(csp.at[pl.ds(lst * 16, 16)], cv)
                cl = cv[pl.ds(0, 16)][0]

                def piece_body(j, mr):
                    pltpu.sync_copy(
                        lsp_s.at[pl.ds(lst * LCAP + j * PIECE, PIECE)], lb_s)
                    pltpu.sync_copy(
                        lsp_o.at[pl.ds(lst * LCAP + j * PIECE, PIECE)], lb_o)

                    def it_body(i, mr2):
                        b0 = i * 16
                        gidx = j * PIECE + b0 + lax.iota(jnp.int32, 16)
                        ov = lb_o[pl.ds(b0, 16)]
                        sv = lb_s[pl.ds(b0, 16)]
                        msk = (gidx < cl) & (ov >= wlo) & (ov < wlo + WIN)
                        plsc.store_compressed(st_o.at[pl.ds(0, 16)],
                                              ov - wlo, mask=msk)
                        plsc.store_compressed(st_s.at[pl.ds(0, 16)], sv,
                                              mask=msk)
                        n = plsc.all_reduce_population_count(msk)[0]

                        def slot_step(e, mr3):
                            ev = zz + e
                            offv = plsc.load_gather(st_o, [ev])
                            valv = plsc.load_gather(st_s, [ev])
                            rv = plsc.load_gather(slot, [offv])

                            @pl.when(rv[0] >= RND)
                            def _fl():
                                flush_all()

                            r2v = plsc.load_gather(slot, [offv])
                            plsc.store_scatter(roundb, [r2v * WIN + offv],
                                               valv, mask=lane0)
                            plsc.store_scatter(slot, [offv], r2v + 1,
                                               mask=lane0)
                            return jnp.maximum(mr3, r2v[0] + 1)

                        return lax.fori_loop(0, n, slot_step, mr2)

                    return lax.fori_loop(0, PIECE // 16, it_body, mr)

                return lax.fori_loop(0, (cl + PIECE - 1) // PIECE,
                                     piece_body, mrk)

            maxr = lax.fori_loop(0, 16, list_body, jnp.int32(0))

            @pl.loop(0, RND)
            def _final(rr):
                for j4 in range(WIN // 16):
                    ixb[pl.ds(j4 * 16, 16)] = (
                        roundb[pl.ds(rr * WIN + j4 * 16, 16)])
                pltpu.async_copy(m_hbm.at[ixb], acc, sem, add=True).wait()

            pltpu.sync_copy(acc, agg_hbm.at[pl.ds(lo + wlo, WIN)])


        plsc.subcore_barrier()
        return pcarry

    lax.fori_loop(0, NSC, pass_body, 0)


def _sc_aggregate(m, srcp, dstp):
    mesh = plsc.VectorSubcoreMesh(core_axis_name="c", subcore_axis_name="s")
    z = jnp.zeros((8, MW), jnp.float32)
    f = pl.kernel(
        _sc_aggregate_body,
        out_type=jax.ShapeDtypeStruct((NFP, MW), jnp.float32),
        mesh=mesh,
        scratch_types=[
            pltpu.VMEM((EPT,), jnp.int32),
            pltpu.VMEM((EPT,), jnp.int32),
            pltpu.VMEM((LCAP,), jnp.int32),
            pltpu.VMEM((LCAP,), jnp.int32),
            pltpu.VMEM((PIECE,), jnp.int32),
            pltpu.VMEM((PIECE,), jnp.int32),
            pltpu.VMEM((16,), jnp.int32),
            pltpu.VMEM((16,), jnp.int32),
            pltpu.VMEM((RND * WIN,), jnp.int32),
            pltpu.VMEM((WIN,), jnp.int32),
            pltpu.VMEM((WIN, MW), jnp.float32),
            pltpu.VMEM((16,), jnp.int32),
            pltpu.VMEM((WIN,), jnp.int32),
            pltpu.VMEM_SHARED((16 * LCAP,), jnp.int32),
            pltpu.VMEM_SHARED((16 * LCAP,), jnp.int32),
            pltpu.VMEM_SHARED((256,), jnp.int32),
            pltpu.SemaphoreType.DMA,
        ],
        compiler_params=pltpu.CompilerParams(needs_layout_passes=False),
    )
    return f(m, srcp, dstp, z)


def _tc_finish_body(agg_ref, h_ref, fm_ref, wl_ref, bl_ref, wr_ref,
                    g_ref, b_ref, o_ref):
    aggw = agg_ref[...]
    agg = aggw[:, :HD]
    cnt = aggw[:, HD:HD + 1]
    h = h_ref[...]
    mean = agg / jnp.maximum(cnt, 1.0)
    out = (jnp.dot(mean, wl_ref[...], preferred_element_type=jnp.float32, precision=lax.Precision.HIGHEST)
           + bl_ref[...]
           + jnp.dot(h, wr_ref[...], preferred_element_type=jnp.float32, precision=lax.Precision.HIGHEST))
    nrm = jnp.sqrt(jnp.sum(out * out, axis=1, keepdims=True))
    out = out / jnp.maximum(nrm, 1e-12)
    out = jax.nn.gelu(out)
    mu = jnp.mean(out, axis=1, keepdims=True)
    var = jnp.mean((out - mu) ** 2, axis=1, keepdims=True)
    out = (out - mu) * lax.rsqrt(var + 1e-5) * g_ref[...] + b_ref[...]
    o_ref[...] = out * fm_ref[...]


def _tc_finish(agg, h, fm_col, wl, bl, wr, g, b):
    grid = (NFP // BLK,)
    return pl.pallas_call(
        _tc_finish_body,
        grid=grid,
        in_specs=[
            pl.BlockSpec((BLK, MW), lambda i: (i, 0)),
            pl.BlockSpec((BLK, HD), lambda i: (i, 0)),
            pl.BlockSpec((BLK, 1), lambda i: (i, 0)),
            pl.BlockSpec((HD, HD), lambda i: (0, 0)),
            pl.BlockSpec((1, HD), lambda i: (0, 0)),
            pl.BlockSpec((HD, HD), lambda i: (0, 0)),
            pl.BlockSpec((1, HD), lambda i: (0, 0)),
            pl.BlockSpec((1, HD), lambda i: (0, 0)),
        ],
        out_specs=pl.BlockSpec((BLK, HD), lambda i: (i, 0)),
        out_shape=jax.ShapeDtypeStruct((NFP, HD), jnp.float32),
    )(agg, h, fm_col, wl, bl, wr, g, b)


@jax.jit
def kernel(vertices, faces, edges, face_masks, edge_masks, embed_vertex,
           embed_angle, embed_norm, embed_area, proj_W, proj_b, sage_proj_W,
           sage_proj_b, sage_Wl, sage_bl, sage_Wr, ln_gamma, ln_beta):
    b = vertices.shape[0]
    nf = faces.shape[1]
    verts_flat = vertices.reshape(-1)
    faces_flat = jnp.pad(faces.reshape(-1).astype(jnp.int32),
                         (0, 3 * (NFP - nf)))
    fm_f = jnp.pad(face_masks.reshape(-1).astype(jnp.float32), (0, NFP - nf))

    src = edges[0, :, 0].astype(jnp.int32)
    dst = edges[0, :, 1].astype(jnp.int32)
    em = edge_masks.reshape(-1)
    dstm = jnp.where(em, dst, jnp.int32(BIGD))
    srcp = jnp.pad(src, (0, NEP - NE))
    dstp = jnp.pad(dstm, (0, NEP - NE), constant_values=BIGD)

    fct = _sc_face_gather(verts_flat, faces_flat, fm_f)
    h, m = _tc_face_embed(fct, embed_vertex, embed_angle, embed_norm,
                          embed_area, proj_W, proj_b.reshape(1, HD),
                          sage_proj_W, sage_proj_b.reshape(1, HD))
    sel = dstp < NFP
    w = sel.astype(jnp.float32)
    d = jnp.where(sel, dstp, NFP)
    agg = jax.ops.segment_sum(m[srcp] * w[:, None], d,
                              num_segments=NFP + 1)[:NFP]
    out = _tc_finish(agg, h, fm_f.reshape(NFP, 1), sage_Wl,
                     sage_bl.reshape(1, HD), sage_Wr, ln_gamma.reshape(1, HD),
                     ln_beta.reshape(1, HD))
    return out[:nf].reshape(b, nf, HD)

# --- scband reference (transcript-rebuilt; emitter-appended) ---
"""Pipeline reference for scband-mesh-aeface-embedding-10075993276419 (READ-ONLY COPY).

The authoritative reference and input builder live on the scoring server;
editing this copy changes nothing except your own understanding.
"""

import jax, jax.numpy as jnp
import numpy as np

NBINS = 128
EDIM = 64
H = 512
B, NV, NF, NE = 1, 25000, 50000, 150000


def quantize(x, high, low, nbins=NBINS):
    t = (x - low) / (high - low)
    return jnp.clip(jnp.floor(t * nbins), 0, nbins - 1).astype(jnp.int32) + 1


def setup_inputs(seed: int = 0) -> dict:
    key = jax.random.key(seed)
    ks = jax.random.split(key, 16)
    inp = {}
    inp['vertices'] = jax.random.uniform(ks[0], (B, NV, 3), dtype=jnp.float32)
    inp['faces'] = jax.random.randint(ks[1], (B, NF, 3), 0, NV)
    inp['edges'] = jax.random.randint(ks[2], (B, NE, 2), 0, NF)
    inp['face_masks'] = jnp.ones((B, NF), dtype=bool)
    inp['edge_masks'] = jnp.ones((B, NE), dtype=bool)
    for i, nm in enumerate(['embed_vertex', 'embed_angle', 'embed_norm', 'embed_area']):
        t = jax.random.normal(ks[3 + i], (NBINS + 1, EDIM), dtype=jnp.float32) * 0.02
        inp[nm] = t.at[0].set(0.0)  # padding_idx=0
    inp['proj_W'] = jax.random.normal(ks[7], (16 * EDIM, H), dtype=jnp.float32) * 0.02
    inp['proj_b'] = jnp.zeros((H,), jnp.float32)
    inp['sage_proj_W'] = jax.random.normal(ks[8], (H, H), dtype=jnp.float32) * 0.02
    inp['sage_proj_b'] = jnp.zeros((H,), jnp.float32)
    inp['sage_Wl'] = jax.random.normal(ks[9], (H, H), dtype=jnp.float32) * 0.02
    inp['sage_bl'] = jnp.zeros((H,), jnp.float32)
    inp['sage_Wr'] = jax.random.normal(ks[10], (H, H), dtype=jnp.float32) * 0.02
    inp['ln_gamma'] = jnp.ones((H,), jnp.float32)
    inp['ln_beta'] = jnp.zeros((H,), jnp.float32)
    return inp


def reference(vertices, faces, edges, face_masks, edge_masks, embed_vertex, embed_angle, embed_norm, embed_area, proj_W, proj_b, sage_proj_W, sage_proj_b, sage_Wl, sage_bl, sage_Wr, ln_gamma, ln_beta):
    b, nf = faces.shape[0], faces.shape[1]
    eps = 1e-8
    # gather face coordinates: [b, nf, 3, 3]
    fc = jax.vmap(lambda v, f: v[f])(vertices, faces)
    v0, v1, v2 = fc[:, :, 0, :], fc[:, :, 1, :], fc[:, :, 2, :]

    def angle(a, c, d):
        e1 = c - a
        e2 = d - a
        cosang = jnp.sum(e1 * e2, -1) / (jnp.linalg.norm(e1, axis=-1) * jnp.linalg.norm(e2, axis=-1) + eps)
        return jnp.arccos(jnp.clip(cosang, -1.0 + 1e-7, 1.0 - 1e-7))

    angles = jnp.stack([angle(v0, v1, v2), angle(v1, v2, v0), angle(v2, v0, v1)], -1)
    crs = jnp.cross(v1 - v0, v2 - v0)
    cn = jnp.linalg.norm(crs, axis=-1)
    area = 0.5 * cn
    normal = crs / (cn[..., None] + eps)
    # quantize per feature config (bin 0 reserved for padding)
    vi = quantize(fc.reshape(b, nf, 9), 1.0, 0.0)
    ai = quantize(angles, np.pi, 0.0)
    ni = quantize(normal, 1.0, -1.0)
    ri = quantize(area[..., None], 0.5, 0.0)
    fm = face_masks[..., None]
    vi = jnp.where(fm, vi, 0)
    ai = jnp.where(fm, ai, 0)
    ni = jnp.where(fm, ni, 0)
    ri = jnp.where(fm, ri, 0)
    ev = embed_vertex[vi].reshape(b, nf, -1)
    ea = embed_angle[ai].reshape(b, nf, -1)
    en = embed_norm[ni].reshape(b, nf, -1)
    er = embed_area[ri].reshape(b, nf, -1)
    feats = jnp.concatenate([ev, ea, en, er], -1)
    x = jax.nn.gelu(feats @ proj_W + proj_b)
    hs = x.shape[-1]
    h = x.reshape(b * nf, hs)
    offs = (jnp.arange(b) * nf)[:, None]
    src = (edges[..., 0] + offs).reshape(-1)
    dst = (edges[..., 1] + offs).reshape(-1)
    em = edge_masks.reshape(-1).astype(x.dtype)
    # SAGEConv(project=True, normalize=True): mean aggregation
    msg = jax.nn.relu(h[src] @ sage_proj_W + sage_proj_b) * em[:, None]
    agg = jax.ops.segment_sum(msg, dst, num_segments=b * nf)
    cnt = jax.ops.segment_sum(em, dst, num_segments=b * nf)
    mean = agg / jnp.maximum(cnt, 1.0)[:, None]
    out = mean @ sage_Wl + sage_bl + h @ sage_Wr
    out = out / jnp.maximum(jnp.linalg.norm(out, axis=-1, keepdims=True), 1e-12)
    out = jax.nn.gelu(out)
    mu = out.mean(-1, keepdims=True)
    var = ((out - mu) ** 2).mean(-1, keepdims=True)
    out = (out - mu) / jnp.sqrt(var + 1e-5) * ln_gamma + ln_beta
    out = out * face_masks.reshape(-1, 1).astype(out.dtype)
    return out.reshape(b, nf, hs)

if __name__ == "__main__":
    import jax
    _d = setup_inputs()
    print(jax.jit(kernel)(*tuple(_d.values())))

</pallas_src>

<mosaic_0001>
#map = affine_map<(d0, d1) -> (0)>
module attributes {stable_mosaic.version = 14 : i64} {
  func.func @_sc_face_gather_body(%arg0: i32, %arg1: i32, %arg2: memref<75000xf32, #tpu.memory_space<hbm>>, %arg3: memref<150528xi32, #tpu.memory_space<hbm>>, %arg4: memref<50176xf32, #tpu.memory_space<hbm>>, %arg5: memref<802816xf32, #tpu.memory_space<hbm>>, %arg6: memref<75000xf32, #tpu.memory_space<vmem>>, %arg7: memref<4704xi32, #tpu.memory_space<vmem>>, %arg8: memref<25088xf32, #tpu.memory_space<vmem>>) attributes {dimension_semantics = [#tpu.dimension_semantics<core_parallel>, #tpu.dimension_semantics<subcore_parallel>], iteration_bounds = array<i64: 2, 16>, scalar_prefetch = 0 : i64, scratch_operands = 3 : i64, tpu.core_type = #tpu.core_type<sc_vector_subcore>, window_params = [{transform_indices = #map}, {transform_indices = #map}, {transform_indices = #map}, {transform_indices = #map}]} {
    %mul3A = arith.constant 16 : i32
    %mul3A_0 = arith.muli %arg0, %mul3A : i32
    %add3A = arith.addi %mul3A_0, %arg1 : i32
    %mul3A_1 = arith.constant 1568 : i32
    %mul3A_2 = arith.muli %add3A, %mul3A_1 : i32
    "tpu.region"() ({
      %run_scoped3A = tpu.sem_alloc : memref<!tpu.dma_semaphore, #tpu.memory_space<semaphore_mem>>
      tpu.enqueue_dma source(%arg2 : memref<75000xf32, #tpu.memory_space<hbm>>) target(%arg6 : memref<75000xf32, #tpu.memory_space<vmem>>) target_semaphore(%run_scoped3A : memref<!tpu.dma_semaphore, #tpu.memory_space<semaphore_mem>>)
      tpu.wait_dma2 semaphore(%run_scoped3A : memref<!tpu.dma_semaphore, #tpu.memory_space<semaphore_mem>>) src(%arg2 : memref<75000xf32, #tpu.memory_space<hbm>>) dst(%arg6 : memref<75000xf32, #tpu.memory_space<vmem>>)
      tpu.yield
    }) : () -> ()
    %mul3A_3 = arith.constant 3 : i32
    %mul3A_4 = arith.muli %mul3A_2, %mul3A_3 : i32
    "tpu.region"() ({
      %run_scoped3A = tpu.sem_alloc : memref<!tpu.dma_semaphore, #tpu.memory_space<semaphore_mem>>
      %dma_start3A = tpu.memref_slice %arg3[%mul3A_4] : memref<150528xi32, #tpu.memory_space<hbm>> -> memref<4704xi32, #tpu.memory_space<hbm>>
      %dma_start3A_43 = tpu.memref_slice %arg3[%mul3A_4] : memref<150528xi32, #tpu.memory_space<hbm>> -> memref<4704xi32, #tpu.memory_space<hbm>>
      tpu.enqueue_dma source(%dma_start3A_43 : memref<4704xi32, #tpu.memory_space<hbm>>) target(%arg7 : memref<4704xi32, #tpu.memory_space<vmem>>) target_semaphore(%run_scoped3A : memref<!tpu.dma_semaphore, #tpu.memory_space<semaphore_mem>>)
      %dma_wait3A = tpu.memref_slice %arg3[%mul3A_4] : memref<150528xi32, #tpu.memory_space<hbm>> -> memref<4704xi32, #tpu.memory_space<hbm>>
      %dma_wait3A_44 = tpu.memref_slice %arg3[%mul3A_4] : memref<150528xi32, #tpu.memory_space<hbm>> -> memref<4704xi32, #tpu.memory_space<hbm>>
      tpu.wait_dma2 semaphore(%run_scoped3A : memref<!tpu.dma_semaphore, #tpu.memory_space<semaphore_mem>>) src(%dma_wait3A_44 : memref<4704xi32, #tpu.memory_space<hbm>>) dst(%arg7 : memref<4704xi32, #tpu.memory_space<vmem>>)
      tpu.yield
    }) : () -> ()
    "tpu.region"() ({
      %run_scoped3A = tpu.sem_alloc : memref<!tpu.dma_semaphore, #tpu.memory_space<semaphore_mem>>
      %dma_start3A = arith.constant 14112 : i32
      %dma_start3A_43 = tpu.memref_slice %arg8[%dma_start3A] : memref<25088xf32, #tpu.memory_space<vmem>> -> memref<1568xf32, #tpu.memory_space<vmem>>
      %dma_start3A_44 = tpu.memref_slice %arg4[%mul3A_2] : memref<50176xf32, #tpu.memory_space<hbm>> -> memref<1568xf32, #tpu.memory_space<hbm>>
      %dma_start3A_45 = arith.constant 14112 : i32
      %dma_start3A_46 = tpu.memref_slice %arg8[%dma_start3A_45] : memref<25088xf32, #tpu.memory_space<vmem>> -> memref<1568xf32, #tpu.memory_space<vmem>>
      %dma_start3A_47 = tpu.memref_slice %arg4[%mul3A_2] : memref<50176xf32, #tpu.memory_space<hbm>> -> memref<1568xf32, #tpu.memory_space<hbm>>
      tpu.enqueue_dma source(%dma_start3A_47 : memref<1568xf32, #tpu.memory_space<hbm>>) target(%dma_start3A_46 : memref<1568xf32, #tpu.memory_space<vmem>>) target_semaphore(%run_scoped3A : memref<!tpu.dma_semaphore, #tpu.memory_space<semaphore_mem>>)
      %dma_wait3A = arith.constant 14112 : i32
      %dma_wait3A_48 = tpu.memref_slice %arg8[%dma_wait3A] : memref<25088xf32, #tpu.memory_space<vmem>> -> memref<1568xf32, #tpu.memory_space<vmem>>
      %dma_wait3A_49 = tpu.memref_slice %arg4[%mul3A_2] : memref<50176xf32, #tpu.memory_space<hbm>> -> memref<1568xf32, #tpu.memory_space<hbm>>
      %dma_wait3A_50 = arith.constant 14112 : i32
      %dma_wait3A_51 = tpu.memref_slice %arg8[%dma_wait3A_50] : memref<25088xf32, #tpu.memory_space<vmem>> -> memref<1568xf32, #tpu.memory_space<vmem>>
      %dma_wait3A_52 = tpu.memref_slice %arg4[%mul3A_2] : memref<50176xf32, #tpu.memory_space<hbm>> -> memref<1568xf32, #tpu.memory_space<hbm>>
      tpu.wait_dma2 semaphore(%run_scoped3A : memref<!tpu.dma_semaphore, #tpu.memory_space<semaphore_mem>>) src(%dma_wait3A_52 : memref<1568xf32, #tpu.memory_space<hbm>>) dst(%dma_wait3A_51 : memref<1568xf32, #tpu.memory_space<vmem>>)
      tpu.yield
    }) : () -> ()
    %broadcast_in_dim3A = arith.constant 0.000000e+00 : f32
    %broadcast_in_dim3A_5 = vector.broadcast %broadcast_in_dim3A : f32 to vector<16xf32>
    %scan3A = arith.constant 0 : i32
    %scan3A_6 = arith.constant 0 : i32
    %scan3A_7 = arith.constant 98 : i32
    %scan3A_8 = arith.addi %scan3A_6, %scan3A_7 : i32
    %scan3A_9 = arith.constant 1 : i32
    scf.for %scan3A_43 = %scan3A_6 to %scan3A_8 step %scan3A_9  : i32 {
      %mul3A_44 = arith.constant 16 : i32
      %mul3A_45 = arith.muli %scan3A_43, %mul3A_44 : i32
      %iota3A = tpu.iota {dimensions = array<i32: 0>} : vector<16xi32>
      %add3A_46 = vector.broadcast %mul3A_45 : i32 to vector<16xi32>
      %add3A_47 = arith.addi %add3A_46, %iota3A : vector<16xi32>
      %mul3A_48 = arith.constant 3 : i32
      %mul3A_49 = vector.broadcast %mul3A_48 : i32 to vector<16xi32>
      %mul3A_50 = arith.muli %add3A_47, %mul3A_49 : vector<16xi32>
      %add3A_51 = arith.constant 0 : i32
      %add3A_52 = vector.broadcast %add3A_51 : i32 to vector<16xi32>
      %add3A_53 = arith.addi %mul3A_50, %add3A_52 : vector<16xi32>
      %gather3A = tpu.vector_load_idx %arg7[%add3A_53] : memref<4704xi32, #tpu.memory_space<vmem>>[vector<16xi32>], vector<16xi32>,
      %mul3A_54 = arith.constant 3 : i32
      %mul3A_55 = vector.broadcast %mul3A_54 : i32 to vector<16xi32>
      %mul3A_56 = arith.muli %gather3A, %mul3A_55 : vector<16xi32>
      %add3A_57 = arith.constant 0 : i32
      %add3A_58 = vector.broadcast %add3A_57 : i32 to vector<16xi32>
      %add3A_59 = arith.addi %mul3A_56, %add3A_58 : vector<16xi32>
      %gather3A_60 = tpu.vector_load_idx %arg6[%add3A_59] : memref<75000xf32, #tpu.memory_space<vmem>>[vector<16xi32>], vector<16xf32>,
      %add3A_61 = arith.constant 0 : i32
      %add3A_62 = arith.addi %add3A_61, %mul3A_45 : i32
      %swap3A = arith.index_cast %add3A_62 : i32 to index
      %swap3A_63 = tpu.vector_load %arg8[%swap3A] {strides = array<i32>} : memref<25088xf32, #tpu.memory_space<vmem>>, vector<16xf32>,
      tpu.vector_store %arg8[%swap3A], %gather3A_60 {strides = array<i32>} : memref<25088xf32, #tpu.memory_space<vmem>>, vector<16xf32>,
      %add3A_64 = arith.constant 1 : i32
      %add3A_65 = vector.broadcast %add3A_64 : i32 to vector<16xi32>
      %add3A_66 = arith.addi %mul3A_56, %add3A_65 : vector<16xi32>
      %gather3A_67 = tpu.vector_load_idx %arg6[%add3A_66] : memref<75000xf32, #tpu.memory_space<vmem>>[vector<16xi32>], vector<16xf32>,
      %add3A_68 = arith.constant 1568 : i32
      %add3A_69 = arith.addi %add3A_68, %mul3A_45 : i32
      %swap3A_70 = arith.index_cast %add3A_69 : i32 to index
      %swap3A_71 = tpu.vector_load %arg8[%swap3A_70] {strides = array<i32>} : memref<25088xf32, #tpu.memory_space<vmem>>, vector<16xf32>,
      tpu.vector_store %arg8[%swap3A_70], %gather3A_67 {strides = array<i32>} : memref<25088xf32, #tpu.memory_space<vmem>>, vector<16xf32>,
      %add3A_72 = arith.constant 2 : i32
      %add3A_73 = vector.broadcast %add3A_72 : i32 to vector<16xi32>
      %add3A_74 = arith.addi %mul3A_56, %add3A_73 : vector<16xi32>
      %gather3A_75 = tpu.vector_load_idx %arg6[%add3A_74] : memref<75000xf32, #tpu.memory_space<vmem>>[vector<16xi32>], vector<16xf32>,
      %add3A_76 = arith.constant 3136 : i32
      %add3A_77 = arith.addi %add3A_76, %mul3A_45 : i32
      %swap3A_78 = arith.index_cast %add3A_77 : i32 to index
      %swap3A_79 = tpu.vector_load %arg8[%swap3A_78] {strides = array<i32>} : memref<25088xf32, #tpu.memory_space<vmem>>, vector<16xf32>,
      tpu.vector_store %arg8[%swap3A_78], %gather3A_75 {strides = array<i32>} : memref<25088xf32, #tpu.memory_space<vmem>>, vector<16xf32>,
      %add3A_80 = arith.constant 1 : i32
      %add3A_81 = vector.broadcast %add3A_80 : i32 to vector<16xi32>
      %add3A_82 = arith.addi %mul3A_50, %add3A_81 : vector<16xi32>
      %gather3A_83 = tpu.vector_load_idx %arg7[%add3A_82] : memref<4704xi32, #tpu.memory_space<vmem>>[vector<16xi32>], vector<16xi32>,
      %mul3A_84 = arith.constant 3 : i32
      %mul3A_85 = vector.broadcast %mul3A_84 : i32 to vector<16xi32>
      %mul3A_86 = arith.muli %gather3A_83, %mul3A_85 : vector<16xi32>
      %add3A_87 = arith.constant 0 : i32
      %add3A_88 = vector.broadcast %add3A_87 : i32 to vector<16xi32>
      %add3A_89 = arith.addi %mul3A_86, %add3A_88 : vector<16xi32>
      %gather3A_90 = tpu.vector_load_idx %arg6[%add3A_89] : memref<75000xf32, #tpu.memory_space<vmem>>[vector<16xi32>], vector<16xf32>,
      %add3A_91 = arith.constant 4704 : i32
      %add3A_92 = arith.addi %add3A_91, %mul3A_45 : i32
      %swap3A_93 = arith.index_cast %add3A_92 : i32 to index
      %swap3A_94 = tpu.vector_load %arg8[%swap3A_93] {strides = array<i32>} : memref<25088xf32, #tpu.memory_space<vmem>>, vector<16xf32>,
      tpu.vector_store %arg8[%swap3A_93], %gather3A_90 {strides = array<i32>} : memref<25088xf32, #tpu.memory_space<vmem>>, vector<16xf32>,
      %add3A_95 = arith.constant 1 : i32
      %add3A_96 = vector.broadcast %add3A_95 : i32 to vector<16xi32>
      %add3A_97 = arith.addi %mul3A_86, %add3A_96 : vector<16xi32>
      %gather3A_98 = tpu.vector_load_idx %arg6[%add3A_97] : memref<75000xf32, #tpu.memory_space<vmem>>[vector<16xi32>], vector<16xf32>,
      %add3A_99 = arith.constant 6272 : i32
      %add3A_100 = arith.addi %add3A_99, %mul3A_45 : i32
      %swap3A_101 = arith.index_cast %add3A_100 : i32 to index
      %swap3A_102 = tpu.vector_load %arg8[%swap3A_101] {strides = array<i32>} : memref<25088xf32, #tpu.memory_space<vmem>>, vector<16xf32>,
      tpu.vector_store %arg8[%swap3A_101], %gather3A_98 {strides = array<i32>} : memref<25088xf32, #tpu.memory_space<vmem>>, vector<16xf32>,
      %add3A_103 = arith.constant 2 : i32
      %add3A_104 = vector.broadcast %add3A_103 : i32 to vector<16xi32>
      %add3A_105 = arith.addi %mul3A_86, %add3A_104 : vector<16xi32>
      %gather3A_106 = tpu.vector_load_idx %arg6[%add3A_105] : memref<75000xf32, #tpu.memory_space<vmem>>[vector<16xi32>], vector<16xf32>,
      %add3A_107 = arith.constant 7840 : i32
      %add3A_108 = arith.addi %add3A_107, %mul3A_45 : i32
      %swap3A_109 = arith.index_cast %add3A_108 : i32 to index
      %swap3A_110 = tpu.vector_load %arg8[%swap3A_109] {strides = array<i32>} : memref<25088xf32, #tpu.memory_space<vmem>>, vector<16xf32>,
      tpu.vector_store %arg8[%swap3A_109], %gather3A_106 {strides = array<i32>} : memref<25088xf32, #tpu.memory_space<vmem>>, vector<16xf32>,
      %add3A_111 = arith.constant 2 : i32
      %add3A_112 = vector.broadcast %add3A_111 : i32 to vector<16xi32>
      %add3A_113 = arith.addi %mul3A_50, %add3A_112 : vector<16xi32>
      %gather3A_114 = tpu.vector_load_idx %arg7[%add3A_113] : memref<4704xi32, #tpu.memory_space<vmem>>[vector<16xi32>], vector<16xi32>,
      %mul3A_115 = arith.constant 3 : i32
      %mul3A_116 = vector.broadcast %mul3A_115 : i32 to vector<16xi32>
      %mul3A_117 = arith.muli %gather3A_114, %mul3A_116 : vector<16xi32>
      %add3A_118 = arith.constant 0 : i32
      %add3A_119 = vector.broadcast %add3A_118 : i32 to vector<16xi32>
      %add3A_120 = arith.addi %mul3A_117, %add3A_119 : vector<16xi32>
      %gather3A_121 = tpu.vector_load_idx %arg6[%add3A_120] : memref<75000xf32, #tpu.memory_space<vmem>>[vector<16xi32>], vector<16xf32>,
      %add3A_122 = arith.constant 9408 : i32
      %add3A_123 = arith.addi %add3A_122, %mul3A_45 : i32
      %swap3A_124 = arith.index_cast %add3A_123 : i32 to index
      %swap3A_125 = tpu.vector_load %arg8[%swap3A_124] {strides = array<i32>} : memref<25088xf32, #tpu.memory_space<vmem>>, vector<16xf32>,
      tpu.vector_store %arg8[%swap3A_124], %gather3A_121 {strides = array<i32>} : memref<25088xf32, #tpu.memory_space<vmem>>, vector<16xf32>,
      %add3A_126 = arith.constant 1 : i32
      %add3A_127 = vector.broadcast %add3A_126 : i32 to vector<16xi32>
      %add3A_128 = arith.addi %mul3A_117, %add3A_127 : vector<16xi32>
      %gather3A_129 = tpu.vector_load_idx %arg6[%add3A_128] : memref<75000xf32, #tpu.memory_space<vmem>>[vector<16xi32>], vector<16xf32>,
      %add3A_130 = arith.constant 10976 : i32
      %add3A_131 = arith.addi %add3A_130, %mul3A_45 : i32
      %swap3A_132 = arith.index_cast %add3A_131 : i32 to index
      %swap3A_133 = tpu.vector_load %arg8[%swap3A_132] {strides = array<i32>} : memref<25088xf32, #tpu.memory_space<vmem>>, vector<16xf32>,
      tpu.vector_store %arg8[%swap3A_132], %gather3A_129 {strides = array<i32>} : memref<25088xf32, #tpu.memory_space<vmem>>, vector<16xf32>,
      %add3A_134 = arith.constant 2 : i32
      %add3A_135 = vector.broadcast %add3A_134 : i32 to vector<16xi32>
      %add3A_136 = arith.addi %mul3A_117, %add3A_135 : vector<16xi32>
      %gather3A_137 = tpu.vector_load_idx %arg6[%add3A_136] : memref<75000xf32, #tpu.memory_space<vmem>>[vector<16xi32>], vector<16xf32>,
      %add3A_138 = arith.constant 12544 : i32
      %add3A_139 = arith.addi %add3A_138, %mul3A_45 : i32
      %swap3A_140 = arith.index_cast %add3A_139 : i32 to index
      %swap3A_141 = tpu.vector_load %arg8[%swap3A_140] {strides = array<i32>} : memref<25088xf32, #tpu.memory_space<vmem>>, vector<16xf32>,
      tpu.vector_store %arg8[%swap3A_140], %gather3A_137 {strides = array<i32>} : memref<25088xf32, #tpu.memory_space<vmem>>, vector<16xf32>,
      %add3A_142 = arith.constant 15680 : i32
      %add3A_143 = arith.addi %add3A_142, %mul3A_45 : i32
      %swap3A_144 = arith.index_cast %add3A_143 : i32 to index
      %swap3A_145 = tpu.vector_load %arg8[%swap3A_144] {strides = array<i32>} : memref<25088xf32, #tpu.memory_space<vmem>>, vector<16xf32>,
      tpu.vector_store %arg8[%swap3A_144], %broadcast_in_dim3A_5 {strides = array<i32>} : memref<25088xf32, #tpu.memory_space<vmem>>, vector<16xf32>,
      %add3A_146 = arith.constant 17248 : i32
      %add3A_147 = arith.addi %add3A_146, %mul3A_45 : i32
      %swap3A_148 = arith.index_cast %add3A_147 : i32 to index
      %swap3A_149 = tpu.vector_load %arg8[%swap3A_148] {strides = array<i32>} : memref<25088xf32, #tpu.memory_space<vmem>>, vector<16xf32>,
      tpu.vector_store %arg8[%swap3A_148], %broadcast_in_dim3A_5 {strides = array<i32>} : memref<25088xf32, #tpu.memory_space<vmem>>, vector<16xf32>,
      %add3A_150 = arith.constant 18816 : i32
      %add3A_151 = arith.addi %add3A_150, %mul3A_45 : i32
      %swap3A_152 = arith.index_cast %add3A_151 : i32 to index
      %swap3A_153 = tpu.vector_load %arg8[%swap3A_152] {strides = array<i32>} : memref<25088xf32, #tpu.memory_space<vmem>>, vector<16xf32>,
      tpu.vector_store %arg8[%swap3A_152], %broadcast_in_dim3A_5 {strides = array<i32>} : memref<25088xf32, #tpu.memory_space<vmem>>, vector<16xf32>,
      %add3A_154 = arith.constant 20384 : i32
      %add3A_155 = arith.addi %add3A_154, %mul3A_45 : i32
      %swap3A_156 = arith.index_cast %add3A_155 : i32 to index
      %swap3A_157 = tpu.vector_load %arg8[%swap3A_156] {strides = array<i32>} : memref<25088xf32, #tpu.memory_space<vmem>>, vector<16xf32>,
      tpu.vector_store %arg8[%swap3A_156], %broadcast_in_dim3A_5 {strides = array<i32>} : memref<25088xf32, #tpu.memory_space<vmem>>, vector<16xf32>,
      %add3A_158 = arith.constant 21952 : i32
      %add3A_159 = arith.addi %add3A_158, %mul3A_45 : i32
      %swap3A_160 = arith.index_cast %add3A_159 : i32 to index
      %swap3A_161 = tpu.vector_load %arg8[%swap3A_160] {strides = array<i32>} : memref<25088xf32, #tpu.memory_space<vmem>>, vector<16xf32>,
      tpu.vector_store %arg8[%swap3A_160], %broadcast_in_dim3A_5 {strides = array<i32>} : memref<25088xf32, #tpu.memory_space<vmem>>, vector<16xf32>,
      %add3A_162 = arith.constant 23520 : i32
      %add3A_163 = arith.addi %add3A_162, %mul3A_45 : i32
      %swap3A_164 = arith.index_cast %add3A_163 : i32 to index
      %swap3A_165 = tpu.vector_load %arg8[%swap3A_164] {strides = array<i32>} : memref<25088xf32, #tpu.memory_space<vmem>>, vector<16xf32>,
      tpu.vector_store %arg8[%swap3A_164], %broadcast_in_dim3A_5 {strides = array<i32>} : memref<25088xf32, #tpu.memory_space<vmem>>, vector<16xf32>,
    }
    %scan3A_10 = arith.constant 98 : i32
    %add3A_11 = arith.constant 0 : i32
    %add3A_12 = arith.addi %add3A_11, %mul3A_2 : i32
    "tpu.region"() ({
      %run_scoped3A = tpu.sem_alloc : memref<!tpu.dma_semaphore, #tpu.memory_space<semaphore_mem>>
      %dma_start3A = arith.constant 0 : i32
      %dma_start3A_43 = tpu.memref_slice %arg8[%dma_start3A] : memref<25088xf32, #tpu.memory_space<vmem>> -> memref<1568xf32, #tpu.memory_space<vmem>>
      %dma_start3A_44 = tpu.memref_slice %arg5[%add3A_12] : memref<802816xf32, #tpu.memory_space<hbm>> -> memref<1568xf32, #tpu.memory_space<hbm>>
      %dma_start3A_45 = tpu.memref_slice %arg5[%add3A_12] : memref<802816xf32, #tpu.memory_space<hbm>> -> memref<1568xf32, #tpu.memory_space<hbm>>
      %dma_start3A_46 = arith.constant 0 : i32
      %dma_start3A_47 = tpu.memref_slice %arg8[%dma_start3A_46] : memref<25088xf32, #tpu.memory_space<vmem>> -> memref<1568xf32, #tpu.memory_space<vmem>>
      tpu.enqueue_dma source(%dma_start3A_47 : memref<1568xf32, #tpu.memory_space<vmem>>) target(%dma_start3A_45 : memref<1568xf32, #tpu.memory_space<hbm>>) target_semaphore(%run_scoped3A : memref<!tpu.dma_semaphore, #tpu.memory_space<semaphore_mem>>)
      %dma_wait3A = arith.constant 0 : i32
      %dma_wait3A_48 = tpu.memref_slice %arg8[%dma_wait3A] : memref<25088xf32, #tpu.memory_space<vmem>> -> memref<1568xf32, #tpu.memory_space<vmem>>
      %dma_wait3A_49 = tpu.memref_slice %arg5[%add3A_12] : memref<802816xf32, #tpu.memory_space<hbm>> -> memref<1568xf32, #tpu.memory_space<hbm>>
      %dma_wait3A_50 = tpu.memref_slice %arg5[%add3A_12] : memref<802816xf32, #tpu.memory_space<hbm>> -> memref<1568xf32, #tpu.memory_space<hbm>>
      %dma_wait3A_51 = arith.constant 0 : i32
      %dma_wait3A_52 = tpu.memref_slice %arg8[%dma_wait3A_51] : memref<25088xf32, #tpu.memory_space<vmem>> -> memref<1568xf32, #tpu.memory_space<vmem>>
      tpu.wait_dma2 semaphore(%run_scoped3A : memref<!tpu.dma_semaphore, #tpu.memory_space<semaphore_mem>>) src(%dma_wait3A_52 : memref<1568xf32, #tpu.memory_space<vmem>>) dst(%dma_wait3A_50 : memref<1568xf32, #tpu.memory_space<hbm>>)
      tpu.yield
    }) : () -> ()
    %add3A_13 = arith.constant 50176 : i32
    %add3A_14 = arith.addi %add3A_13, %mul3A_2 : i32
    "tpu.region"() ({
      %run_scoped3A = tpu.sem_alloc : memref<!tpu.dma_semaphore, #tpu.memory_space<semaphore_mem>>
      %dma_start3A = arith.constant 1568 : i32
      %dma_start3A_43 = tpu.memref_slice %arg8[%dma_start3A] : memref<25088xf32, #tpu.memory_space<vmem>> -> memref<1568xf32, #tpu.memory_space<vmem>>
      %dma_start3A_44 = tpu.memref_slice %arg5[%add3A_14] : memref<802816xf32, #tpu.memory_space<hbm>> -> memref<1568xf32, #tpu.memory_space<hbm>>
      %dma_start3A_45 = tpu.memref_slice %arg5[%add3A_14] : memref<802816xf32, #tpu.memory_space<hbm>> -> memref<1568xf32, #tpu.memory_space<hbm>>
      %dma_start3A_46 = arith.constant 1568 : i32
      %dma_start3A_47 = tpu.memref_slice %arg8[%dma_start3A_46] : memref<25088xf32, #tpu.memory_space<vmem>> -> memref<1568xf32, #tpu.memory_space<vmem>>
      tpu.enqueue_dma source(%dma_start3A_47 : memref<1568xf32, #tpu.memory_space<vmem>>) target(%dma_start3A_45 : memref<1568xf32, #tpu.memory_space<hbm>>) target_semaphore(%run_scoped3A : memref<!tpu.dma_semaphore, #tpu.memory_space<semaphore_mem>>)
      %dma_wait3A = arith.constant 1568 : i32
      %dma_wait3A_48 = tpu.memref_slice %arg8[%dma_wait3A] : memref<25088xf32, #tpu.memory_space<vmem>> -> memref<1568xf32, #tpu.memory_space<vmem>>
      %dma_wait3A_49 = tpu.memref_slice %arg5[%add3A_14] : memref<802816xf32, #tpu.memory_space<hbm>> -> memref<1568xf32, #tpu.memory_space<hbm>>
      %dma_wait3A_50 = tpu.memref_slice %arg5[%add3A_14] : memref<802816xf32, #tpu.memory_space<hbm>> -> memref<1568xf32, #tpu.memory_space<hbm>>
      %dma_wait3A_51 = arith.constant 1568 : i32
      %dma_wait3A_52 = tpu.memref_slice %arg8[%dma_wait3A_51] : memref<25088xf32, #tpu.memory_space<vmem>> -> memref<1568xf32, #tpu.memory_space<vmem>>
      tpu.wait_dma2 semaphore(%run_scoped3A : memref<!tpu.dma_semaphore, #tpu.memory_space<semaphore_mem>>) src(%dma_wait3A_52 : memref<1568xf32, #tpu.memory_space<vmem>>) dst(%dma_wait3A_50 : memref<1568xf32, #tpu.memory_space<hbm>>)
      tpu.yield
    }) : () -> ()
    %add3A_15 = arith.constant 100352 : i32
    %add3A_16 = arith.addi %add3A_15, %mul3A_2 : i32
    "tpu.region"() ({
      %run_scoped3A = tpu.sem_alloc : memref<!tpu.dma_semaphore, #tpu.memory_space<semaphore_mem>>
      %dma_start3A = arith.constant 3136 : i32
      %dma_start3A_43 = tpu.memref_slice %arg8[%dma_start3A] : memref<25088xf32, #tpu.memory_space<vmem>> -> memref<1568xf32, #tpu.memory_space<vmem>>
      %dma_start3A_44 = tpu.memref_slice %arg5[%add3A_16] : memref<802816xf32, #tpu.memory_space<hbm>> -> memref<1568xf32, #tpu.memory_space<hbm>>
      %dma_start3A_45 = tpu.memref_slice %arg5[%add3A_16] : memref<802816xf32, #tpu.memory_space<hbm>> -> memref<1568xf32, #tpu.memory_space<hbm>>
      %dma_start3A_46 = arith.constant 3136 : i32
      %dma_start3A_47 = tpu.memref_slice %arg8[%dma_start3A_46] : memref<25088xf32, #tpu.memory_space<vmem>> -> memref<1568xf32, #tpu.memory_space<vmem>>
      tpu.enqueue_dma source(%dma_start3A_47 : memref<1568xf32, #tpu.memory_space<vmem>>) target(%dma_start3A_45 : memref<1568xf32, #tpu.memory_space<hbm>>) target_semaphore(%run_scoped3A : memref<!tpu.dma_semaphore, #tpu.memory_space<semaphore_mem>>)
      %dma_wait3A = arith.constant 3136 : i32
      %dma_wait3A_48 = tpu.memref_slice %arg8[%dma_wait3A] : memref<25088xf32, #tpu.memory_space<vmem>> -> memref<1568xf32, #tpu.memory_space<vmem>>
      %dma_wait3A_49 = tpu.memref_slice %arg5[%add3A_16] : memref<802816xf32, #tpu.memory_space<hbm>> -> memref<1568xf32, #tpu.memory_space<hbm>>
      %dma_wait3A_50 = tpu.memref_slice %arg5[%add3A_16] : memref<802816xf32, #tpu.memory_space<hbm>> -> memref<1568xf32, #tpu.memory_space<hbm>>
      %dma_wait3A_51 = arith.constant 3136 : i32
      %dma_wait3A_52 = tpu.memref_slice %arg8[%dma_wait3A_51] : memref<25088xf32, #tpu.memory_space<vmem>> -> memref<1568xf32, #tpu.memory_space<vmem>>
      tpu.wait_dma2 semaphore(%run_scoped3A : memref<!tpu.dma_semaphore, #tpu.memory_space<semaphore_mem>>) src(%dma_wait3A_52 : memref<1568xf32, #tpu.memory_space<vmem>>) dst(%dma_wait3A_50 : memref<1568xf32, #tpu.memory_space<hbm>>)
      tpu.yield
    }) : () -> ()
    %add3A_17 = arith.constant 150528 : i32
    %add3A_18 = arith.addi %add3A_17, %mul3A_2 : i32
    "tpu.region"() ({
      %run_scoped3A = tpu.sem_alloc : memref<!tpu.dma_semaphore, #tpu.memory_space<semaphore_mem>>
      %dma_start3A = arith.constant 4704 : i32
      %dma_start3A_43 = tpu.memref_slice %arg8[%dma_start3A] : memref<25088xf32, #tpu.memory_space<vmem>> -> memref<1568xf32, #tpu.memory_space<vmem>>
      %dma_start3A_44 = tpu.memref_slice %arg5[%add3A_18] : memref<802816xf32, #tpu.memory_space<hbm>> -> memref<1568xf32, #tpu.memory_space<hbm>>
      %dma_start3A_45 = tpu.memref_slice %arg5[%add3A_18] : memref<802816xf32, #tpu.memory_space<hbm>> -> memref<1568xf32, #tpu.memory_space<hbm>>
      %dma_start3A_46 = arith.constant 4704 : i32
      %dma_start3A_47 = tpu.memref_slice %arg8[%dma_start3A_46] : memref<25088xf32, #tpu.memory_space<vmem>> -> memref<1568xf32, #tpu.memory_space<vmem>>
      tpu.enqueue_dma source(%dma_start3A_47 : memref<1568xf32, #tpu.memory_space<vmem>>) target(%dma_start3A_45 : memref<1568xf32, #tpu.memory_space<hbm>>) target_semaphore(%run_scoped3A : memref<!tpu.dma_semaphore, #tpu.memory_space<semaphore_mem>>)
      %dma_wait3A = arith.constant 4704 : i32
      %dma_wait3A_48 = tpu.memref_slice %arg8[%dma_wait3A] : memref<25088xf32, #tpu.memory_space<vmem>> -> memref<1568xf32, #tpu.memory_space<vmem>>
      %dma_wait3A_49 = tpu.memref_slice %arg5[%add3A_18] : memref<802816xf32, #tpu.memory_space<hbm>> -> memref<1568xf32, #tpu.memory_space<hbm>>
      %dma_wait3A_50 = tpu.memref_slice %arg5[%add3A_18] : memref<802816xf32, #tpu.memory_space<hbm>> -> memref<1568xf32, #tpu.memory_space<hbm>>
      %dma_wait3A_51 = arith.constant 4704 : i32
      %dma_wait3A_52 = tpu.memref_slice %arg8[%dma_wait3A_51] : memref<25088xf32, #tpu.memory_space<vmem>> -> memref<1568xf32, #tpu.memory_space<vmem>>
      tpu.wait_dma2 semaphore(%run_scoped3A : memref<!tpu.dma_semaphore, #tpu.memory_space<semaphore_mem>>) src(%dma_wait3A_52 : memref<1568xf32, #tpu.memory_space<vmem>>) dst(%dma_wait3A_50 : memref<1568xf32, #tpu.memory_space<hbm>>)
      tpu.yield
    }) : () -> ()
    %add3A_19 = arith.constant 200704 : i32
    %add3A_20 = arith.addi %add3A_19, %mul3A_2 : i32
    "tpu.region"() ({
      %run_scoped3A = tpu.sem_alloc : memref<!tpu.dma_semaphore, #tpu.memory_space<semaphore_mem>>
      %dma_start3A = arith.constant 6272 : i32
      %dma_start3A_43 = tpu.memref_slice %arg8[%dma_start3A] : memref<25088xf32, #tpu.memory_space<vmem>> -> memref<1568xf32, #tpu.memory_space<vmem>>
      %dma_start3A_44 = tpu.memref_slice %arg5[%add3A_20] : memref<802816xf32, #tpu.memory_space<hbm>> -> memref<1568xf32, #tpu.memory_space<hbm>>
      %dma_start3A_45 = tpu.memref_slice %arg5[%add3A_20] : memref<802816xf32, #tpu.memory_space<hbm>> -> memref<1568xf32, #tpu.memory_space<hbm>>
      %dma_start3A_46 = arith.constant 6272 : i32
      %dma_start3A_47 = tpu.memref_slice %arg8[%dma_start3A_46] : memref<25088xf32, #tpu.memory_space<vmem>> -> memref<1568xf32, #tpu.memory_space<vmem>>
      tpu.enqueue_dma source(%dma_start3A_47 : memref<1568xf32, #tpu.memory_space<vmem>>) target(%dma_start3A_45 : memref<1568xf32, #tpu.memory_space<hbm>>) target_semaphore(%run_scoped3A : memref<!tpu.dma_semaphore, #tpu.memory_space<semaphore_mem>>)
      %dma_wait3A = arith.constant 6272 : i32
      %dma_wait3A_48 = tpu.memref_slice %arg8[%dma_wait3A] : memref<25088xf32, #tpu.memory_space<vmem>> -> memref<1568xf32, #tpu.memory_space<vmem>>
      %dma_wait3A_49 = tpu.memref_slice %arg5[%add3A_20] : memref<802816xf32, #tpu.memory_space<hbm>> -> memref<1568xf32, #tpu.memory_space<hbm>>
      %dma_wait3A_50 = tpu.memref_slice %arg5[%add3A_20] : memref<802816xf32, #tpu.memory_space<hbm>> -> memref<1568xf32, #tpu.memory_space<hbm>>
      %dma_wait3A_51 = arith.constant 6272 : i32
      %dma_wait3A_52 = tpu.memref_slice %arg8[%dma_wait3A_51] : memref<25088xf32, #tpu.memory_space<vmem>> -> memref<1568xf32, #tpu.memory_space<vmem>>
      tpu.wait_dma2 semaphore(%run_scoped3A : memref<!tpu.dma_semaphore, #tpu.memory_space<semaphore_mem>>) src(%dma_wait3A_52 : memref<1568xf32, #tpu.memory_space<vmem>>) dst(%dma_wait3A_50 : memref<1568xf32, #tpu.memory_space<hbm>>)
      tpu.yield
    }) : () -> ()
    %add3A_21 = arith.constant 250880 : i32
    %add3A_22 = arith.addi %add3A_21, %mul3A_2 : i32
    "tpu.region"() ({
      %run_scoped3A = tpu.sem_alloc : memref<!tpu.dma_semaphore, #tpu.memory_space<semaphore_mem>>
      %dma_start3A = arith.constant 7840 : i32
      %dma_start3A_43 = tpu.memref_slice %arg8[%dma_start3A] : memref<25088xf32, #tpu.memory_space<vmem>> -> memref<1568xf32, #tpu.memory_space<vmem>>
      %dma_start3A_44 = tpu.memref_slice %arg5[%add3A_22] : memref<802816xf32, #tpu.memory_space<hbm>> -> memref<1568xf32, #tpu.memory_space<hbm>>
      %dma_start3A_45 = tpu.memref_slice %arg5[%add3A_22] : memref<802816xf32, #tpu.memory_space<hbm>> -> memref<1568xf32, #tpu.memory_space<hbm>>
      %dma_start3A_46 = arith.constant 7840 : i32
      %dma_start3A_47 = tpu.memref_slice %arg8[%dma_start3A_46] : memref<25088xf32, #tpu.memory_space<vmem>> -> memref<1568xf32, #tpu.memory_space<vmem>>
      tpu.enqueue_dma source(%dma_start3A_47 : memref<1568xf32, #tpu.memory_space<vmem>>) target(%dma_start3A_45 : memref<1568xf32, #tpu.memory_space<hbm>>) target_semaphore(%run_scoped3A : memref<!tpu.dma_semaphore, #tpu.memory_space<semaphore_mem>>)
      %dma_wait3A = arith.constant 7840 : i32
      %dma_wait3A_48 = tpu.memref_slice %arg8[%dma_wait3A] : memref<25088xf32, #tpu.memory_space<vmem>> -> memref<1568xf32, #tpu.memory_space<vmem>>
      %dma_wait3A_49 = tpu.memref_slice %arg5[%add3A_22] : memref<802816xf32, #tpu.memory_space<hbm>> -> memref<1568xf32, #tpu.memory_space<hbm>>
      %dma_wait3A_50 = tpu.memref_slice %arg5[%add3A_22] : memref<802816xf32, #tpu.memory_space<hbm>> -> memref<1568xf32, #tpu.memory_space<hbm>>
      %dma_wait3A_51 = arith.constant 7840 : i32
      %dma_wait3A_52 = tpu.memref_slice %arg8[%dma_wait3A_51] : memref<25088xf32, #tpu.memory_space<vmem>> -> memref<1568xf32, #tpu.memory_space<vmem>>
      tpu.wait_dma2 semaphore(%run_scoped3A : memref<!tpu.dma_semaphore, #tpu.memory_space<semaphore_mem>>) src(%dma_wait3A_52 : memref<1568xf32, #tpu.memory_space<vmem>>) dst(%dma_wait3A_50 : memref<1568xf32, #tpu.memory_space<hbm>>)
      tpu.yield
    }) : () -> ()
    %add3A_23 = arith.constant 301056 : i32
    %add3A_24 = arith.addi %add3A_23, %mul3A_2 : i32
    "tpu.region"() ({
      %run_scoped3A = tpu.sem_alloc : memref<!tpu.dma_semaphore, #tpu.memory_space<semaphore_mem>>
      %dma_start3A = arith.constant 9408 : i32
      %dma_start3A_43 = tpu.memref_slice %arg8[%dma_start3A] : memref<25088xf32, #tpu.memory_space<vmem>> -> memref<1568xf32, #tpu.memory_space<vmem>>
      %dma_start3A_44 = tpu.memref_slice %arg5[%add3A_24] : memref<802816xf32, #tpu.memory_space<hbm>> -> memref<1568xf32, #tpu.memory_space<hbm>>
      %dma_start3A_45 = tpu.memref_slice %arg5[%add3A_24] : memref<802816xf32, #tpu.memory_space<hbm>> -> memref<1568xf32, #tpu.memory_space<hbm>>
      %dma_start3A_46 = arith.constant 9408 : i32
      %dma_start3A_47 = tpu.memref_slice %arg8[%dma_start3A_46] : memref<25088xf32, #tpu.memory_space<vmem>> -> memref<1568xf32, #tpu.memory_space<vmem>>
      tpu.enqueue_dma source(%dma_start3A_47 : memref<1568xf32, #tpu.memory_space<vmem>>) target(%dma_start3A_45 : memref<1568xf32, #tpu.memory_space<hbm>>) target_semaphore(%run_scoped3A : memref<!tpu.dma_semaphore, #tpu.memory_space<semaphore_mem>>)
      %dma_wait3A = arith.constant 9408 : i32
      %dma_wait3A_48 = tpu.memref_slice %arg8[%dma_wait3A] : memref<25088xf32, #tpu.memory_space<vmem>> -> memref<1568xf32, #tpu.memory_space<vmem>>
      %dma_wait3A_49 = tpu.memref_slice %arg5[%add3A_24] : memref<802816xf32, #tpu.memory_space<hbm>> -> memref<1568xf32, #tpu.memory_space<hbm>>
      %dma_wait3A_50 = tpu.memref_slice %arg5[%add3A_24] : memref<802816xf32, #tpu.memory_space<hbm>> -> memref<1568xf32, #tpu.memory_space<hbm>>
      %dma_wait3A_51 = arith.constant 9408 : i32
      %dma_wait3A_52 = tpu.memref_slice %arg8[%dma_wait3A_51] : memref<25088xf32, #tpu.memory_space<vmem>> -> memref<1568xf32, #tpu.memory_space<vmem>>
      tpu.wait_dma2 semaphore(%run_scoped3A : memref<!tpu.dma_semaphore, #tpu.memory_space<semaphore_mem>>) src(%dma_wait3A_52 : memref<1568xf32, #tpu.memory_space<vmem>>) dst(%dma_wait3A_50 : memref<1568xf32, #tpu.memory_space<hbm>>)
      tpu.yield
    }) : () -> ()
    %add3A_25 = arith.constant 351232 : i32
    %add3A_26 = arith.addi %add3A_25, %mul3A_2 : i32
    "tpu.region"() ({
      %run_scoped3A = tpu.sem_alloc : memref<!tpu.dma_semaphore, #tpu.memory_space<semaphore_mem>>
      %dma_start3A = arith.constant 10976 : i32
      %dma_start3A_43 = tpu.memref_slice %arg8[%dma_start3A] : memref<25088xf32, #tpu.memory_space<vmem>> -> memref<1568xf32, #tpu.memory_space<vmem>>
      %dma_start3A_44 = tpu.memref_slice %arg5[%add3A_26] : memref<802816xf32, #tpu.memory_space<hbm>> -> memref<1568xf32, #tpu.memory_space<hbm>>
      %dma_start3A_45 = tpu.memref_slice %arg5[%add3A_26] : memref<802816xf32, #tpu.memory_space<hbm>> -> memref<1568xf32, #tpu.memory_space<hbm>>
      %dma_start3A_46 = arith.constant 10976 : i32
      %dma_start3A_47 = tpu.memref_slice %arg8[%dma_start3A_46] : memref<25088xf32, #tpu.memory_space<vmem>> -> memref<1568xf32, #tpu.memory_space<vmem>>
      tpu.enqueue_dma source(%dma_start3A_47 : memref<1568xf32, #tpu.memory_space<vmem>>) target(%dma_start3A_45 : memref<1568xf32, #tpu.memory_space<hbm>>) target_semaphore(%run_scoped3A : memref<!tpu.dma_semaphore, #tpu.memory_space<semaphore_mem>>)
      %dma_wait3A = arith.constant 10976 : i32
      %dma_wait3A_48 = tpu.memref_slice %arg8[%dma_wait3A] : memref<25088xf32, #tpu.memory_space<vmem>> -> memref<1568xf32, #tpu.memory_space<vmem>>
      %dma_wait3A_49 = tpu.memref_slice %arg5[%add3A_26] : memref<802816xf32, #tpu.memory_space<hbm>> -> memref<1568xf32, #tpu.memory_space<hbm>>
      %dma_wait3A_50 = tpu.memref_slice %arg5[%add3A_26] : memref<802816xf32, #tpu.memory_space<hbm>> -> memref<1568xf32, #tpu.memory_space<hbm>>
      %dma_wait3A_51 = arith.constant 10976 : i32
      %dma_wait3A_52 = tpu.memref_slice %arg8[%dma_wait3A_51] : memref<25088xf32, #tpu.memory_space<vmem>> -> memref<1568xf32, #tpu.memory_space<vmem>>
      tpu.wait_dma2 semaphore(%run_scoped3A : memref<!tpu.dma_semaphore, #tpu.memory_space<semaphore_mem>>) src(%dma_wait3A_52 : memref<1568xf32, #tpu.memory_space<vmem>>) dst(%dma_wait3A_50 : memref<1568xf32, #tpu.memory_space<hbm>>)
      tpu.yield
    }) : () -> ()
    %add3A_27 = arith.constant 401408 : i32
    %add3A_28 = arith.addi %add3A_27, %mul3A_2 : i32
    "tpu.region"() ({
      %run_scoped3A = tpu.sem_alloc : memref<!tpu.dma_semaphore, #tpu.memory_space<semaphore_mem>>
      %dma_start3A = arith.constant 12544 : i32
      %dma_start3A_43 = tpu.memref_slice %arg8[%dma_start3A] : memref<25088xf32, #tpu.memory_space<vmem>> -> memref<1568xf32, #tpu.memory_space<vmem>>
      %dma_start3A_44 = tpu.memref_slice %arg5[%add3A_28] : memref<802816xf32, #tpu.memory_space<hbm>> -> memref<1568xf32, #tpu.memory_space<hbm>>
      %dma_start3A_45 = tpu.memref_slice %arg5[%add3A_28] : memref<802816xf32, #tpu.memory_space<hbm>> -> memref<1568xf32, #tpu.memory_space<hbm>>
      %dma_start3A_46 = arith.constant 12544 : i32
      %dma_start3A_47 = tpu.memref_slice %arg8[%dma_start3A_46] : memref<25088xf32, #tpu.memory_space<vmem>> -> memref<1568xf32, #tpu.memory_space<vmem>>
      tpu.enqueue_dma source(%dma_start3A_47 : memref<1568xf32, #tpu.memory_space<vmem>>) target(%dma_start3A_45 : memref<1568xf32, #tpu.memory_space<hbm>>) target_semaphore(%run_scoped3A : memref<!tpu.dma_semaphore, #tpu.memory_space<semaphore_mem>>)
      %dma_wait3A = arith.constant 12544 : i32
      %dma_wait3A_48 = tpu.memref_slice %arg8[%dma_wait3A] : memref<25088xf32, #tpu.memory_space<vmem>> -> memref<1568xf32, #tpu.memory_space<vmem>>
      %dma_wait3A_49 = tpu.memref_slice %arg5[%add3A_28] : memref<802816xf32, #tpu.memory_space<hbm>> -> memref<1568xf32, #tpu.memory_space<hbm>>
      %dma_wait3A_50 = tpu.memref_slice %arg5[%add3A_28] : memref<802816xf32, #tpu.memory_space<hbm>> -> memref<1568xf32, #tpu.memory_space<hbm>>
      %dma_wait3A_51 = arith.constant 12544 : i32
      %dma_wait3A_52 = tpu.memref_slice %arg8[%dma_wait3A_51] : memref<25088xf32, #tpu.memory_space<vmem>> -> memref<1568xf32, #tpu.memory_space<vmem>>
      tpu.wait_dma2 semaphore(%run_scoped3A : memref<!tpu.dma_semaphore, #tpu.memory_space<semaphore_mem>>) src(%dma_wait3A_52 : memref<1568xf32, #tpu.memory_space<vmem>>) dst(%dma_wait3A_50 : memref<1568xf32, #tpu.memory_space<hbm>>)
      tpu.yield
    }) : () -> ()
    %add3A_29 = arith.constant 451584 : i32
    %add3A_30 = arith.addi %add3A_29, %mul3A_2 : i32
    "tpu.region"() ({
      %run_scoped3A = tpu.sem_alloc : memref<!tpu.dma_semaphore, #tpu.memory_space<semaphore_mem>>
      %dma_start3A = arith.constant 14112 : i32
      %dma_start3A_43 = tpu.memref_slice %arg8[%dma_start3A] : memref<25088xf32, #tpu.memory_space<vmem>> -> memref<1568xf32, #tpu.memory_space<vmem>>
      %dma_start3A_44 = tpu.memref_slice %arg5[%add3A_30] : memref<802816xf32, #tpu.memory_space<hbm>> -> memref<1568xf32, #tpu.memory_space<hbm>>
      %dma_start3A_45 = tpu.memref_slice %arg5[%add3A_30] : memref<802816xf32, #tpu.memory_space<hbm>> -> memref<1568xf32, #tpu.memory_space<hbm>>
      %dma_start3A_46 = arith.constant 14112 : i32
      %dma_start3A_47 = tpu.memref_slice %arg8[%dma_start3A_46] : memref<25088xf32, #tpu.memory_space<vmem>> -> memref<1568xf32, #tpu.memory_space<vmem>>
      tpu.enqueue_dma source(%dma_start3A_47 : memref<1568xf32, #tpu.memory_space<vmem>>) target(%dma_start3A_45 : memref<1568xf32, #tpu.memory_space<hbm>>) target_semaphore(%run_scoped3A : memref<!tpu.dma_semaphore, #tpu.memory_space<semaphore_mem>>)
      %dma_wait3A = arith.constant 14112 : i32
      %dma_wait3A_48 = tpu.memref_slice %arg8[%dma_wait3A] : memref<25088xf32, #tpu.memory_space<vmem>> -> memref<1568xf32, #tpu.memory_space<vmem>>
      %dma_wait3A_49 = tpu.memref_slice %arg5[%add3A_30] : memref<802816xf32, #tpu.memory_space<hbm>> -> memref<1568xf32, #tpu.memory_space<hbm>>
      %dma_wait3A_50 = tpu.memref_slice %arg5[%add3A_30] : memref<802816xf32, #tpu.memory_space<hbm>> -> memref<1568xf32, #tpu.memory_space<hbm>>
      %dma_wait3A_51 = arith.constant 14112 : i32
      %dma_wait3A_52 = tpu.memref_slice %arg8[%dma_wait3A_51] : memref<25088xf32, #tpu.memory_space<vmem>> -> memref<1568xf32, #tpu.memory_space<vmem>>
      tpu.wait_dma2 semaphore(%run_scoped3A : memref<!tpu.dma_semaphore, #tpu.memory_space<semaphore_mem>>) src(%dma_wait3A_52 : memref<1568xf32, #tpu.memory_space<vmem>>) dst(%dma_wait3A_50 : memref<1568xf32, #tpu.memory_space<hbm>>)
      tpu.yield
    }) : () -> ()
    %add3A_31 = arith.constant 501760 : i32
    %add3A_32 = arith.addi %add3A_31, %mul3A_2 : i32
    "tpu.region"() ({
      %run_scoped3A = tpu.sem_alloc : memref<!tpu.dma_semaphore, #tpu.memory_space<semaphore_mem>>
      %dma_start3A = arith.constant 15680 : i32
      %dma_start3A_43 = tpu.memref_slice %arg8[%dma_start3A] : memref<25088xf32, #tpu.memory_space<vmem>> -> memref<1568xf32, #tpu.memory_space<vmem>>
      %dma_start3A_44 = tpu.memref_slice %arg5[%add3A_32] : memref<802816xf32, #tpu.memory_space<hbm>> -> memref<1568xf32, #tpu.memory_space<hbm>>
      %dma_start3A_45 = tpu.memref_slice %arg5[%add3A_32] : memref<802816xf32, #tpu.memory_space<hbm>> -> memref<1568xf32, #tpu.memory_space<hbm>>
      %dma_start3A_46 = arith.constant 15680 : i32
      %dma_start3A_47 = tpu.memref_slice %arg8[%dma_start3A_46] : memref<25088xf32, #tpu.memory_space<vmem>> -> memref<1568xf32, #tpu.memory_space<vmem>>
      tpu.enqueue_dma source(%dma_start3A_47 : memref<1568xf32, #tpu.memory_space<vmem>>) target(%dma_start3A_45 : memref<1568xf32, #tpu.memory_space<hbm>>) target_semaphore(%run_scoped3A : memref<!tpu.dma_semaphore, #tpu.memory_space<semaphore_mem>>)
      %dma_wait3A = arith.constant 15680 : i32
      %dma_wait3A_48 = tpu.memref_slice %arg8[%dma_wait3A] : memref<25088xf32, #tpu.memory_space<vmem>> -> memref<1568xf32, #tpu.memory_space<vmem>>
      %dma_wait3A_49 = tpu.memref_slice %arg5[%add3A_32] : memref<802816xf32, #tpu.memory_space<hbm>> -> memref<1568xf32, #tpu.memory_space<hbm>>
      %dma_wait3A_50 = tpu.memref_slice %arg5[%add3A_32] : memref<802816xf32, #tpu.memory_space<hbm>> -> memref<1568xf32, #tpu.memory_space<hbm>>
      %dma_wait3A_51 = arith.constant 15680 : i32
      %dma_wait3A_52 = tpu.memref_slice %arg8[%dma_wait3A_51] : memref<25088xf32, #tpu.memory_space<vmem>> -> memref<1568xf32, #tpu.memory_space<vmem>>
      tpu.wait_dma2 semaphore(%run_scoped3A : memref<!tpu.dma_semaphore, #tpu.memory_space<semaphore_mem>>) src(%dma_wait3A_52 : memref<1568xf32, #tpu.memory_space<vmem>>) dst(%dma_wait3A_50 : memref<1568xf32, #tpu.memory_space<hbm>>)
      tpu.yield
    }) : () -> ()
    %add3A_33 = arith.constant 551936 : i32
    %add3A_34 = arith.addi %add3A_33, %mul3A_2 : i32
    "tpu.region"() ({
      %run_scoped3A = tpu.sem_alloc : memref<!tpu.dma_semaphore, #tpu.memory_space<semaphore_mem>>
      %dma_start3A = arith.constant 17248 : i32
      %dma_start3A_43 = tpu.memref_slice %arg8[%dma_start3A] : memref<25088xf32, #tpu.memory_space<vmem>> -> memref<1568xf32, #tpu.memory_space<vmem>>
      %dma_start3A_44 = tpu.memref_slice %arg5[%add3A_34] : memref<802816xf32, #tpu.memory_space<hbm>> -> memref<1568xf32, #tpu.memory_space<hbm>>
      %dma_start3A_45 = tpu.memref_slice %arg5[%add3A_34] : memref<802816xf32, #tpu.memory_space<hbm>> -> memref<1568xf32, #tpu.memory_space<hbm>>
      %dma_start3A_46 = arith.constant 17248 : i32
      %dma_start3A_47 = tpu.memref_slice %arg8[%dma_start3A_46] : memref<25088xf32, #tpu.memory_space<vmem>> -> memref<1568xf32, #tpu.memory_space<vmem>>
      tpu.enqueue_dma source(%dma_start3A_47 : memref<1568xf32, #tpu.memory_space<vmem>>) target(%dma_start3A_45 : memref<1568xf32, #tpu.memory_space<hbm>>) target_semaphore(%run_scoped3A : memref<!tpu.dma_semaphore, #tpu.memory_space<semaphore_mem>>)
      %dma_wait3A = arith.constant 17248 : i32
      %dma_wait3A_48 = tpu.memref_slice %arg8[%dma_wait3A] : memref<25088xf32, #tpu.memory_space<vmem>> -> memref<1568xf32, #tpu.memory_space<vmem>>
      %dma_wait3A_49 = tpu.memref_slice %arg5[%add3A_34] : memref<802816xf32, #tpu.memory_space<hbm>> -> memref<1568xf32, #tpu.memory_space<hbm>>
      %dma_wait3A_50 = tpu.memref_slice %arg5[%add3A_34] : memref<802816xf32, #tpu.memory_space<hbm>> -> memref<1568xf32, #tpu.memory_space<hbm>>
      %dma_wait3A_51 = arith.constant 17248 : i32
      %dma_wait3A_52 = tpu.memref_slice %arg8[%dma_wait3A_51] : memref<25088xf32, #tpu.memory_space<vmem>> -> memref<1568xf32, #tpu.memory_space<vmem>>
      tpu.wait_dma2 semaphore(%run_scoped3A : memref<!tpu.dma_semaphore, #tpu.memory_space<semaphore_mem>>) src(%dma_wait3A_52 : memref<1568xf32, #tpu.memory_space<vmem>>) dst(%dma_wait3A_50 : memref<1568xf32, #tpu.memory_space<hbm>>)
      tpu.yield
    }) : () -> ()
    %add3A_35 = arith.constant 602112 : i32
    %add3A_36 = arith.addi %add3A_35, %mul3A_2 : i32
    "tpu.region"() ({
      %run_scoped3A = tpu.sem_alloc : memref<!tpu.dma_semaphore, #tpu.memory_space<semaphore_mem>>
      %dma_start3A = arith.constant 18816 : i32
      %dma_start3A_43 = tpu.memref_slice %arg8[%dma_start3A] : memref<25088xf32, #tpu.memory_space<vmem>> -> memref<1568xf32, #tpu.memory_space<vmem>>
      %dma_start3A_44 = tpu.memref_slice %arg5[%add3A_36] : memref<802816xf32, #tpu.memory_space<hbm>> -> memref<1568xf32, #tpu.memory_space<hbm>>
      %dma_start3A_45 = tpu.memref_slice %arg5[%add3A_36] : memref<802816xf32, #tpu.memory_space<hbm>> -> memref<1568xf32, #tpu.memory_space<hbm>>
      %dma_start3A_46 = arith.constant 18816 : i32
      %dma_start3A_47 = tpu.memref_slice %arg8[%dma_start3A_46] : memref<25088xf32, #tpu.memory_space<vmem>> -> memref<1568xf32, #tpu.memory_space<vmem>>
      tpu.enqueue_dma source(%dma_start3A_47 : memref<1568xf32, #tpu.memory_space<vmem>>) target(%dma_start3A_45 : memref<1568xf32, #tpu.memory_space<hbm>>) target_semaphore(%run_scoped3A : memref<!tpu.dma_semaphore, #tpu.memory_space<semaphore_mem>>)
      %dma_wait3A = arith.constant 18816 : i32
      %dma_wait3A_48 = tpu.memref_slice %arg8[%dma_wait3A] : memref<25088xf32, #tpu.memory_space<vmem>> -> memref<1568xf32, #tpu.memory_space<vmem>>
      %dma_wait3A_49 = tpu.memref_slice %arg5[%add3A_36] : memref<802816xf32, #tpu.memory_space<hbm>> -> memref<1568xf32, #tpu.memory_space<hbm>>
      %dma_wait3A_50 = tpu.memref_slice %arg5[%add3A_36] : memref<802816xf32, #tpu.memory_space<hbm>> -> memref<1568xf32, #tpu.memory_space<hbm>>
      %dma_wait3A_51 = arith.constant 18816 : i32
      %dma_wait3A_52 = tpu.memref_slice %arg8[%dma_wait3A_51] : memref<25088xf32, #tpu.memory_space<vmem>> -> memref<1568xf32, #tpu.memory_space<vmem>>
      tpu.wait_dma2 semaphore(%run_scoped3A : memref<!tpu.dma_semaphore, #tpu.memory_space<semaphore_mem>>) src(%dma_wait3A_52 : memref<1568xf32, #tpu.memory_space<vmem>>) dst(%dma_wait3A_50 : memref<1568xf32, #tpu.memory_space<hbm>>)
      tpu.yield
    }) : () -> ()
    %add3A_37 = arith.constant 652288 : i32
    %add3A_38 = arith.addi %add3A_37, %mul3A_2 : i32
    "tpu.region"() ({
      %run_scoped3A = tpu.sem_alloc : memref<!tpu.dma_semaphore, #tpu.memory_space<semaphore_mem>>
      %dma_start3A = arith.constant 20384 : i32
      %dma_start3A_43 = tpu.memref_slice %arg8[%dma_start3A] : memref<25088xf32, #tpu.memory_space<vmem>> -> memref<1568xf32, #tpu.memory_space<vmem>>
      %dma_start3A_44 = tpu.memref_slice %arg5[%add3A_38] : memref<802816xf32, #tpu.memory_space<hbm>> -> memref<1568xf32, #tpu.memory_space<hbm>>
      %dma_start3A_45 = tpu.memref_slice %arg5[%add3A_38] : memref<802816xf32, #tpu.memory_space<hbm>> -> memref<1568xf32, #tpu.memory_space<hbm>>
      %dma_start3A_46 = arith.constant 20384 : i32
      %dma_start3A_47 = tpu.memref_slice %arg8[%dma_start3A_46] : memref<25088xf32, #tpu.memory_space<vmem>> -> memref<1568xf32, #tpu.memory_space<vmem>>
      tpu.enqueue_dma source(%dma_start3A_47 : memref<1568xf32, #tpu.memory_space<vmem>>) target(%dma_start3A_45 : memref<1568xf32, #tpu.memory_space<hbm>>) target_semaphore(%run_scoped3A : memref<!tpu.dma_semaphore, #tpu.memory_space<semaphore_mem>>)
      %dma_wait3A = arith.constant 20384 : i32
      %dma_wait3A_48 = tpu.memref_slice %arg8[%dma_wait3A] : memref<25088xf32, #tpu.memory_space<vmem>> -> memref<1568xf32, #tpu.memory_space<vmem>>
      %dma_wait3A_49 = tpu.memref_slice %arg5[%add3A_38] : memref<802816xf32, #tpu.memory_space<hbm>> -> memref<1568xf32, #tpu.memory_space<hbm>>
      %dma_wait3A_50 = tpu.memref_slice %arg5[%add3A_38] : memref<802816xf32, #tpu.memory_space<hbm>> -> memref<1568xf32, #tpu.memory_space<hbm>>
      %dma_wait3A_51 = arith.constant 20384 : i32
      %dma_wait3A_52 = tpu.memref_slice %arg8[%dma_wait3A_51] : memref<25088xf32, #tpu.memory_space<vmem>> -> memref<1568xf32, #tpu.memory_space<vmem>>
      tpu.wait_dma2 semaphore(%run_scoped3A : memref<!tpu.dma_semaphore, #tpu.memory_space<semaphore_mem>>) src(%dma_wait3A_52 : memref<1568xf32, #tpu.memory_space<vmem>>) dst(%dma_wait3A_50 : memref<1568xf32, #tpu.memory_space<hbm>>)
      tpu.yield
    }) : () -> ()
    %add3A_39 = arith.constant 702464 : i32
    %add3A_40 = arith.addi %add3A_39, %mul3A_2 : i32
    "tpu.region"() ({
      %run_scoped3A = tpu.sem_alloc : memref<!tpu.dma_semaphore, #tpu.memory_space<semaphore_mem>>
      %dma_start3A = arith.constant 21952 : i32
      %dma_start3A_43 = tpu.memref_slice %arg8[%dma_start3A] : memref<25088xf32, #tpu.memory_space<vmem>> -> memref<1568xf32, #tpu.memory_space<vmem>>
      %dma_start3A_44 = tpu.memref_slice %arg5[%add3A_40] : memref<802816xf32, #tpu.memory_space<hbm>> -> memref<1568xf32, #tpu.memory_space<hbm>>
      %dma_start3A_45 = tpu.memref_slice %arg5[%add3A_40] : memref<802816xf32, #tpu.memory_space<hbm>> -> memref<1568xf32, #tpu.memory_space<hbm>>
      %dma_start3A_46 = arith.constant 21952 : i32
      %dma_start3A_47 = tpu.memref_slice %arg8[%dma_start3A_46] : memref<25088xf32, #tpu.memory_space<vmem>> -> memref<1568xf32, #tpu.memory_space<vmem>>
      tpu.enqueue_dma source(%dma_start3A_47 : memref<1568xf32, #tpu.memory_space<vmem>>) target(%dma_start3A_45 : memref<1568xf32, #tpu.memory_space<hbm>>) target_semaphore(%run_scoped3A : memref<!tpu.dma_semaphore, #tpu.memory_space<semaphore_mem>>)
      %dma_wait3A = arith.constant 21952 : i32
      %dma_wait3A_48 = tpu.memref_slice %arg8[%dma_wait3A] : memref<25088xf32, #tpu.memory_space<vmem>> -> memref<1568xf32, #tpu.memory_space<vmem>>
      %dma_wait3A_49 = tpu.memref_slice %arg5[%add3A_40] : memref<802816xf32, #tpu.memory_space<hbm>> -> memref<1568xf32, #tpu.memory_space<hbm>>
      %dma_wait3A_50 = tpu.memref_slice %arg5[%add3A_40] : memref<802816xf32, #tpu.memory_space<hbm>> -> memref<1568xf32, #tpu.memory_space<hbm>>
      %dma_wait3A_51 = arith.constant 21952 : i32
      %dma_wait3A_52 = tpu.memref_slice %arg8[%dma_wait3A_51] : memref<25088xf32, #tpu.memory_space<vmem>> -> memref<1568xf32, #tpu.memory_space<vmem>>
      tpu.wait_dma2 semaphore(%run_scoped3A : memref<!tpu.dma_semaphore, #tpu.memory_space<semaphore_mem>>) src(%dma_wait3A_52 : memref<1568xf32, #tpu.memory_space<vmem>>) dst(%dma_wait3A_50 : memref<1568xf32, #tpu.memory_space<hbm>>)
      tpu.yield
    }) : () -> ()
    %add3A_41 = arith.constant 752640 : i32
    %add3A_42 = arith.addi %add3A_41, %mul3A_2 : i32
    "tpu.region"() ({
      %run_scoped3A = tpu.sem_alloc : memref<!tpu.dma_semaphore, #tpu.memory_space<semaphore_mem>>
      %dma_start3A = arith.constant 23520 : i32
      %dma_start3A_43 = tpu.memref_slice %arg8[%dma_start3A] : memref<25088xf32, #tpu.memory_space<vmem>> -> memref<1568xf32, #tpu.memory_space<vmem>>
      %dma_start3A_44 = tpu.memref_slice %arg5[%add3A_42] : memref<802816xf32, #tpu.memory_space<hbm>> -> memref<1568xf32, #tpu.memory_space<hbm>>
      %dma_start3A_45 = tpu.memref_slice %arg5[%add3A_42] : memref<802816xf32, #tpu.memory_space<hbm>> -> memref<1568xf32, #tpu.memory_space<hbm>>
      %dma_start3A_46 = arith.constant 23520 : i32
      %dma_start3A_47 = tpu.memref_slice %arg8[%dma_start3A_46] : memref<25088xf32, #tpu.memory_space<vmem>> -> memref<1568xf32, #tpu.memory_space<vmem>>
      tpu.enqueue_dma source(%dma_start3A_47 : memref<1568xf32, #tpu.memory_space<vmem>>) target(%dma_start3A_45 : memref<1568xf32, #tpu.memory_space<hbm>>) target_semaphore(%run_scoped3A : memref<!tpu.dma_semaphore, #tpu.memory_space<semaphore_mem>>)
      %dma_wait3A = arith.constant 23520 : i32
      %dma_wait3A_48 = tpu.memref_slice %arg8[%dma_wait3A] : memref<25088xf32, #tpu.memory_space<vmem>> -> memref<1568xf32, #tpu.memory_space<vmem>>
      %dma_wait3A_49 = tpu.memref_slice %arg5[%add3A_42] : memref<802816xf32, #tpu.memory_space<hbm>> -> memref<1568xf32, #tpu.memory_space<hbm>>
      %dma_wait3A_50 = tpu.memref_slice %arg5[%add3A_42] : memref<802816xf32, #tpu.memory_space<hbm>> -> memref<1568xf32, #tpu.memory_space<hbm>>
      %dma_wait3A_51 = arith.constant 23520 : i32
      %dma_wait3A_52 = tpu.memref_slice %arg8[%dma_wait3A_51] : memref<25088xf32, #tpu.memory_space<vmem>> -> memref<1568xf32, #tpu.memory_space<vmem>>
      tpu.wait_dma2 semaphore(%run_scoped3A : memref<!tpu.dma_semaphore, #tpu.memory_space<semaphore_mem>>) src(%dma_wait3A_52 : memref<1568xf32, #tpu.memory_space<vmem>>) dst(%dma_wait3A_50 : memref<1568xf32, #tpu.memory_space<hbm>>)
      tpu.yield
    }) : () -> ()
    return
  }
}

module attributes {stable_mosaic.version = 14 : i64} {
  func.func @_tc_face_embed_body(%arg0: i32, %arg1: memref<16x512xf32, #tpu.memory_space<vmem>>, %arg2: memref<1x129xf32, #tpu.memory_space<vmem>>, %arg3: memref<1x129xf32, #tpu.memory_space<vmem>>, %arg4: memref<129x64xf32, #tpu.memory_space<vmem>>, %arg5: memref<129x64xf32, #tpu.memory_space<vmem>>, %arg6: memref<129x64xf32, #tpu.memory_space<vmem>>, %arg7: memref<129x64xf32, #tpu.memory_space<vmem>>, %arg8: memref<1024x512xf32, #tpu.memory_space<vmem>>, %arg9: memref<1x512xf32, #tpu.memory_space<vmem>>, %arg10: memref<512x512xf32, #tpu.memory_space<vmem>>, %arg11: memref<1x512xf32, #tpu.memory_space<vmem>>, %arg12: memref<512x512xf32, #tpu.memory_space<vmem>>, %arg13: memref<512x640xf32, #tpu.memory_space<vmem>>) attributes {dimension_semantics = [#tpu.dimension_semantics<arbitrary>], iteration_bounds = array<i64: 99>, scalar_prefetch = 0 : i64, scratch_operands = 0 : i64, tpu.core_type = #tpu.core_type<tc>, window_params = [{transform_indices = @transform_0, window_bounds = array<i64: 16, 512>}, {pipeline_mode = #tpu.pipeline_mode<synchronous>, transform_indices = @transform_1, window_bounds = array<i64: 1, 129>}, {pipeline_mode = #tpu.pipeline_mode<synchronous>, transform_indices = @transform_2, window_bounds = array<i64: 1, 129>}, {pipeline_mode = #tpu.pipeline_mode<synchronous>, transform_indices = @transform_3, window_bounds = array<i64: 129, 64>}, {pipeline_mode = #tpu.pipeline_mode<synchronous>, transform_indices = @transform_4, window_bounds = array<i64: 129, 64>}, {pipeline_mode = #tpu.pipeline_mode<synchronous>, transform_indices = @transform_5, window_bounds = array<i64: 129, 64>}, {pipeline_mode = #tpu.pipeline_mode<synchronous>, transform_indices = @transform_6, window_bounds = array<i64: 129, 64>}, {pipeline_mode = #tpu.pipeline_mode<synchronous>, transform_indices = @transform_7, window_bounds = array<i64: 1024, 512>}, {pipeline_mode = #tpu.pipeline_mode<synchronous>, transform_indices = @transform_8, window_bounds = array<i64: 1, 512>}, {pipeline_mode = #tpu.pipeline_mode<synchronous>, transform_indices = @transform_9, window_bounds = array<i64: 512, 512>}, {pipeline_mode = #tpu.pipeline_mode<synchronous>, transform_indices = @transform_10, window_bounds = array<i64: 1, 512>}, {transform_indices = @transform_11, window_bounds = array<i64: 512, 512>}, {transform_indices = @transform_12, window_bounds = array<i64: 512, 640>}]} {
    %get3A = arith.constant 0 : index
    %get3A_0 = arith.constant 0 : index
    %get3A_1 = vector.load %arg1[%get3A, %get3A_0] : memref<16x512xf32, #tpu.memory_space<vmem>>, vector<16x512xf32>
    %slice3A = vector.extract_strided_slice %get3A_1 {offsets = [0, 0], sizes = [3, 512], strides = [1, 1]} : vector<16x512xf32> to vector<3x512xf32>
    %slice3A_2 = vector.extract_strided_slice %get3A_1 {offsets = [3, 0], sizes = [3, 512], strides = [1, 1]} : vector<16x512xf32> to vector<3x512xf32>
    %slice3A_3 = vector.extract_strided_slice %get3A_1 {offsets = [6, 0], sizes = [3, 512], strides = [1, 1]} : vector<16x512xf32> to vector<3x512xf32>
    %slice3A_4 = vector.extract_strided_slice %get3A_1 {offsets = [9, 0], sizes = [1, 512], strides = [1, 1]} : vector<16x512xf32> to vector<1x512xf32>
    %sub3A = arith.subf %slice3A_2, %slice3A : vector<3x512xf32>
    %sub3A_5 = arith.subf %slice3A_3, %slice3A : vector<3x512xf32>
    %mul3A = arith.mulf %sub3A, %sub3A_5 : vector<3x512xf32>
    %reduce_sum3A = arith.constant dense<0.000000e+00> : vector<512xf32>
    %reduce_sum3A_6 = vector.multi_reduction <add>, %mul3A, %reduce_sum3A [0] : vector<3x512xf32> to vector<512xf32>
    %broadcast_in_dim3A = vector.shape_cast %reduce_sum3A_6 : vector<512xf32> to vector<1x512xf32>
    %mul3A_7 = arith.mulf %sub3A, %sub3A : vector<3x512xf32>
    %reduce_sum3A_8 = arith.constant dense<0.000000e+00> : vector<512xf32>
    %reduce_sum3A_9 = vector.multi_reduction <add>, %mul3A_7, %reduce_sum3A_8 [0] : vector<3x512xf32> to vector<512xf32>
    %broadcast_in_dim3A_10 = vector.shape_cast %reduce_sum3A_9 : vector<512xf32> to vector<1x512xf32>
    %sqrt3A = math.sqrt %broadcast_in_dim3A_10 : vector<1x512xf32>
    %mul3A_11 = arith.mulf %sub3A_5, %sub3A_5 : vector<3x512xf32>
    %reduce_sum3A_12 = arith.constant dense<0.000000e+00> : vector<512xf32>
    %reduce_sum3A_13 = vector.multi_reduction <add>, %mul3A_11, %reduce_sum3A_12 [0] : vector<3x512xf32> to vector<512xf32>
    %broadcast_in_dim3A_14 = vector.shape_cast %reduce_sum3A_13 : vector<512xf32> to vector<1x512xf32>
    %sqrt3A_15 = math.sqrt %broadcast_in_dim3A_14 : vector<1x512xf32>
    %mul3A_16 = arith.mulf %sqrt3A, %sqrt3A_15 : vector<1x512xf32>
    %add3A = arith.constant 9.99999993E-9 : f32
    %add3A_17 = vector.broadcast %add3A : f32 to vector<1x512xf32>
    %add3A_18 = arith.addf %mul3A_16, %add3A_17 : vector<1x512xf32>
    %div3A = arith.divf %broadcast_in_dim3A, %add3A_18 : vector<1x512xf32>
    %sub3A_19 = arith.subf %slice3A_3, %slice3A_2 : vector<3x512xf32>
    %sub3A_20 = arith.subf %slice3A, %slice3A_2 : vector<3x512xf32>
    %mul3A_21 = arith.mulf %sub3A_19, %sub3A_20 : vector<3x512xf32>
    %reduce_sum3A_22 = arith.constant dense<0.000000e+00> : vector<512xf32>
    %reduce_sum3A_23 = vector.multi_reduction <add>, %mul3A_21, %reduce_sum3A_22 [0] : vector<3x512xf32> to vector<512xf32>
    %broadcast_in_dim3A_24 = vector.shape_cast %reduce_sum3A_23 : vector<512xf32> to vector<1x512xf32>
    %mul3A_25 = arith.mulf %sub3A_19, %sub3A_19 : vector<3x512xf32>
    %reduce_sum3A_26 = arith.constant dense<0.000000e+00> : vector<512xf32>
    %reduce_sum3A_27 = vector.multi_reduction <add>, %mul3A_25, %reduce_sum3A_26 [0] : vector<3x512xf32> to vector<512xf32>
    %broadcast_in_dim3A_28 = vector.shape_cast %reduce_sum3A_27 : vector<512xf32> to vector<1x512xf32>
    %sqrt3A_29 = math.sqrt %broadcast_in_dim3A_28 : vector<1x512xf32>
    %mul3A_30 = arith.mulf %sub3A_20, %sub3A_20 : vector<3x512xf32>
    %reduce_sum3A_31 = arith.constant dense<0.000000e+00> : vector<512xf32>
    %reduce_sum3A_32 = vector.multi_reduction <add>, %mul3A_30, %reduce_sum3A_31 [0] : vector<3x512xf32> to vector<512xf32>
    %broadcast_in_dim3A_33 = vector.shape_cast %reduce_sum3A_32 : vector<512xf32> to vector<1x512xf32>
    %sqrt3A_34 = math.sqrt %broadcast_in_dim3A_33 : vector<1x512xf32>
    %mul3A_35 = arith.mulf %sqrt3A_29, %sqrt3A_34 : vector<1x512xf32>
    %add3A_36 = arith.constant 9.99999993E-9 : f32
    %add3A_37 = vector.broadcast %add3A_36 : f32 to vector<1x512xf32>
    %add3A_38 = arith.addf %mul3A_35, %add3A_37 : vector<1x512xf32>
    %div3A_39 = arith.divf %broadcast_in_dim3A_24, %add3A_38 : vector<1x512xf32>
    %sub3A_40 = arith.subf %slice3A, %slice3A_3 : vector<3x512xf32>
    %sub3A_41 = arith.subf %slice3A_2, %slice3A_3 : vector<3x512xf32>
    %mul3A_42 = arith.mulf %sub3A_40, %sub3A_41 : vector<3x512xf32>
    %reduce_sum3A_43 = arith.constant dense<0.000000e+00> : vector<512xf32>
    %reduce_sum3A_44 = vector.multi_reduction <add>, %mul3A_42, %reduce_sum3A_43 [0] : vector<3x512xf32> to vector<512xf32>
    %broadcast_in_dim3A_45 = vector.shape_cast %reduce_sum3A_44 : vector<512xf32> to vector<1x512xf32>
    %mul3A_46 = arith.mulf %sub3A_40, %sub3A_40 : vector<3x512xf32>
    %reduce_sum3A_47 = arith.constant dense<0.000000e+00> : vector<512xf32>
    %reduce_sum3A_48 = vector.multi_reduction <add>, %mul3A_46, %reduce_sum3A_47 [0] : vector<3x512xf32> to vector<512xf32>
    %broadcast_in_dim3A_49 = vector.shape_cast %reduce_sum3A_48 : vector<512xf32> to vector<1x512xf32>
    %sqrt3A_50 = math.sqrt %broadcast_in_dim3A_49 : vector<1x512xf32>
    %mul3A_51 = arith.mulf %sub3A_41, %sub3A_41 : vector<3x512xf32>
    %reduce_sum3A_52 = arith.constant dense<0.000000e+00> : vector<512xf32>
    %reduce_sum3A_53 = vector.multi_reduction <add>, %mul3A_51, %reduce_sum3A_52 [0] : vector<3x512xf32> to vector<512xf32>
    %broadcast_in_dim3A_54 = vector.shape_cast %reduce_sum3A_53 : vector<512xf32> to vector<1x512xf32>
    %sqrt3A_55 = math.sqrt %broadcast_in_dim3A_54 : vector<1x512xf32>
    %mul3A_56 = arith.mulf %sqrt3A_50, %sqrt3A_55 : vector<1x512xf32>
    %add3A_57 = arith.constant 9.99999993E-9 : f32
    %add3A_58 = vector.broadcast %add3A_57 : f32 to vector<1x512xf32>
    %add3A_59 = arith.addf %mul3A_56, %add3A_58 : vector<1x512xf32>
    %div3A_60 = arith.divf %broadcast_in_dim3A_45, %add3A_59 : vector<1x512xf32>
    %concatenate3A = tpu.concatenate %div3A, %div3A_39, %div3A_60 in 0 : vector<1x512xf32>, vector<1x512xf32>, vector<1x512xf32> -> vector<3x512xf32>
    %sub3A_61 = arith.subf %slice3A_2, %slice3A : vector<3x512xf32>
    %sub3A_62 = arith.subf %slice3A_3, %slice3A : vector<3x512xf32>
    %slice3A_63 = vector.extract_strided_slice %sub3A_61 {offsets = [1, 0], sizes = [1, 512], strides = [1, 1]} : vector<3x512xf32> to vector<1x512xf32>
    %slice3A_64 = vector.extract_strided_slice %sub3A_62 {offsets = [2, 0], sizes = [1, 512], strides = [1, 1]} : vector<3x512xf32> to vector<1x512xf32>
    %mul3A_65 = arith.mulf %slice3A_63, %slice3A_64 : vector<1x512xf32>
    %slice3A_66 = vector.extract_strided_slice %sub3A_61 {offsets = [2, 0], sizes = [1, 512], strides = [1, 1]} : vector<3x512xf32> to vector<1x512xf32>
    %slice3A_67 = vector.extract_strided_slice %sub3A_62 {offsets = [1, 0], sizes = [1, 512], strides = [1, 1]} : vector<3x512xf32> to vector<1x512xf32>
    %mul3A_68 = arith.mulf %slice3A_66, %slice3A_67 : vector<1x512xf32>
    %sub3A_69 = arith.subf %mul3A_65, %mul3A_68 : vector<1x512xf32>
    %slice3A_70 = vector.extract_strided_slice %sub3A_61 {offsets = [2, 0], sizes = [1, 512], strides = [1, 1]} : vector<3x512xf32> to vector<1x512xf32>
    %slice3A_71 = vector.extract_strided_slice %sub3A_62 {offsets = [0, 0], sizes = [1, 512], strides = [1, 1]} : vector<3x512xf32> to vector<1x512xf32>
    %mul3A_72 = arith.mulf %slice3A_70, %slice3A_71 : vector<1x512xf32>
    %slice3A_73 = vector.extract_strided_slice %sub3A_61 {offsets = [0, 0], sizes = [1, 512], strides = [1, 1]} : vector<3x512xf32> to vector<1x512xf32>
    %slice3A_74 = vector.extract_strided_slice %sub3A_62 {offsets = [2, 0], sizes = [1, 512], strides = [1, 1]} : vector<3x512xf32> to vector<1x512xf32>
    %mul3A_75 = arith.mulf %slice3A_73, %slice3A_74 : vector<1x512xf32>
    %sub3A_76 = arith.subf %mul3A_72, %mul3A_75 : vector<1x512xf32>
    %slice3A_77 = vector.extract_strided_slice %sub3A_61 {offsets = [0, 0], sizes = [1, 512], strides = [1, 1]} : vector<3x512xf32> to vector<1x512xf32>
    %slice3A_78 = vector.extract_strided_slice %sub3A_62 {offsets = [1, 0], sizes = [1, 512], strides = [1, 1]} : vector<3x512xf32> to vector<1x512xf32>
    %mul3A_79 = arith.mulf %slice3A_77, %slice3A_78 : vector<1x512xf32>
    %slice3A_80 = vector.extract_strided_slice %sub3A_61 {offsets = [1, 0], sizes = [1, 512], strides = [1, 1]} : vector<3x512xf32> to vector<1x512xf32>
    %slice3A_81 = vector.extract_strided_slice %sub3A_62 {offsets = [0, 0], sizes = [1, 512], strides = [1, 1]} : vector<3x512xf32> to vector<1x512xf32>
    %mul3A_82 = arith.mulf %slice3A_80, %slice3A_81 : vector<1x512xf32>
    %sub3A_83 = arith.subf %mul3A_79, %mul3A_82 : vector<1x512xf32>
    %concatenate3A_84 = tpu.concatenate %sub3A_69, %sub3A_76, %sub3A_83 in 0 : vector<1x512xf32>, vector<1x512xf32>, vector<1x512xf32> -> vector<3x512xf32>
    %mul3A_85 = arith.mulf %concatenate3A_84, %concatenate3A_84 : vector<3x512xf32>
    %reduce_sum3A_86 = arith.constant dense<0.000000e+00> : vector<512xf32>
    %reduce_sum3A_87 = vector.multi_reduction <add>, %mul3A_85, %reduce_sum3A_86 [0] : vector<3x512xf32> to vector<512xf32>
    %broadcast_in_dim3A_88 = vector.shape_cast %reduce_sum3A_87 : vector<512xf32> to vector<1x512xf32>
    %sqrt3A_89 = math.sqrt %broadcast_in_dim3A_88 : vector<1x512xf32>
    %mul3A_90 = arith.constant 5.000000e-01 : f32
    %mul3A_91 = vector.broadcast %mul3A_90 : f32 to vector<1x512xf32>
    %mul3A_92 = arith.mulf %mul3A_91, %sqrt3A_89 : vector<1x512xf32>
    %add3A_93 = arith.constant 9.99999993E-9 : f32
    %add3A_94 = vector.broadcast %add3A_93 : f32 to vector<1x512xf32>
    %add3A_95 = arith.addf %sqrt3A_89, %add3A_94 : vector<1x512xf32>
    %div3A_96 = vector.broadcast %add3A_95 : vector<1x512xf32> to vector<3x512xf32>
    %div3A_97 = arith.divf %concatenate3A_84, %div3A_96 : vector<3x512xf32>
    %slice3A_98 = vector.extract_strided_slice %get3A_1 {offsets = [0, 0], sizes = [9, 512], strides = [1, 1]} : vector<16x512xf32> to vector<9x512xf32>
    %sub3A_99 = arith.constant 0.000000e+00 : f32
    %sub3A_100 = vector.broadcast %sub3A_99 : f32 to vector<9x512xf32>
    %sub3A_101 = arith.subf %slice3A_98, %sub3A_100 : vector<9x512xf32>
    %mul3A_102 = arith.constant 1.280000e+02 : f32
    %mul3A_103 = vector.broadcast %mul3A_102 : f32 to vector<9x512xf32>
    %mul3A_104 = arith.mulf %sub3A_101, %mul3A_103 : vector<9x512xf32>
    %floor3A = math.floor %mul3A_104 : vector<9x512xf32>
    %jit3A = arith.constant 0.000000e+00 : f32
    %jit3A_105 = arith.constant 1.270000e+02 : f32
    %max3A = vector.broadcast %jit3A : f32 to vector<9x512xf32>
    %max3A_106 = arith.maximumf %max3A, %floor3A : vector<9x512xf32>
    %min3A = vector.broadcast %jit3A_105 : f32 to vector<9x512xf32>
    %min3A_107 = arith.minimumf %min3A, %max3A_106 : vector<9x512xf32>
    %add3A_108 = arith.constant 1.000000e+00 : f32
    %add3A_109 = vector.broadcast %add3A_108 : f32 to vector<9x512xf32>
    %add3A_110 = arith.addf %min3A_107, %add3A_109 : vector<9x512xf32>
    %mul3A_111 = vector.broadcast %slice3A_4 : vector<1x512xf32> to vector<9x512xf32>
    %mul3A_112 = arith.mulf %add3A_110, %mul3A_111 : vector<9x512xf32>
    %sub3A_113 = arith.constant -1.000000e+00 : f32
    %sub3A_114 = vector.broadcast %sub3A_113 : f32 to vector<3x512xf32>
    %sub3A_115 = arith.subf %div3A_97, %sub3A_114 : vector<3x512xf32>
    %mul3A_116 = arith.constant 6.400000e+01 : f32
    %mul3A_117 = vector.broadcast %mul3A_116 : f32 to vector<3x512xf32>
    %mul3A_118 = arith.mulf %sub3A_115, %mul3A_117 : vector<3x512xf32>
    %floor3A_119 = math.floor %mul3A_118 : vector<3x512xf32>
    %jit3A_120 = arith.constant 0.000000e+00 : f32
    %jit3A_121 = arith.constant 1.270000e+02 : f32
    %max3A_122 = vector.broadcast %jit3A_120 : f32 to vector<3x512xf32>
    %max3A_123 = arith.maximumf %max3A_122, %floor3A_119 : vector<3x512xf32>
    %min3A_124 = vector.broadcast %jit3A_121 : f32 to vector<3x512xf32>
    %min3A_125 = arith.minimumf %min3A_124, %max3A_123 : vector<3x512xf32>
    %add3A_126 = arith.constant 1.000000e+00 : f32
    %add3A_127 = vector.broadcast %add3A_126 : f32 to vector<3x512xf32>
    %add3A_128 = arith.addf %min3A_125, %add3A_127 : vector<3x512xf32>
    %mul3A_129 = vector.broadcast %slice3A_4 : vector<1x512xf32> to vector<3x512xf32>
    %mul3A_130 = arith.mulf %add3A_128, %mul3A_129 : vector<3x512xf32>
    %sub3A_131 = arith.constant 0.000000e+00 : f32
    %sub3A_132 = vector.broadcast %sub3A_131 : f32 to vector<1x512xf32>
    %sub3A_133 = arith.subf %mul3A_92, %sub3A_132 : vector<1x512xf32>
    %mul3A_134 = arith.constant 2.560000e+02 : f32
    %mul3A_135 = vector.broadcast %mul3A_134 : f32 to vector<1x512xf32>
    %mul3A_136 = arith.mulf %sub3A_133, %mul3A_135 : vector<1x512xf32>
    %floor3A_137 = math.floor %mul3A_136 : vector<1x512xf32>
    %jit3A_138 = arith.constant 0.000000e+00 : f32
    %jit3A_139 = arith.constant 1.270000e+02 : f32
    %max3A_140 = vector.broadcast %jit3A_138 : f32 to vector<1x512xf32>
    %max3A_141 = arith.maximumf %max3A_140, %floor3A_137 : vector<1x512xf32>
    %min3A_142 = vector.broadcast %jit3A_139 : f32 to vector<1x512xf32>
    %min3A_143 = arith.minimumf %min3A_142, %max3A_141 : vector<1x512xf32>
    %add3A_144 = arith.constant 1.000000e+00 : f32
    %add3A_145 = vector.broadcast %add3A_144 : f32 to vector<1x512xf32>
    %add3A_146 = arith.addf %min3A_143, %add3A_145 : vector<1x512xf32>
    %mul3A_147 = arith.mulf %add3A_146, %slice3A_4 : vector<1x512xf32>
    %gt3A = arith.constant 5.000000e-01 : f32
    %gt3A_148 = vector.broadcast %gt3A : f32 to vector<1x512xf32>
    %gt3A_149 = arith.cmpf ogt, %slice3A_4, %gt3A_148 : vector<1x512xf32>
    %jit3A_150 = arith.constant 2.000000e+00 : f32
    %broadcast_in_dim3A_151 = vector.shape_cast %gt3A_149 : vector<1x512xi1> to vector<1x512xi1>
    %broadcast_in_dim3A_152 = vector.broadcast %broadcast_in_dim3A_151 : vector<1x512xi1> to vector<3x512xi1>
    %broadcast_in_dim3A_153 = vector.broadcast %jit3A_150 : f32 to vector<3x512xf32>
    %select_n3A = arith.select %broadcast_in_dim3A_152, %concatenate3A, %broadcast_in_dim3A_153 : vector<3x512xi1>, vector<3x512xf32>
    %concatenate3A_154 = tpu.concatenate %mul3A_112, %mul3A_130, %mul3A_147, %select_n3A in 0 : vector<9x512xf32>, vector<3x512xf32>, vector<1x512xf32>, vector<3x512xf32> -> vector<16x512xf32>
    %iota3A = tpu.iota {dimensions = array<i32: 0>} : vector<16x16xi32>
    %iota3A_155 = tpu.iota {dimensions = array<i32: 1>} : vector<16x16xi32>
    %eq3A = arith.cmpi eq, %iota3A, %iota3A_155 : vector<16x16xi32>
    %convert_element_type3A = arith.extui %eq3A : vector<16x16xi1> to vector<16x16xi32>
    %convert_element_type3A_156 = arith.sitofp %convert_element_type3A : vector<16x16xi32> to vector<16x16xf32>
    %dot_general3A = arith.constant dense<0.000000e+00> : vector<512x16xf32>
    %dot_general3A_157 = tpu.matmul %concatenate3A_154, %convert_element_type3A_156, %dot_general3A {dimension_numbers = #tpu.dot_dimension_numbers<[0], [0], [1], [1], [0, 1, 1, 1], [], []>, precision = #tpu.contract_precision<fp32>, transpose_lhs_hint = false} : vector<16x512xf32>, vector<16x16xf32>, vector<512x16xf32> -> vector<512x16xf32>
    %iota3A_158 = tpu.iota {dimensions = array<i32: 1>} : vector<1x129xi32>
    %convert_element_type3A_159 = arith.sitofp %iota3A_158 : vector<1x129xi32> to vector<1x129xf32>
    %get3A_160 = arith.constant 0 : index
    %get3A_161 = arith.constant 0 : index
    %get3A_162 = vector.load %arg2[%get3A_160, %get3A_161] : memref<1x129xf32, #tpu.memory_space<vmem>>, vector<1x129xf32>
    %get3A_163 = arith.constant 0 : index
    %get3A_164 = arith.constant 0 : index
    %get3A_165 = vector.load %arg3[%get3A_163, %get3A_164] : memref<1x129xf32, #tpu.memory_space<vmem>>, vector<1x129xf32>
    %get3A_166 = arith.constant 0 : index
    %get3A_167 = arith.constant 0 : index
    %get3A_168 = vector.load %arg4[%get3A_166, %get3A_167] : memref<129x64xf32, #tpu.memory_space<vmem>>, vector<129x64xf32>
    %slice3A_169 = vector.extract_strided_slice %dot_general3A_157 {offsets = [0, 0], sizes = [512, 1], strides = [1, 1]} : vector<512x16xf32> to vector<512x1xf32>
    %eq3A_170 = vector.broadcast %slice3A_169 : vector<512x1xf32> to vector<512x129xf32>
    %eq3A_171 = vector.broadcast %convert_element_type3A_159 : vector<1x129xf32> to vector<512x129xf32>
    %eq3A_172 = arith.cmpf oeq, %eq3A_170, %eq3A_171 : vector<512x129xf32>
    %convert_element_type3A_173 = arith.extui %eq3A_172 : vector<512x129xi1> to vector<512x129xi32>
    %convert_element_type3A_174 = arith.sitofp %convert_element_type3A_173 : vector<512x129xi32> to vector<512x129xf32>
    %dot_general3A_175 = arith.constant dense<0.000000e+00> : vector<512x64xf32>
    %dot_general3A_176 = tpu.matmul %convert_element_type3A_174, %get3A_168, %dot_general3A_175 {dimension_numbers = #tpu.dot_dimension_numbers<[1], [0], [0], [1], [0, 0, 1, 1], [], []>, precision = #tpu.contract_precision<fp32>, transpose_lhs_hint = false} : vector<512x129xf32>, vector<129x64xf32>, vector<512x64xf32> -> vector<512x64xf32>
    %slice3A_177 = vector.extract_strided_slice %dot_general3A_157 {offsets = [0, 1], sizes = [512, 1], strides = [1, 1]} : vector<512x16xf32> to vector<512x1xf32>
    %eq3A_178 = vector.broadcast %slice3A_177 : vector<512x1xf32> to vector<512x129xf32>
    %eq3A_179 = vector.broadcast %convert_element_type3A_159 : vector<1x129xf32> to vector<512x129xf32>
    %eq3A_180 = arith.cmpf oeq, %eq3A_178, %eq3A_179 : vector<512x129xf32>
    %convert_element_type3A_181 = arith.extui %eq3A_180 : vector<512x129xi1> to vector<512x129xi32>
    %convert_element_type3A_182 = arith.sitofp %convert_element_type3A_181 : vector<512x129xi32> to vector<512x129xf32>
    %dot_general3A_183 = arith.constant dense<0.000000e+00> : vector<512x64xf32>
    %dot_general3A_184 = tpu.matmul %convert_element_type3A_182, %get3A_168, %dot_general3A_183 {dimension_numbers = #tpu.dot_dimension_numbers<[1], [0], [0], [1], [0, 0, 1, 1], [], []>, precision = #tpu.contract_precision<fp32>, transpose_lhs_hint = false} : vector<512x129xf32>, vector<129x64xf32>, vector<512x64xf32> -> vector<512x64xf32>
    %slice3A_185 = vector.extract_strided_slice %dot_general3A_157 {offsets = [0, 2], sizes = [512, 1], strides = [1, 1]} : vector<512x16xf32> to vector<512x1xf32>
    %eq3A_186 = vector.broadcast %slice3A_185 : vector<512x1xf32> to vector<512x129xf32>
    %eq3A_187 = vector.broadcast %convert_element_type3A_159 : vector<1x129xf32> to vector<512x129xf32>
    %eq3A_188 = arith.cmpf oeq, %eq3A_186, %eq3A_187 : vector<512x129xf32>
    %convert_element_type3A_189 = arith.extui %eq3A_188 : vector<512x129xi1> to vector<512x129xi32>
    %convert_element_type3A_190 = arith.sitofp %convert_element_type3A_189 : vector<512x129xi32> to vector<512x129xf32>
    %dot_general3A_191 = arith.constant dense<0.000000e+00> : vector<512x64xf32>
    %dot_general3A_192 = tpu.matmul %convert_element_type3A_190, %get3A_168, %dot_general3A_191 {dimension_numbers = #tpu.dot_dimension_numbers<[1], [0], [0], [1], [0, 0, 1, 1], [], []>, precision = #tpu.contract_precision<fp32>, transpose_lhs_hint = false} : vector<512x129xf32>, vector<129x64xf32>, vector<512x64xf32> -> vector<512x64xf32>
    %slice3A_193 = vector.extract_strided_slice %dot_general3A_157 {offsets = [0, 3], sizes = [512, 1], strides = [1, 1]} : vector<512x16xf32> to vector<512x1xf32>
    %eq3A_194 = vector.broadcast %slice3A_193 : vector<512x1xf32> to vector<512x129xf32>
    %eq3A_195 = vector.broadcast %convert_element_type3A_159 : vector<1x129xf32> to vector<512x129xf32>
    %eq3A_196 = arith.cmpf oeq, %eq3A_194, %eq3A_195 : vector<512x129xf32>
    %convert_element_type3A_197 = arith.extui %eq3A_196 : vector<512x129xi1> to vector<512x129xi32>
    %convert_element_type3A_198 = arith.sitofp %convert_element_type3A_197 : vector<512x129xi32> to vector<512x129xf32>
    %dot_general3A_199 = arith.constant dense<0.000000e+00> : vector<512x64xf32>
    %dot_general3A_200 = tpu.matmul %convert_element_type3A_198, %get3A_168, %dot_general3A_199 {dimension_numbers = #tpu.dot_dimension_numbers<[1], [0], [0], [1], [0, 0, 1, 1], [], []>, precision = #tpu.contract_precision<fp32>, transpose_lhs_hint = false} : vector<512x129xf32>, vector<129x64xf32>, vector<512x64xf32> -> vector<512x64xf32>
    %slice3A_201 = vector.extract_strided_slice %dot_general3A_157 {offsets = [0, 4], sizes = [512, 1], strides = [1, 1]} : vector<512x16xf32> to vector<512x1xf32>
    %eq3A_202 = vector.broadcast %slice3A_201 : vector<512x1xf32> to vector<512x129xf32>
    %eq3A_203 = vector.broadcast %convert_element_type3A_159 : vector<1x129xf32> to vector<512x129xf32>
    %eq3A_204 = arith.cmpf oeq, %eq3A_202, %eq3A_203 : vector<512x129xf32>
    %convert_element_type3A_205 = arith.extui %eq3A_204 : vector<512x129xi1> to vector<512x129xi32>
    %convert_element_type3A_206 = arith.sitofp %convert_element_type3A_205 : vector<512x129xi32> to vector<512x129xf32>
    %dot_general3A_207 = arith.constant dense<0.000000e+00> : vector<512x64xf32>
    %dot_general3A_208 = tpu.matmul %convert_element_type3A_206, %get3A_168, %dot_general3A_207 {dimension_numbers = #tpu.dot_dimension_numbers<[1], [0], [0], [1], [0, 0, 1, 1], [], []>, precision = #tpu.contract_precision<fp32>, transpose_lhs_hint = false} : vector<512x129xf32>, vector<129x64xf32>, vector<512x64xf32> -> vector<512x64xf32>
    %slice3A_209 = vector.extract_strided_slice %dot_general3A_157 {offsets = [0, 5], sizes = [512, 1], strides = [1, 1]} : vector<512x16xf32> to vector<512x1xf32>
    %eq3A_210 = vector.broadcast %slice3A_209 : vector<512x1xf32> to vector<512x129xf32>
    %eq3A_211 = vector.broadcast %convert_element_type3A_159 : vector<1x129xf32> to vector<512x129xf32>
    %eq3A_212 = arith.cmpf oeq, %eq3A_210, %eq3A_211 : vector<512x129xf32>
    %convert_element_type3A_213 = arith.extui %eq3A_212 : vector<512x129xi1> to vector<512x129xi32>
    %convert_element_type3A_214 = arith.sitofp %convert_element_type3A_213 : vector<512x129xi32> to vector<512x129xf32>
    %dot_general3A_215 = arith.constant dense<0.000000e+00> : vector<512x64xf32>
    %dot_general3A_216 = tpu.matmul %convert_element_type3A_214, %get3A_168, %dot_general3A_215 {dimension_numbers = #tpu.dot_dimension_numbers<[1], [0], [0], [1], [0, 0, 1, 1], [], []>, precision = #tpu.contract_precision<fp32>, transpose_lhs_hint = false} : vector<512x129xf32>, vector<129x64xf32>, vector<512x64xf32> -> vector<512x64xf32>
    %slice3A_217 = vector.extract_strided_slice %dot_general3A_157 {offsets = [0, 6], sizes = [512, 1], strides = [1, 1]} : vector<512x16xf32> to vector<512x1xf32>
    %eq3A_218 = vector.broadcast %slice3A_217 : vector<512x1xf32> to vector<512x129xf32>
    %eq3A_219 = vector.broadcast %convert_element_type3A_159 : vector<1x129xf32> to vector<512x129xf32>
    %eq3A_220 = arith.cmpf oeq, %eq3A_218, %eq3A_219 : vector<512x129xf32>
    %convert_element_type3A_221 = arith.extui %eq3A_220 : vector<512x129xi1> to vector<512x129xi32>
    %convert_element_type3A_222 = arith.sitofp %convert_element_type3A_221 : vector<512x129xi32> to vector<512x129xf32>
    %dot_general3A_223 = arith.constant dense<0.000000e+00> : vector<512x64xf32>
    %dot_general3A_224 = tpu.matmul %convert_element_type3A_222, %get3A_168, %dot_general3A_223 {dimension_numbers = #tpu.dot_dimension_numbers<[1], [0], [0], [1], [0, 0, 1, 1], [], []>, precision = #tpu.contract_precision<fp32>, transpose_lhs_hint = false} : vector<512x129xf32>, vector<129x64xf32>, vector<512x64xf32> -> vector<512x64xf32>
    %slice3A_225 = vector.extract_strided_slice %dot_general3A_157 {offsets = [0, 7], sizes = [512, 1], strides = [1, 1]} : vector<512x16xf32> to vector<512x1xf32>
    %eq3A_226 = vector.broadcast %slice3A_225 : vector<512x1xf32> to vector<512x129xf32>
    %eq3A_227 = vector.broadcast %convert_element_type3A_159 : vector<1x129xf32> to vector<512x129xf32>
    %eq3A_228 = arith.cmpf oeq, %eq3A_226, %eq3A_227 : vector<512x129xf32>
    %convert_element_type3A_229 = arith.extui %eq3A_228 : vector<512x129xi1> to vector<512x129xi32>
    %convert_element_type3A_230 = arith.sitofp %convert_element_type3A_229 : vector<512x129xi32> to vector<512x129xf32>
    %dot_general3A_231 = arith.constant dense<0.000000e+00> : vector<512x64xf32>
    %dot_general3A_232 = tpu.matmul %convert_element_type3A_230, %get3A_168, %dot_general3A_231 {dimension_numbers = #tpu.dot_dimension_numbers<[1], [0], [0], [1], [0, 0, 1, 1], [], []>, precision = #tpu.contract_precision<fp32>, transpose_lhs_hint = false} : vector<512x129xf32>, vector<129x64xf32>, vector<512x64xf32> -> vector<512x64xf32>
    %slice3A_233 = vector.extract_strided_slice %dot_general3A_157 {offsets = [0, 8], sizes = [512, 1], strides = [1, 1]} : vector<512x16xf32> to vector<512x1xf32>
    %eq3A_234 = vector.broadcast %slice3A_233 : vector<512x1xf32> to vector<512x129xf32>
    %eq3A_235 = vector.broadcast %convert_element_type3A_159 : vector<1x129xf32> to vector<512x129xf32>
    %eq3A_236 = arith.cmpf oeq, %eq3A_234, %eq3A_235 : vector<512x129xf32>
    %convert_element_type3A_237 = arith.extui %eq3A_236 : vector<512x129xi1> to vector<512x129xi32>
    %convert_element_type3A_238 = arith.sitofp %convert_element_type3A_237 : vector<512x129xi32> to vector<512x129xf32>
    %dot_general3A_239 = arith.constant dense<0.000000e+00> : vector<512x64xf32>
    %dot_general3A_240 = tpu.matmul %convert_element_type3A_238, %get3A_168, %dot_general3A_239 {dimension_numbers = #tpu.dot_dimension_numbers<[1], [0], [0], [1], [0, 0, 1, 1], [], []>, precision = #tpu.contract_precision<fp32>, transpose_lhs_hint = false} : vector<512x129xf32>, vector<129x64xf32>, vector<512x64xf32> -> vector<512x64xf32>
    %get3A_241 = arith.constant 0 : index
    %get3A_242 = arith.constant 0 : index
    %get3A_243 = vector.load %arg5[%get3A_241, %get3A_242] : memref<129x64xf32, #tpu.memory_space<vmem>>, vector<129x64xf32>
    %slice3A_244 = vector.extract_strided_slice %dot_general3A_157 {offsets = [0, 13], sizes = [512, 1], strides = [1, 1]} : vector<512x16xf32> to vector<512x1xf32>
    %le3A = vector.broadcast %slice3A_244 : vector<512x1xf32> to vector<512x129xf32>
    %le3A_245 = vector.broadcast %get3A_162 : vector<1x129xf32> to vector<512x129xf32>
    %le3A_246 = arith.cmpf ole, %le3A, %le3A_245 : vector<512x129xf32>
    %convert_element_type3A_247 = arith.extui %le3A_246 : vector<512x129xi1> to vector<512x129xi32>
    %convert_element_type3A_248 = arith.sitofp %convert_element_type3A_247 : vector<512x129xi32> to vector<512x129xf32>
    %le3A_249 = vector.broadcast %slice3A_244 : vector<512x1xf32> to vector<512x129xf32>
    %le3A_250 = vector.broadcast %get3A_165 : vector<1x129xf32> to vector<512x129xf32>
    %le3A_251 = arith.cmpf ole, %le3A_249, %le3A_250 : vector<512x129xf32>
    %convert_element_type3A_252 = arith.extui %le3A_251 : vector<512x129xi1> to vector<512x129xi32>
    %convert_element_type3A_253 = arith.sitofp %convert_element_type3A_252 : vector<512x129xi32> to vector<512x129xf32>
    %sub3A_254 = arith.subf %convert_element_type3A_248, %convert_element_type3A_253 : vector<512x129xf32>
    %dot_general3A_255 = arith.constant dense<0.000000e+00> : vector<512x64xf32>
    %dot_general3A_256 = tpu.matmul %sub3A_254, %get3A_243, %dot_general3A_255 {dimension_numbers = #tpu.dot_dimension_numbers<[1], [0], [0], [1], [0, 0, 1, 1], [], []>, precision = #tpu.contract_precision<fp32>, transpose_lhs_hint = false} : vector<512x129xf32>, vector<129x64xf32>, vector<512x64xf32> -> vector<512x64xf32>
    %slice3A_257 = vector.extract_strided_slice %dot_general3A_157 {offsets = [0, 14], sizes = [512, 1], strides = [1, 1]} : vector<512x16xf32> to vector<512x1xf32>
    %le3A_258 = vector.broadcast %slice3A_257 : vector<512x1xf32> to vector<512x129xf32>
    %le3A_259 = vector.broadcast %get3A_162 : vector<1x129xf32> to vector<512x129xf32>
    %le3A_260 = arith.cmpf ole, %le3A_258, %le3A_259 : vector<512x129xf32>
    %convert_element_type3A_261 = arith.extui %le3A_260 : vector<512x129xi1> to vector<512x129xi32>
    %convert_element_type3A_262 = arith.sitofp %convert_element_type3A_261 : vector<512x129xi32> to vector<512x129xf32>
    %le3A_263 = vector.broadcast %slice3A_257 : vector<512x1xf32> to vector<512x129xf32>
    %le3A_264 = vector.broadcast %get3A_165 : vector<1x129xf32> to vector<512x129xf32>
    %le3A_265 = arith.cmpf ole, %le3A_263, %le3A_264 : vector<512x129xf32>
    %convert_element_type3A_266 = arith.extui %le3A_265 : vector<512x129xi1> to vector<512x129xi32>
    %convert_element_type3A_267 = arith.sitofp %convert_element_type3A_266 : vector<512x129xi32> to vector<512x129xf32>
    %sub3A_268 = arith.subf %convert_element_type3A_262, %convert_element_type3A_267 : vector<512x129xf32>
    %dot_general3A_269 = arith.constant dense<0.000000e+00> : vector<512x64xf32>
    %dot_general3A_270 = tpu.matmul %sub3A_268, %get3A_243, %dot_general3A_269 {dimension_numbers = #tpu.dot_dimension_numbers<[1], [0], [0], [1], [0, 0, 1, 1], [], []>, precision = #tpu.contract_precision<fp32>, transpose_lhs_hint = false} : vector<512x129xf32>, vector<129x64xf32>, vector<512x64xf32> -> vector<512x64xf32>
    %slice3A_271 = vector.extract_strided_slice %dot_general3A_157 {offsets = [0, 15], sizes = [512, 1], strides = [1, 1]} : vector<512x16xf32> to vector<512x1xf32>
    %le3A_272 = vector.broadcast %slice3A_271 : vector<512x1xf32> to vector<512x129xf32>
    %le3A_273 = vector.broadcast %get3A_162 : vector<1x129xf32> to vector<512x129xf32>
    %le3A_274 = arith.cmpf ole, %le3A_272, %le3A_273 : vector<512x129xf32>
    %convert_element_type3A_275 = arith.extui %le3A_274 : vector<512x129xi1> to vector<512x129xi32>
    %convert_element_type3A_276 = arith.sitofp %convert_element_type3A_275 : vector<512x129xi32> to vector<512x129xf32>
    %le3A_277 = vector.broadcast %slice3A_271 : vector<512x1xf32> to vector<512x129xf32>
    %le3A_278 = vector.broadcast %get3A_165 : vector<1x129xf32> to vector<512x129xf32>
    %le3A_279 = arith.cmpf ole, %le3A_277, %le3A_278 : vector<512x129xf32>
    %convert_element_type3A_280 = arith.extui %le3A_279 : vector<512x129xi1> to vector<512x129xi32>
    %convert_element_type3A_281 = arith.sitofp %convert_element_type3A_280 : vector<512x129xi32> to vector<512x129xf32>
    %sub3A_282 = arith.subf %convert_element_type3A_276, %convert_element_type3A_281 : vector<512x129xf32>
    %dot_general3A_283 = arith.constant dense<0.000000e+00> : vector<512x64xf32>
    %dot_general3A_284 = tpu.matmul %sub3A_282, %get3A_243, %dot_general3A_283 {dimension_numbers = #tpu.dot_dimension_numbers<[1], [0], [0], [1], [0, 0, 1, 1], [], []>, precision = #tpu.contract_precision<fp32>, transpose_lhs_hint = false} : vector<512x129xf32>, vector<129x64xf32>, vector<512x64xf32> -> vector<512x64xf32>
    %get3A_285 = arith.constant 0 : index
    %get3A_286 = arith.constant 0 : index
    %get3A_287 = vector.load %arg6[%get3A_285, %get3A_286] : memref<129x64xf32, #tpu.memory_space<vmem>>, vector<129x64xf32>
    %slice3A_288 = vector.extract_strided_slice %dot_general3A_157 {offsets = [0, 9], sizes = [512, 1], strides = [1, 1]} : vector<512x16xf32> to vector<512x1xf32>
    %eq3A_289 = vector.broadcast %slice3A_288 : vector<512x1xf32> to vector<512x129xf32>
    %eq3A_290 = vector.broadcast %convert_element_type3A_159 : vector<1x129xf32> to vector<512x129xf32>
    %eq3A_291 = arith.cmpf oeq, %eq3A_289, %eq3A_290 : vector<512x129xf32>
    %convert_element_type3A_292 = arith.extui %eq3A_291 : vector<512x129xi1> to vector<512x129xi32>
    %convert_element_type3A_293 = arith.sitofp %convert_element_type3A_292 : vector<512x129xi32> to vector<512x129xf32>
    %dot_general3A_294 = arith.constant dense<0.000000e+00> : vector<512x64xf32>
    %dot_general3A_295 = tpu.matmul %convert_element_type3A_293, %get3A_287, %dot_general3A_294 {dimension_numbers = #tpu.dot_dimension_numbers<[1], [0], [0], [1], [0, 0, 1, 1], [], []>, precision = #tpu.contract_precision<fp32>, transpose_lhs_hint = false} : vector<512x129xf32>, vector<129x64xf32>, vector<512x64xf32> -> vector<512x64xf32>
    %slice3A_296 = vector.extract_strided_slice %dot_general3A_157 {offsets = [0, 10], sizes = [512, 1], strides = [1, 1]} : vector<512x16xf32> to vector<512x1xf32>
    %eq3A_297 = vector.broadcast %slice3A_296 : vector<512x1xf32> to vector<512x129xf32>
    %eq3A_298 = vector.broadcast %convert_element_type3A_159 : vector<1x129xf32> to vector<512x129xf32>
    %eq3A_299 = arith.cmpf oeq, %eq3A_297, %eq3A_298 : vector<512x129xf32>
    %convert_element_type3A_300 = arith.extui %eq3A_299 : vector<512x129xi1> to vector<512x129xi32>
    %convert_element_type3A_301 = arith.sitofp %convert_element_type3A_300 : vector<512x129xi32> to vector<512x129xf32>
    %dot_general3A_302 = arith.constant dense<0.000000e+00> : vector<512x64xf32>
    %dot_general3A_303 = tpu.matmul %convert_element_type3A_301, %get3A_287, %dot_general3A_302 {dimension_numbers = #tpu.dot_dimension_numbers<[1], [0], [0], [1], [0, 0, 1, 1], [], []>, precision = #tpu.contract_precision<fp32>, transpose_lhs_hint = false} : vector<512x129xf32>, vector<129x64xf32>, vector<512x64xf32> -> vector<512x64xf32>
    %slice3A_304 = vector.extract_strided_slice %dot_general3A_157 {offsets = [0, 11], sizes = [512, 1], strides = [1, 1]} : vector<512x16xf32> to vector<512x1xf32>
    %eq3A_305 = vector.broadcast %slice3A_304 : vector<512x1xf32> to vector<512x129xf32>
    %eq3A_306 = vector.broadcast %convert_element_type3A_159 : vector<1x129xf32> to vector<512x129xf32>
    %eq3A_307 = arith.cmpf oeq, %eq3A_305, %eq3A_306 : vector<512x129xf32>
    %convert_element_type3A_308 = arith.extui %eq3A_307 : vector<512x129xi1> to vector<512x129xi32>
    %convert_element_type3A_309 = arith.sitofp %convert_element_type3A_308 : vector<512x129xi32> to vector<512x129xf32>
    %dot_general3A_310 = arith.constant dense<0.000000e+00> : vector<512x64xf32>
    %dot_general3A_311 = tpu.matmul %convert_element_type3A_309, %get3A_287, %dot_general3A_310 {dimension_numbers = #tpu.dot_dimension_numbers<[1], [0], [0], [1], [0, 0, 1, 1], [], []>, precision = #tpu.contract_precision<fp32>, transpose_lhs_hint = false} : vector<512x129xf32>, vector<129x64xf32>, vector<512x64xf32> -> vector<512x64xf32>
    %get3A_312 = arith.constant 0 : index
    %get3A_313 = arith.constant 0 : index
    %get3A_314 = vector.load %arg7[%get3A_312, %get3A_313] : memref<129x64xf32, #tpu.memory_space<vmem>>, vector<129x64xf32>
    %slice3A_315 = vector.extract_strided_slice %dot_general3A_157 {offsets = [0, 12], sizes = [512, 1], strides = [1, 1]} : vector<512x16xf32> to vector<512x1xf32>
    %eq3A_316 = vector.broadcast %slice3A_315 : vector<512x1xf32> to vector<512x129xf32>
    %eq3A_317 = vector.broadcast %convert_element_type3A_159 : vector<1x129xf32> to vector<512x129xf32>
    %eq3A_318 = arith.cmpf oeq, %eq3A_316, %eq3A_317 : vector<512x129xf32>
    %convert_element_type3A_319 = arith.extui %eq3A_318 : vector<512x129xi1> to vector<512x129xi32>
    %convert_element_type3A_320 = arith.sitofp %convert_element_type3A_319 : vector<512x129xi32> to vector<512x129xf32>
    %dot_general3A_321 = arith.constant dense<0.000000e+00> : vector<512x64xf32>
    %dot_general3A_322 = tpu.matmul %convert_element_type3A_320, %get3A_314, %dot_general3A_321 {dimension_numbers = #tpu.dot_dimension_numbers<[1], [0], [0], [1], [0, 0, 1, 1], [], []>, precision = #tpu.contract_precision<fp32>, transpose_lhs_hint = false} : vector<512x129xf32>, vector<129x64xf32>, vector<512x64xf32> -> vector<512x64xf32>
    %concatenate3A_323 = tpu.concatenate %dot_general3A_176, %dot_general3A_184, %dot_general3A_192, %dot_general3A_200, %dot_general3A_208, %dot_general3A_216, %dot_general3A_224, %dot_general3A_232, %dot_general3A_240, %dot_general3A_256, %dot_general3A_270, %dot_general3A_284, %dot_general3A_295, %dot_general3A_303, %dot_general3A_311, %dot_general3A_322 in 1 : vector<512x64xf32>, vector<512x64xf32>, vector<512x64xf32>, vector<512x64xf32>, vector<512x64xf32>, vector<512x64xf32>, vector<512x64xf32>, vector<512x64xf32>, vector<512x64xf32>, vector<512x64xf32>, vector<512x64xf32>, vector<512x64xf32>, vector<512x64xf32>, vector<512x64xf32>, vector<512x64xf32>, vector<512x64xf32> -> vector<512x1024xf32>
    %get3A_324 = arith.constant 0 : index
    %get3A_325 = arith.constant 0 : index
    %get3A_326 = vector.load %arg8[%get3A_324, %get3A_325] : memref<1024x512xf32, #tpu.memory_space<vmem>>, vector<1024x512xf32>
    %dot_general3A_327 = arith.constant dense<0.000000e+00> : vector<512x512xf32>
    %dot_general3A_328 = tpu.matmul %concatenate3A_323, %get3A_326, %dot_general3A_327 {dimension_numbers = #tpu.dot_dimension_numbers<[1], [0], [0], [1], [0, 0, 1, 1], [], []>, precision = #tpu.contract_precision<fp32>, transpose_lhs_hint = false} : vector<512x1024xf32>, vector<1024x512xf32>, vector<512x512xf32> -> vector<512x512xf32>
    %get3A_329 = arith.constant 0 : index
    %get3A_330 = arith.constant 0 : index
    %get3A_331 = vector.load %arg9[%get3A_329, %get3A_330] : memref<1x512xf32, #tpu.memory_space<vmem>>, vector<1x512xf32>
    %add3A_332 = vector.broadcast %get3A_331 : vector<1x512xf32> to vector<512x512xf32>
    %add3A_333 = arith.addf %dot_general3A_328, %add3A_332 : vector<512x512xf32>
    %integer_pow3A = arith.mulf %add3A_333, %add3A_333 : vector<512x512xf32>
    %integer_pow3A_334 = arith.mulf %add3A_333, %integer_pow3A : vector<512x512xf32>
    %mul3A_335 = arith.constant 4.471500e-02 : f32
    %mul3A_336 = vector.broadcast %mul3A_335 : f32 to vector<512x512xf32>
    %mul3A_337 = arith.mulf %mul3A_336, %integer_pow3A_334 : vector<512x512xf32>
    %add3A_338 = arith.addf %add3A_333, %mul3A_337 : vector<512x512xf32>
    %mul3A_339 = arith.constant 0.797884583 : f32
    %mul3A_340 = vector.broadcast %mul3A_339 : f32 to vector<512x512xf32>
    %mul3A_341 = arith.mulf %mul3A_340, %add3A_338 : vector<512x512xf32>
    %tanh3A = math.tanh %mul3A_341 : vector<512x512xf32>
    %add3A_342 = arith.constant 1.000000e+00 : f32
    %add3A_343 = vector.broadcast %add3A_342 : f32 to vector<512x512xf32>
    %add3A_344 = arith.addf %add3A_343, %tanh3A : vector<512x512xf32>
    %mul3A_345 = arith.constant 5.000000e-01 : f32
    %mul3A_346 = vector.broadcast %mul3A_345 : f32 to vector<512x512xf32>
    %mul3A_347 = arith.mulf %mul3A_346, %add3A_344 : vector<512x512xf32>
    %mul3A_348 = arith.mulf %add3A_333, %mul3A_347 : vector<512x512xf32>
    %get3A_349 = arith.constant 0 : index
    %get3A_350 = arith.constant 0 : index
    %get3A_351 = vector.load %arg10[%get3A_349, %get3A_350] : memref<512x512xf32, #tpu.memory_space<vmem>>, vector<512x512xf32>
    %dot_general3A_352 = arith.constant dense<0.000000e+00> : vector<512x512xf32>
    %dot_general3A_353 = tpu.matmul %mul3A_348, %get3A_351, %dot_general3A_352 {dimension_numbers = #tpu.dot_dimension_numbers<[1], [0], [0], [1], [0, 0, 1, 1], [], []>, precision = #tpu.contract_precision<fp32>, transpose_lhs_hint = false} : vector<512x512xf32>, vector<512x512xf32>, vector<512x512xf32> -> vector<512x512xf32>
    %get3A_354 = arith.constant 0 : index
    %get3A_355 = arith.constant 0 : index
    %get3A_356 = vector.load %arg11[%get3A_354, %get3A_355] : memref<1x512xf32, #tpu.memory_space<vmem>>, vector<1x512xf32>
    %add3A_357 = vector.broadcast %get3A_356 : vector<1x512xf32> to vector<512x512xf32>
    %add3A_358 = arith.addf %dot_general3A_353, %add3A_357 : vector<512x512xf32>
    %max3A_359 = arith.constant 0.000000e+00 : f32
    %max3A_360 = vector.broadcast %max3A_359 : f32 to vector<512x512xf32>
    %max3A_361 = arith.maximumf %add3A_358, %max3A_360 : vector<512x512xf32>
    %lt3A = arith.constant 98 : i32
    %lt3A_362 = arith.cmpi slt, %arg0, %lt3A : i32
    %convert_element_type3A_363 = arith.extui %lt3A_362 : i1 to i32
    %convert_element_type3A_364 = arith.sitofp %convert_element_type3A_363 : i32 to f32
    %mul3A_365 = vector.broadcast %convert_element_type3A_364 : f32 to vector<512x512xf32>
    %mul3A_366 = arith.mulf %mul3A_348, %mul3A_365 : vector<512x512xf32>
    %swap3A = arith.constant 0 : index
    %swap3A_367 = arith.constant 0 : index
    %swap3A_368 = vector.load %arg12[%swap3A, %swap3A_367] : memref<512x512xf32, #tpu.memory_space<vmem>>, vector<512x512xf32>
    tpu.vector_store %arg12[%swap3A, %swap3A_367], %mul3A_366 {strides = array<i32>} : memref<512x512xf32, #tpu.memory_space<vmem>>, vector<512x512xf32>,
    %broadcast_in_dim3A_369 = arith.constant 1.000000e+00 : f32
    %broadcast_in_dim3A_370 = vector.broadcast %broadcast_in_dim3A_369 : f32 to vector<512x128xf32>
    %concatenate3A_371 = tpu.concatenate %max3A_361, %broadcast_in_dim3A_370 in 1 : vector<512x512xf32>, vector<512x128xf32> -> vector<512x640xf32>
    %mul3A_372 = vector.broadcast %convert_element_type3A_364 : f32 to vector<512x640xf32>
    %mul3A_373 = arith.mulf %concatenate3A_371, %mul3A_372 : vector<512x640xf32>
    %swap3A_374 = arith.constant 0 : index
    %swap3A_375 = arith.constant 0 : index
    %swap3A_376 = vector.load %arg13[%swap3A_374, %swap3A_375] : memref<512x640xf32, #tpu.memory_space<vmem>>, vector<512x640xf32>
    tpu.vector_store %arg13[%swap3A_374, %swap3A_375], %mul3A_373 {strides = array<i32>} : memref<512x640xf32, #tpu.memory_space<vmem>>, vector<512x640xf32>,
    return
  }
  func.func @transform_0(%arg0: i32) -> (i32, i32) {
    %min3A = arith.constant 97 : i32
    %min3A_0 = arith.minsi %arg0, %min3A : i32
    %c0_i32 = arith.constant 0 : i32
    %c0_i32_1 = arith.constant 0 : i32
    return %c0_i32, %min3A_0 : i32, i32
  }
  func.func @transform_1(%arg0: i32) -> (i32, i32) {
    %c0_i32 = arith.constant 0 : i32
    %c0_i32_0 = arith.constant 0 : i32
    %c0_i32_1 = arith.constant 0 : i32
    return %c0_i32, %c0_i32_0 : i32, i32
  }
  func.func @transform_2(%arg0: i32) -> (i32, i32) {
    %c0_i32 = arith.constant 0 : i32
    %c0_i32_0 = arith.constant 0 : i32
    %c0_i32_1 = arith.constant 0 : i32
    return %c0_i32, %c0_i32_0 : i32, i32
  }
  func.func @transform_3(%arg0: i32) -> (i32, i32) {
    %c0_i32 = arith.constant 0 : i32
    %c0_i32_0 = arith.constant 0 : i32
    %c0_i32_1 = arith.constant 0 : i32
    return %c0_i32, %c0_i32_0 : i32, i32
  }
  func.func @transform_4(%arg0: i32) -> (i32, i32) {
    %c0_i32 = arith.constant 0 : i32
    %c0_i32_0 = arith.constant 0 : i32
    %c0_i32_1 = arith.constant 0 : i32
    return %c0_i32, %c0_i32_0 : i32, i32
  }
  func.func @transform_5(%arg0: i32) -> (i32, i32) {
    %c0_i32 = arith.constant 0 : i32
    %c0_i32_0 = arith.constant 0 : i32
    %c0_i32_1 = arith.constant 0 : i32
    return %c0_i32, %c0_i32_0 : i32, i32
  }
  func.func @transform_6(%arg0: i32) -> (i32, i32) {
    %c0_i32 = arith.constant 0 : i32
    %c0_i32_0 = arith.constant 0 : i32
    %c0_i32_1 = arith.constant 0 : i32
    return %c0_i32, %c0_i32_0 : i32, i32
  }
  func.func @transform_7(%arg0: i32) -> (i32, i32) {
    %c0_i32 = arith.constant 0 : i32
    %c0_i32_0 = arith.constant 0 : i32
    %c0_i32_1 = arith.constant 0 : i32
    return %c0_i32, %c0_i32_0 : i32, i32
  }
  func.func @transform_8(%arg0: i32) -> (i32, i32) {
    %c0_i32 = arith.constant 0 : i32
    %c0_i32_0 = arith.constant 0 : i32
    %c0_i32_1 = arith.constant 0 : i32
    return %c0_i32, %c0_i32_0 : i32, i32
  }
  func.func @transform_9(%arg0: i32) -> (i32, i32) {
    %c0_i32 = arith.constant 0 : i32
    %c0_i32_0 = arith.constant 0 : i32
    %c0_i32_1 = arith.constant 0 : i32
    return %c0_i32, %c0_i32_0 : i32, i32
  }
  func.func @transform_10(%arg0: i32) -> (i32, i32) {
    %c0_i32 = arith.constant 0 : i32
    %c0_i32_0 = arith.constant 0 : i32
    %c0_i32_1 = arith.constant 0 : i32
    return %c0_i32, %c0_i32_0 : i32, i32
  }
  func.func @transform_11(%arg0: i32) -> (i32, i32) {
    %c0_i32 = arith.constant 0 : i32
    %c0_i32_0 = arith.constant 0 : i32
    return %arg0, %c0_i32 : i32, i32
  }
  func.func @transform_12(%arg0: i32) -> (i32, i32) {
    %c0_i32 = arith.constant 0 : i32
    %c0_i32_0 = arith.constant 0 : i32
    return %arg0, %c0_i32 : i32, i32
  }
}

module attributes {stable_mosaic.version = 14 : i64} {
  func.func @_tc_finish_body(%arg0: i32, %arg1: memref<512x640xf32, #tpu.memory_space<vmem>>, %arg2: memref<512x512xf32, #tpu.memory_space<vmem>>, %arg3: memref<512x1xf32, #tpu.memory_space<vmem>>, %arg4: memref<512x512xf32, #tpu.memory_space<vmem>>, %arg5: memref<1x512xf32, #tpu.memory_space<vmem>>, %arg6: memref<512x512xf32, #tpu.memory_space<vmem>>, %arg7: memref<1x512xf32, #tpu.memory_space<vmem>>, %arg8: memref<1x512xf32, #tpu.memory_space<vmem>>, %arg9: memref<512x512xf32, #tpu.memory_space<vmem>>) attributes {dimension_semantics = [#tpu.dimension_semantics<arbitrary>], iteration_bounds = array<i64: 98>, scalar_prefetch = 0 : i64, scratch_operands = 0 : i64, tpu.core_type = #tpu.core_type<tc>, window_params = [{transform_indices = @transform_0, window_bounds = array<i64: 512, 640>}, {transform_indices = @transform_1, window_bounds = array<i64: 512, 512>}, {transform_indices = @transform_2, window_bounds = array<i64: 512, 1>}, {pipeline_mode = #tpu.pipeline_mode<synchronous>, transform_indices = @transform_3, window_bounds = array<i64: 512, 512>}, {pipeline_mode = #tpu.pipeline_mode<synchronous>, transform_indices = @transform_4, window_bounds = array<i64: 1, 512>}, {pipeline_mode = #tpu.pipeline_mode<synchronous>, transform_indices = @transform_5, window_bounds = array<i64: 512, 512>}, {pipeline_mode = #tpu.pipeline_mode<synchronous>, transform_indices = @transform_6, window_bounds = array<i64: 1, 512>}, {pipeline_mode = #tpu.pipeline_mode<synchronous>, transform_indices = @transform_7, window_bounds = array<i64: 1, 512>}, {transform_indices = @transform_8, window_bounds = array<i64: 512, 512>}]} {
    %get3A = arith.constant 0 : index
    %get3A_0 = arith.constant 0 : index
    %get3A_1 = vector.load %arg1[%get3A, %get3A_0] : memref<512x640xf32, #tpu.memory_space<vmem>>, vector<512x640xf32>
    %slice3A = vector.extract_strided_slice %get3A_1 {offsets = [0, 0], sizes = [512, 512], strides = [1, 1]} : vector<512x640xf32> to vector<512x512xf32>
    %slice3A_2 = vector.extract_strided_slice %get3A_1 {offsets = [0, 512], sizes = [512, 1], strides = [1, 1]} : vector<512x640xf32> to vector<512x1xf32>
    %get3A_3 = arith.constant 0 : index
    %get3A_4 = arith.constant 0 : index
    %get3A_5 = vector.load %arg2[%get3A_3, %get3A_4] : memref<512x512xf32, #tpu.memory_space<vmem>>, vector<512x512xf32>
    %max3A = arith.constant 1.000000e+00 : f32
    %max3A_6 = vector.broadcast %max3A : f32 to vector<512x1xf32>
    %max3A_7 = arith.maximumf %slice3A_2, %max3A_6 : vector<512x1xf32>
    %div3A = vector.broadcast %max3A_7 : vector<512x1xf32> to vector<512x512xf32>
    %div3A_8 = arith.divf %slice3A, %div3A : vector<512x512xf32>
    %get3A_9 = arith.constant 0 : index
    %get3A_10 = arith.constant 0 : index
    %get3A_11 = vector.load %arg4[%get3A_9, %get3A_10] : memref<512x512xf32, #tpu.memory_space<vmem>>, vector<512x512xf32>
    %dot_general3A = arith.constant dense<0.000000e+00> : vector<512x512xf32>
    %dot_general3A_12 = tpu.matmul %div3A_8, %get3A_11, %dot_general3A {dimension_numbers = #tpu.dot_dimension_numbers<[1], [0], [0], [1], [0, 0, 1, 1], [], []>, precision = #tpu.contract_precision<fp32>, transpose_lhs_hint = false} : vector<512x512xf32>, vector<512x512xf32>, vector<512x512xf32> -> vector<512x512xf32>
    %get3A_13 = arith.constant 0 : index
    %get3A_14 = arith.constant 0 : index
    %get3A_15 = vector.load %arg5[%get3A_13, %get3A_14] : memref<1x512xf32, #tpu.memory_space<vmem>>, vector<1x512xf32>
    %add3A = vector.broadcast %get3A_15 : vector<1x512xf32> to vector<512x512xf32>
    %add3A_16 = arith.addf %dot_general3A_12, %add3A : vector<512x512xf32>
    %get3A_17 = arith.constant 0 : index
    %get3A_18 = arith.constant 0 : index
    %get3A_19 = vector.load %arg6[%get3A_17, %get3A_18] : memref<512x512xf32, #tpu.memory_space<vmem>>, vector<512x512xf32>
    %dot_general3A_20 = arith.constant dense<0.000000e+00> : vector<512x512xf32>
    %dot_general3A_21 = tpu.matmul %get3A_5, %get3A_19, %dot_general3A_20 {dimension_numbers = #tpu.dot_dimension_numbers<[1], [0], [0], [1], [0, 0, 1, 1], [], []>, precision = #tpu.contract_precision<fp32>, transpose_lhs_hint = false} : vector<512x512xf32>, vector<512x512xf32>, vector<512x512xf32> -> vector<512x512xf32>
    %add3A_22 = arith.addf %add3A_16, %dot_general3A_21 : vector<512x512xf32>
    %mul3A = arith.mulf %add3A_22, %add3A_22 : vector<512x512xf32>
    %reduce_sum3A = arith.constant dense<0.000000e+00> : vector<512xf32>
    %reduce_sum3A_23 = vector.multi_reduction <add>, %mul3A, %reduce_sum3A [1] : vector<512x512xf32> to vector<512xf32>
    %broadcast_in_dim3A = vector.shape_cast %reduce_sum3A_23 : vector<512xf32> to vector<512x1xf32>
    %sqrt3A = math.sqrt %broadcast_in_dim3A : vector<512x1xf32>
    %max3A_24 = arith.constant 9.99999996E-13 : f32
    %max3A_25 = vector.broadcast %max3A_24 : f32 to vector<512x1xf32>
    %max3A_26 = arith.maximumf %sqrt3A, %max3A_25 : vector<512x1xf32>
    %div3A_27 = vector.broadcast %max3A_26 : vector<512x1xf32> to vector<512x512xf32>
    %div3A_28 = arith.divf %add3A_22, %div3A_27 : vector<512x512xf32>
    %integer_pow3A = arith.mulf %div3A_28, %div3A_28 : vector<512x512xf32>
    %integer_pow3A_29 = arith.mulf %div3A_28, %integer_pow3A : vector<512x512xf32>
    %mul3A_30 = arith.constant 4.471500e-02 : f32
    %mul3A_31 = vector.broadcast %mul3A_30 : f32 to vector<512x512xf32>
    %mul3A_32 = arith.mulf %mul3A_31, %integer_pow3A_29 : vector<512x512xf32>
    %add3A_33 = arith.addf %div3A_28, %mul3A_32 : vector<512x512xf32>
    %mul3A_34 = arith.constant 0.797884583 : f32
    %mul3A_35 = vector.broadcast %mul3A_34 : f32 to vector<512x512xf32>
    %mul3A_36 = arith.mulf %mul3A_35, %add3A_33 : vector<512x512xf32>
    %tanh3A = math.tanh %mul3A_36 : vector<512x512xf32>
    %add3A_37 = arith.constant 1.000000e+00 : f32
    %add3A_38 = vector.broadcast %add3A_37 : f32 to vector<512x512xf32>
    %add3A_39 = arith.addf %add3A_38, %tanh3A : vector<512x512xf32>
    %mul3A_40 = arith.constant 5.000000e-01 : f32
    %mul3A_41 = vector.broadcast %mul3A_40 : f32 to vector<512x512xf32>
    %mul3A_42 = arith.mulf %mul3A_41, %add3A_39 : vector<512x512xf32>
    %mul3A_43 = arith.mulf %div3A_28, %mul3A_42 : vector<512x512xf32>
    %reduce_sum3A_44 = arith.constant dense<0.000000e+00> : vector<512xf32>
    %reduce_sum3A_45 = vector.multi_reduction <add>, %mul3A_43, %reduce_sum3A_44 [1] : vector<512x512xf32> to vector<512xf32>
    %broadcast_in_dim3A_46 = vector.shape_cast %reduce_sum3A_45 : vector<512xf32> to vector<512x1xf32>
    %div3A_47 = arith.constant 5.120000e+02 : f32
    %div3A_48 = vector.broadcast %div3A_47 : f32 to vector<512x1xf32>
    %div3A_49 = arith.divf %broadcast_in_dim3A_46, %div3A_48 : vector<512x1xf32>
    %sub3A = vector.broadcast %div3A_49 : vector<512x1xf32> to vector<512x512xf32>
    %sub3A_50 = arith.subf %mul3A_43, %sub3A : vector<512x512xf32>
    %integer_pow3A_51 = arith.mulf %sub3A_50, %sub3A_50 : vector<512x512xf32>
    %reduce_sum3A_52 = arith.constant dense<0.000000e+00> : vector<512xf32>
    %reduce_sum3A_53 = vector.multi_reduction <add>, %integer_pow3A_51, %reduce_sum3A_52 [1] : vector<512x512xf32> to vector<512xf32>
    %broadcast_in_dim3A_54 = vector.shape_cast %reduce_sum3A_53 : vector<512xf32> to vector<512x1xf32>
    %div3A_55 = arith.constant 5.120000e+02 : f32
    %div3A_56 = vector.broadcast %div3A_55 : f32 to vector<512x1xf32>
    %div3A_57 = arith.divf %broadcast_in_dim3A_54, %div3A_56 : vector<512x1xf32>
    %sub3A_58 = vector.broadcast %div3A_49 : vector<512x1xf32> to vector<512x512xf32>
    %sub3A_59 = arith.subf %mul3A_43, %sub3A_58 : vector<512x512xf32>
    %add3A_60 = arith.constant 9.99999974E-6 : f32
    %add3A_61 = vector.broadcast %add3A_60 : f32 to vector<512x1xf32>
    %add3A_62 = arith.addf %div3A_57, %add3A_61 : vector<512x1xf32>
    %rsqrt3A = math.rsqrt %add3A_62 : vector<512x1xf32>
    %mul3A_63 = vector.broadcast %rsqrt3A : vector<512x1xf32> to vector<512x512xf32>
    %mul3A_64 = arith.mulf %sub3A_59, %mul3A_63 : vector<512x512xf32>
    %get3A_65 = arith.constant 0 : index
    %get3A_66 = arith.constant 0 : index
    %get3A_67 = vector.load %arg7[%get3A_65, %get3A_66] : memref<1x512xf32, #tpu.memory_space<vmem>>, vector<1x512xf32>
    %mul3A_68 = vector.broadcast %get3A_67 : vector<1x512xf32> to vector<512x512xf32>
    %mul3A_69 = arith.mulf %mul3A_64, %mul3A_68 : vector<512x512xf32>
    %get3A_70 = arith.constant 0 : index
    %get3A_71 = arith.constant 0 : index
    %get3A_72 = vector.load %arg8[%get3A_70, %get3A_71] : memref<1x512xf32, #tpu.memory_space<vmem>>, vector<1x512xf32>
    %add3A_73 = vector.broadcast %get3A_72 : vector<1x512xf32> to vector<512x512xf32>
    %add3A_74 = arith.addf %mul3A_69, %add3A_73 : vector<512x512xf32>
    %get3A_75 = arith.constant 0 : index
    %get3A_76 = arith.constant 0 : index
    %get3A_77 = vector.load %arg3[%get3A_75, %get3A_76] : memref<512x1xf32, #tpu.memory_space<vmem>>, vector<512x1xf32>
    %mul3A_78 = vector.broadcast %get3A_77 : vector<512x1xf32> to vector<512x512xf32>
    %mul3A_79 = arith.mulf %add3A_74, %mul3A_78 : vector<512x512xf32>
    %swap3A = arith.constant 0 : index
    %swap3A_80 = arith.constant 0 : index
    %swap3A_81 = vector.load %arg9[%swap3A, %swap3A_80] : memref<512x512xf32, #tpu.memory_space<vmem>>, vector<512x512xf32>
    tpu.vector_store %arg9[%swap3A, %swap3A_80], %mul3A_79 {strides = array<i32>} : memref<512x512xf32, #tpu.memory_space<vmem>>, vector<512x512xf32>,
    return
  }
  func.func @transform_0(%arg0: i32) -> (i32, i32) {
    %c0_i32 = arith.constant 0 : i32
    %c0_i32_0 = arith.constant 0 : i32
    return %arg0, %c0_i32 : i32, i32
  }
  func.func @transform_1(%arg0: i32) -> (i32, i32) {
    %c0_i32 = arith.constant 0 : i32
    %c0_i32_0 = arith.constant 0 : i32
    return %arg0, %c0_i32 : i32, i32
  }
  func.func @transform_2(%arg0: i32) -> (i32, i32) {
    %c0_i32 = arith.constant 0 : i32
    %c0_i32_0 = arith.constant 0 : i32
    return %arg0, %c0_i32 : i32, i32
  }
  func.func @transform_3(%arg0: i32) -> (i32, i32) {
    %c0_i32 = arith.constant 0 : i32
    %c0_i32_0 = arith.constant 0 : i32
    %c0_i32_1 = arith.constant 0 : i32
    return %c0_i32, %c0_i32_0 : i32, i32
  }
  func.func @transform_4(%arg0: i32) -> (i32, i32) {
    %c0_i32 = arith.constant 0 : i32
    %c0_i32_0 = arith.constant 0 : i32
    %c0_i32_1 = arith.constant 0 : i32
    return %c0_i32, %c0_i32_0 : i32, i32
  }
  func.func @transform_5(%arg0: i32) -> (i32, i32) {
    %c0_i32 = arith.constant 0 : i32
    %c0_i32_0 = arith.constant 0 : i32
    %c0_i32_1 = arith.constant 0 : i32
    return %c0_i32, %c0_i32_0 : i32, i32
  }
  func.func @transform_6(%arg0: i32) -> (i32, i32) {
    %c0_i32 = arith.constant 0 : i32
    %c0_i32_0 = arith.constant 0 : i32
    %c0_i32_1 = arith.constant 0 : i32
    return %c0_i32, %c0_i32_0 : i32, i32
  }
  func.func @transform_7(%arg0: i32) -> (i32, i32) {
    %c0_i32 = arith.constant 0 : i32
    %c0_i32_0 = arith.constant 0 : i32
    %c0_i32_1 = arith.constant 0 : i32
    return %c0_i32, %c0_i32_0 : i32, i32
  }
  func.func @transform_8(%arg0: i32) -> (i32, i32) {
    %c0_i32 = arith.constant 0 : i32
    %c0_i32_0 = arith.constant 0 : i32
    return %arg0, %c0_i32 : i32, i32
  }
}

</mosaic_0001>

<sc_bundles>
// kernel: gather_offload_async_start
scs
__scs_entry_jumppad:
0x0: {  	(pc) =	sbr.rel $0x88, $3  }
0x1: {  	(tag) =	ssettag $0x0;
	lr =	simm.s32 $0x1  }
0x2: {  	[smem:$0x3F8F] =	sst lr;
	_ =	strace $0xD0000000  }
0x3: {  	_ = 	snop  }
0x4: {  	_ = 	snop  }
0x5: {  	_ = 	snop  }
0x6: {  	_ = 	snop  }
0x7: {  	_ = 	snop  }
__scs_overlays_trampoline_lowered:
0x8: {  	[smem:$0x3F9E] =	sst s0  }
0x9: {  	[smem:$0x3F9F] =	sst s1  }
0xa: {  	[smem:$0x3FA0] =	sst s2  }
0xb: {  	[smem:$0x3FA1] =	sst s3  }
0xc: {  	[smem:$0x3FA2] =	sst s4  }
0xd: {  	[smem:$0x3FA3] =	sst s5  }
0xe: {  	[smem:$0x3FA4] =	sst s6  }
0xf: {  	[smem:$0x3FA5] =	sst s7  }
0x10: {  	[smem:$0x3FA6] =	sst s8  }
0x11: {  	[smem:$0x3FA7] =	sst s9;
	s0 =	simm.s32 @!p0 $0x0  }
0x12: {  	s1 =	sld [smem:$0x3F8D];
	s0 =	simm.s32 @p0 $0x1  }
0x13: {  	[smem:$0x3FA8] =	sst s0;
	s0 =	simm.s32 @!p1 $0x0  }
0x14: {  	s2 =	sld [smem:$0x3F8C];
	s0 =	simm.s32 @p1 $0x1  }
0x15: {  	[smem:$0x3FA9] =	sst s0;
	s0 =	simm.s32 @!p2 $0x0  }
0x16: {  	s3 =	sld [smem:$0x3FDB];
	s0 =	simm.s32 @p2 $0x1  }
0x17: {  	s4 =	simm.s32 $0x1BF5;
	[smem:$0x3FAB] =	sst s0  }
0x18: {  	s0 =	sld [smem:$0x3F8E];
	_ =	swait.ge [sflag:s4], $0x0  }
0x19: {  	s7 =	sld [smem:$0x3F8F]  }
0x1a: {  	s8 =	sadd.s32 $0xFFFFE003, lr  }
0x1b: {  	s9 =	sadd.s32 $0xFFFFFEF7, lr;
	s5 =	simm.s32 $0xFFFFFFFF;
	p2 =	slt.u32 s8, $0xFFFFF086  }
0x1c: {  	p1 =	slt.u32 s9, $0xF7A;
	s5 =	simm.s32 @!p2 $0x0  }
0x1d: {  	s5 =	simm.s32 @p1 $0x1;
	p0 =	seq.s32 s7, s2  }
0x1e: {  	s7 =	smul.u32 @!p0 $0xF7A, s2;
	p2 =	seq.s32 @!p0 s5, $0x0  }
0x1f: {  	s9 =	smul.u32 $0xF7A, s1;
	s8 =	simm.s32 @!p0 $0x1BF5;
	p2 =	por !p2, p0  }
0x20: {  	[sflag:s8] =	ssyncset.s32 @!p0 $0xFFFFF086;
	s6 =	sadd.s32 @!p0 s3, s7;
	s7 =	simm.s32 @!p0 $0x108  }
0x21: {  	s3 =	sadd.s32 s3, s9;
	s6 =	sadd.s32 @!p0 $0x88, s6;
	s7 =	simm.s32 @p2 $0x1082  }
0x22: {  	[simem:s7], [sflag:s8] =	dma.local @!p0 [hbm:s6], $0xF7A  }
0x23: {  	s9 =	sor.u32 $0xD0000000, s2;
	s6 =	simm.s32 $0x108;
	_ =	swait.ge @!p0 [sflag:s8], $0x0  }
0x24: {  	s3 =	sadd.s32 $0x88, s3;
	s6 =	simm.s32 @!p1 $0x1082;
	[sflag:s4] =	ssyncset.s32 $0xFFFFF086  }
0x25: {  	[simem:s6], [sflag:s4] =	dma.local [hbm:s3], $0xF7A  }
0x26: {  	[smem:$0x3F8F] =	sst s1;
	(tag) =	ssettag s2;
	_ =	strace s9  }
0x27: {  	s1 =	sld [smem:$0x3F9F]  }
0x28: {  	s2 =	sld [smem:$0x3FA0]  }
0x29: {  	s4 =	sld [smem:$0x3FA2]  }
0x2a: {  	p0 =	seq.s32 s5, $0x0;
	s5 =	sld [smem:$0x3FA3]  }
0x2b: {  	s6 =	sld [smem:$0x3FA4]  }
0x2c: {  	s7 =	sld [smem:$0x3FA5]  }
0x2d: {  	s3 =	simm.s32 $0x108;
	s8 =	sld [smem:$0x3FA6]  }
0x2e: {  	s3 =	simm.s32 @!p0 $0x1082;
	s9 =	sld [smem:$0x3FA7]  }
0x2f: {  	lr =	sadd.s32 s0, s3;
	s0 =	sld [smem:$0x3F9E]  }
0x30: {  	s3 =	sld [smem:$0x3FA1]  }
0x31: {  	[smem:$0x3FAA] =	sst s10  }
0x32: {  	s10 =	sld [smem:$0x3FA8];
	_ =	sdelay $0x3  }
0x33: {  	p0 =	seq.s32 s10, $0x1;
	s10 =	sld [smem:$0x3FAA];
	_ =	sdelay $0x3  }
0x34: {  	[smem:$0x3FAA] =	sst s10  }
0x35: {  	s10 =	sld [smem:$0x3FA9];
	_ =	sdelay $0x3  }
0x36: {  	p1 =	seq.s32 s10, $0x1;
	s10 =	sld [smem:$0x3FAA];
	_ =	sdelay $0x3  }
0x37: {  	[smem:$0x3FAA] =	sst s10  }
0x38: {  	s10 =	sld [smem:$0x3FAB]  }
0x39: {  	_ = 	snop;
	(pc) =	sbr.ind lr, $3  }
0x3a: {  	_ = 	snop  }
0x3b: {  	_ = 	snop  }
0x3c: {  	p2 =	seq.s32 s10, $0x1;
	s10 =	sld [smem:$0x3FAA]  }
0x3d: {  	_ =	shalt  }
0x3e: {  	_ =	shalt  }
0x3f: {  	_ =	shalt  }
0x40: {  	_ =	shalt  }
0x41: {  	_ =	shalt  }
0x42: {  	_ =	shalt  }
0x43: {  	_ =	shalt  }
0x44: {  	_ =	shalt  }
0x45: {  	_ =	shalt  }
0x46: {  	_ =	shalt  }
0x47: {  	_ =	shalt  }
0x48: {  	_ =	shalt  }
0x49: {  	_ =	shalt  }
0x4a: {  	_ =	shalt  }
0x4b: {  	_ =	shalt  }
0x4c: {  	_ =	shalt  }
0x4d: {  	_ =	shalt  }
0x4e: {  	_ =	shalt  }
0x4f: {  	_ =	shalt  }
0x50: {  	_ =	shalt  }
0x51: {  	_ =	shalt  }
0x52: {  	_ =	shalt  }
0x53: {  	_ =	shalt  }
0x54: {  	_ =	shalt  }
0x55: {  	_ =	shalt  }
0x56: {  	_ =	shalt  }
0x57: {  	_ =	shalt  }
0x58: {  	_ =	shalt  }
0x59: {  	_ =	shalt  }
0x5a: {  	_ =	shalt  }
0x5b: {  	_ =	shalt  }
0x5c: {  	_ =	shalt  }
0x5d: {  	_ =	shalt  }
0x5e: {  	_ =	shalt  }
0x5f: {  	_ =	shalt  }
0x60: {  	_ =	shalt  }
0x61: {  	_ =	shalt  }
0x62: {  	_ =	shalt  }
0x63: {  	_ =	shalt  }
0x64: {  	_ =	shalt  }
0x65: {  	_ =	shalt  }
0x66: {  	_ =	shalt  }
0x67: {  	_ =	shalt  }
0x68: {  	_ =	shalt  }
0x69: {  	_ =	shalt  }
0x6a: {  	_ =	shalt  }
0x6b: {  	_ =	shalt  }
0x6c: {  	_ =	shalt  }
0x6d: {  	_ =	shalt  }
0x6e: {  	_ =	shalt  }
0x6f: {  	_ =	shalt  }
0x70: {  	_ =	shalt  }
0x71: {  	_ =	shalt  }
0x72: {  	_ =	shalt  }
0x73: {  	_ =	shalt  }
0x74: {  	_ =	shalt  }
0x75: {  	_ =	shalt  }
0x76: {  	_ =	shalt  }
0x77: {  	_ =	shalt  }
0x78: {  	_ =	shalt  }
0x79: {  	_ =	shalt  }
0x7a: {  	_ =	shalt  }
0x7b: {  	_ =	shalt  }
0x7c: {  	_ =	shalt  }
0x7d: {  	_ =	shalt  }
0x7e: {  	_ =	shalt  }
0x7f: {  	_ =	shalt  }
0x80: {  	_ =	shalt  }
0x81: {  	_ =	shalt  }
0x82: {  	_ =	shalt  }
0x83: {  	_ =	shalt  }
0x84: {  	_ =	shalt  }
0x85: {  	_ =	shalt  }
0x86: {  	_ =	shalt  }
0x87: {  	_ =	shalt  }
.Lfunc_end0:
.L_simem_size_0:
called_computation.1_lowered:
.L_overlay_start_0:
0x88: {  	s2 =	sld [smem:$0x3FD9]  }
0x89: {  	s3 =	sld [smem:$0x3FFE];
	_ =	sdelay $0x1  }
0x8a: {  	s1 =	srdreg.scid  }
0x8b: {  	s0 =	sand.u32 $0x1, s1  }
0x8c: {  	s16 =	sshll.u32 s0, $0xA;
	s2 =	sadd.s32 s3, s2  }
0x8d: {  	s2 =	sadd.s32 s2, s16  }
0x8e: {  	[smem:$0x3FB6] =	sst s2  }
0x8f: {  	_ = 	snop  }
0x90: {  	(tm) =	ssettm $0x1  }
0x91: {  	s17 =	sld [smem:$0x3FFB];
	_ =	sdelay $0x3  }
0x92: {  	_ =	strace s17  }
0x93: {  	s2 =	sld [smem:$0x3FFC];
	_ =	sdelay $0x3  }
0x94: {  	_ =	strace s2  }
0x95: {  	s2 =	sld [smem:$0x3FFD];
	_ =	sdelay $0x3  }
0x96: {  	_ =	strace s2  }
0x97: {  	_ =	strace $0x8FFFFFFF  }
0x98: {  	s18 =	sld [smem:$0x3FDB];
	_ =	sdelay $0x1  }
0x99: {  	s19 =	simm.s32 $_scs_section_size  }
0x9a: {  	s4 =	simm.s32 $_size__tile_overlayer_lowered;
	s5 =	simm.s32 $_tile_overlayer_lowered  }
0x9b: {  	s22 =	simm.s32 $0x1BFF;
	s21 =	sshll.u32 s5, $0x1;
	s2 =	sadd.s32 s19, s18  }
0x9c: {  	s6 =	simm.s32 $0x0;
	s20 =	sshll.u32 s4, $0x1;
	s4 =	sadd.s32 s21, s2  }
0x9d: {  	[timem:s6], [sflag:s22] =	dma.local [hbm:s4], s20  }
0x9e: {  	_ =	swait.ge [sflag:s22], s20  }
0x9f: {  	s3 =	ssub.s32 $0x0, s20;
	[sflag:s22] =	ssyncset.done $0x0  }
0xa0: {  	[sflag:s22] =	ssyncadd.s32 s3;
	_ =	sdelay $0x1  }
0xa1: {  	s23 =	simm.s32 $0x1B8B  }
0xa2: {  	_ =	swait.ge [sflag:s23], $0x1  }
0xa3: {  	[sflag:s23] =	ssyncset.done $0x0  }
0xa4: {  	s25 =	simm.s32 $0x1B8E;
	s24 =	sld [smem:$0x3FFE];
	[sflag:s23] =	ssyncadd.s32 $0xFFFFFFFF  }
0xa5: {  	s26 =	simm.s32 $execute0_lowered;
	[smem:$0x3FD2] =	sst s25  }
0xa6: {  	s4 =	sshll.u32 s26, $0x1;
	_ =	strace $0x80000049;
	[dreg:$0x1] =	wrdreg $0xFFFFFFFF  }
0xa7: {  	s28 =	simm.s32 $_size_execute0_lowered;
	s2 =	sadd.s32 s2, s4;
	[dreg:$0x0] =	wrdreg $0x0  }
0xa8: {  	s4 =	sshll.u32 s28, $0x1;
	[dreg:$0x2] =	wrdreg s2  }
0xa9: {  	[dreg:$0x3] =	wrdreg s4  }
0xaa: {  	[dreg:$0x4] =	wrdreg $0xC0  }
0xab: {  	_ =	task [dreg:s6], $0x5FFFF  }
0xac: {  	[dreg:$0x1] =	wrdreg $0xFFFFFFFF  }
0xad: {  	[dreg:$0x0] =	wrdreg $0x60  }
0xae: {  	[dreg:$0x2] =	wrdreg s24  }
0xaf: {  	[dreg:$0x3] =	wrdreg $0x9  }
0xb0: {  	_ =	task.clear_ibuf [dreg:s6], $0x4FFFF;
	_ =	strace $0x90000049  }
0xb1: {  	s29 =	simm.s32 $0x9;
	_ =	strace $0x8000004B  }
0xb2: {  	_ =	swait.ge [sflag:s29], $0x1  }
0xb3: {  	[sflag:s29] =	ssyncadd.s32 $0xFFFFFFFF  }
0xb4: {  	_ =	strace $0x9000004B  }
0xb5: {  	_ =	sfence  }
0xb6: {  	s30 =	sld [smem:$0x0];
	_ =	sdelay $0x2  }
0xb7: {  	s31 =	sshll.u32 s1, $0xD;
	s1 =	sshrl.u32 s1, $0x2  }
0xb8: {  	s3 =	sand.u32 $0x4000, s31;
	s1 =	sadd.s32 s1, s30  }
0xb9: {  	s0 =	sor.u32 s3, s0;
	s1 =	sshll.u32 s1, $0x11  }
0xba: {  	s0 =	sor.u32 s1, s0  }
0xbb: {  	s0 =	sadd.s32 $0x8F2B, s0  }
0xbc: {  	[sflag:s0] =	ssyncadd.remote.s32 $0x1  }
0xbd: {  	_ =	sfence.sel $0xFFFF  }
0xbe: {  	[dreg:$0x0] =	wrdreg $0xFFFFFFFF;
	(pc) =	sbr.abs _section_cstart, $3  }
0xbf: {  	[dreg:$0x1] =	wrdreg $0xFFFFFFFF  }
0xc0: {  	_ =	task.clear_ibuf [dreg:s6], $0x2FFFF;
	_ =	strace $0x9FFFFFFF  }
0xc1: {  	(tm) =	ssettm $0x7FFFFFFF  }
tec
execute0_lowered:
.L_overlay_start_1:
0x0: {  	(tag) =	ssettag $0x1  }
0x1: {  	s0 =	srdreg.scid  }
0x2: {  	s1 =	sshll.u32 s0, $0x4  }
0x3: {  	s0 =	stileid.u32;
	s1 =	sand.u32 $0x10, s1  }
0x4: {  	s1 =	sor.u32 s0, s1  }
0x5: {  	s2 =	smul.u32 $0x49, s1  }
0x6: {  	s9 =	rddreg [dreg:$0x0];
	s6 =	simm.s32 $0x1;
	s3 =	smin.u32 s1, $0x8  }
0x7: {  	p0 =	slt.u32 s1, $0x8;
	s1 =	simm.s32 $0x1280;
	s2 =	sadd.s32 s3, s2  }
0x8: {  	s7 =	simm.s32 $0x2;
	s1 =	simm.s32 @!p0 $0x1240;
	s2 =	sshll.u32 s2, $0x6  }
0x9: {  	s10 =	simm.s32 $0x3;
	s13 =	simm.s32 $0x0;
	s31 =	sadd.s32 s1, s2  }
0xa: {  	s12 =	simm.s32 $0x0;
	s4 =	sadd.s32 $0x12000, s9;
	s3 =	smin.u32 s31, $0x24A00  }
.Ltmp0:
0xb: {  	s5 =	sadd.s32 $0xD600, s9;
	s8 =	ssub.s32 s3, s2;
	(pc) =	sbr.rel .LBB2_1-.Ltmp0, $4  }
0xc: {  	s1 =	rddreg [dreg:$0x1];
	_ =	strace $0x8000004A;
	p0 =	sgt.s32 s8, $0x0  }
0xd: {  	s9 =	sadd.s32 $0x708000, s9;
	[sflag:s6] =	ssyncpa.u1 $0x0;
	s8 =	simm.s32 @!p0 $0x0  }
0xe: {  	s11 =	smov.u32 s2;
	[sflag:s7] =	ssyncpa.u1 $0x0;
	s8 =	sshrl.u32 s8, $0x6  }
0xf: {  	vm0 =	vmmov $0xff;
	vm1 =	vcmask $0x3F20;
	[sflag:s10] =	ssyncpa.u1 $0x0;
	p0 =	por $0x0, $0x0;
	s10 =	sadd.s32 $0x1, s8  }
.LBB2_9:
0x10: {  	s13 =	sadd.s32 $0x40, s11  }
0x11: {  	s15 =	smov.u32 s2;
	p2 =	slt.s32 s13, s3  }
0x12: {  	s15 =	smov.u32 @p2 s13;
	p2 =	sne.s32 s12, s10  }
.Ltmp1:
0x13: {  	p1 =	slt.u32 s12, $0x2;
	(pc) =	sbr.rel @!p2 .LBB2_10-.Ltmp1, $4  }
0x14: {  	s14 =	simm.s32 @!p1 $0x3  }
0x15: {  	s16 =	sadd.s32 $0x1, s12;
	_ =	swait.ge @!p1 [sflag:s14], $0xA000  }
0x16: {  	p0 =	por !p0, !p0;
	s13 =	smov.u32 s11;
	[sflag:s14] =	ssyncset.done @!p1 $0x0  }
0x17: {  	s12 =	smov.u32 s16;
	s11 =	smov.u32 s15;
	[sflag:s14] =	ssyncadd.s32 @!p1 $0xFFFF6000  }
.LBB2_1:
0x18: {  	p1 =	sge.u32 s12, s8  }
0x19: {  	s14 =	sxor.u32 @!p1 $0xFFFFFFFF, s12  }
0x1a: {  	s31 =	sadd.s32 $0xFFFFFFFF, s12;
	s15 =	sshrl.u32 @!p1 s11, $0x3;
	s14 =	sshll.u32 @!p1 s14, $0x6  }
0x1b: {  	s16 =	sand.u32 @!p1 $0x7, s11;
	s15 =	sadd.s32 @!p1 s5, s15;
	s14 =	sand.u32 @!p1 $0x40, s14  }
0x1c: {  	[tilespmem:s14], [sflag:$0x2] =	stream.linear.gather @!p1 [hbm4b:s15+s16], $0x40, $0x38;
	[tilespmem:$0x14080] =	vst v63  }
0x1d: {  	p1 =	sge.u32 s31, s8  }
.Ltmp2:
0x1e: {  	_ = 	snop;
	(pc) =	sbr.rel @p1 .LBB2_9-.Ltmp2, $1  }
0x1f: {  	_ =	sdelay $0x3  }
0x20: {  	s14 =	simm.s32 $0x1  }
0x21: {  	s14 =	simm.s32 @!p0 $0x0  }
0x22: {  	s14 =	smul.u32 $0x28000, s14;
	_ =	sdelay $0x1  }
0x23: {  	_ =	swait.ge [sflag:s7], $0x40;
	s15 =	sand.u32 $0x1, s12;
	s14 =	sshrl.u32 s14, $0x2  }
0x24: {  	s16 =	simm.s32 $0x0;
	[sflag:s7] =	ssyncset.done $0x0;
	s14 =	sor.u32 $0x80, s14  }
0x25: {  	s15 =	sshll.u32 s15, $0x6;
	[sflag:s7] =	ssyncadd.s32 $0xFFFFFFC0;
	s17 =	smov.u32 s14  }
.LBB2_3:
0x26: {  	s18 =	sshll.u32 s16, $0x4  }
0x27: {  	s18 =	sand.u32 $0x3FFFFFF0, s18  }
0x28: {  	s18 =	sadd.s32 s18, s15  }
0x29: {  	v0 =	vld.msk [tilespmem:s18+$0x0 ss:$0x1], $0xffff;
	_ =	sdelay $0x4  }
0x2a: {  	vm2 =	vgt.s32 v0, $0x0  }
0x2b: {  	v0 =	vnsel vm2, $0x0, v0  }
0x2c: {  	v0 =	vmin.u32 v0, $0xC5FF  }
0x2d: {  	v1 =	vshrl.u32 v0, $0x3  }
0x2e: {  	v0 =	vshll.u32 v0, $0x7;
	v1 =	vmul.u32 $0x1400, v1  }
0x2f: {  	v0 =	vand.u32 $0x380, v0  }
0x30: {  	v0 =	vor.u32 v0, v1  }
0x31: {  	v0 =	vshrl.u32 v0, $0x3;
	_ =	sdelay $0x3  }
0x32: {  	s19 =	sadd.s32 $0x0, s17  }
0x33: {  	[tilespmem:s19], [sflag:$0x1] =	stream.indirect_vreg.gather [hbm:s4], $0x80, v0, vm0, $0x38;
	[tilespmem:$0x14080] =	vst v63  }
0x34: {  	s18 =	simm.s32 $0x1000;
	v1 =	vadd.s32 $0x80, v0;
	s19 =	sadd.s32 $0x1400, s19  }
.LBB2_4:
0x35: {  	[tilespmem:s19], [sflag:$0x1] =	stream.indirect_vreg.gather [hbm:s4], $0x80, v0, vm1, $0x38;
	[tilespmem:$0x14080] =	vst v63  }
0x36: {  	v0 =	vmov v1;
	s19 =	smov.u32 s18;
	p1 =	sne.s32 s18, $0x4000  }
.Ltmp3:
0x37: {  	s18 =	sadd.s32 $0x1000, s18;
	(pc) =	sbr.rel @p1 .LBB2_4-.Ltmp3, $4  }
0x38: {  	s19 =	sshra.s32 s19, $0x2  }
0x39: {  	s19 =	sadd.s32 s19, s17  }
0x3a: {  	[tilespmem:s19], [sflag:$0x1] =	stream.indirect_vreg.gather [hbm:s4], $0x80, v1, vm0, $0x38;
	[tilespmem:$0x14080] =	vst v63  }
0x3b: {  	s19 =	sadd.s32 $0x1400, s19;
	v1 =	vadd.s32 $0x80, v1  }
0x3c: {  	s16 =	sadd.s32 $0x1, s16  }
0x3d: {  	p1 =	sne.s32 s16, $0x4  }
.Ltmp4:
0x3e: {  	_ = 	snop;
	(pc) =	sbr.rel @p1 .LBB2_3-.Ltmp4, $3  }
0x3f: {  	_ =	sdelay $0x1  }
0x40: {  	[tilespmem:s19], [sflag:$0x1] =	stream.indirect_vreg.gather [hbm:s4], $0x80, v0, vm1, $0x38;
	[tilespmem:$0x14080] =	vst v63  }
0x41: {  	s17 =	sadd.s32 $0x2800, s17  }
0x42: {  	s15 =	sshrl.u32 s13, $0x3  }
0x43: {  	s15 =	smul.u32 $0x280, s15  }
0x44: {  	s31 =	sshll.u32 s13, $0x4  }
0x45: {  	_ =	swait.ge [sflag:s6], $0xA000;
	s13 =	sand.u32 $0x70, s31;
	s15 =	sadd.s32 s15, s9  }
0x46: {  	s16 =	sadd.s32 $0x1400, s14;
	[sflag:s6] =	ssyncset.done $0x0;
	s13 =	sadd.s32 s13, s15  }
0x47: {  	[sflag:s6] =	ssyncadd.s32 $0xFFFF6000;
	s15 =	simm.s32 $0x280;
	s17 =	sadd.s32 $0x0, s13  }
.LBB2_7:
0x48: {  	[hbm:s17] =	stream.linear.scatter [tilespmem:s14], [sflag:$0x3], $0x1400, $0x38;
	[tilespmem:$0x14080] =	vst v63  }
0x49: {  	s17 =	smov.u32 s15;
	s14 =	smov.u32 s16;
	p1 =	sne.s32 s15, $0x1180  }
.Ltmp5:
0x4a: {  	s15 =	sadd.s32 $0x280, s15;
	(pc) =	sbr.rel @p1 .LBB2_7-.Ltmp5, $2  }
0x4b: {  	_ =	sdelay $0x2  }
0x4c: {  	s16 =	sadd.s32 $0x1400, s16;
	s17 =	sadd.s32 s17, s13  }
.Ltmp6:
0x4d: {  	(pc) =	sbr.rel .LBB2_9-.Ltmp6, $2  }
0x4e: {  	_ =	sdelay $0x2  }
0x4f: {  	[hbm:s17] =	stream.linear.scatter [tilespmem:s14], [sflag:$0x3], $0x1400, $0x38;
	[tilespmem:$0x14080] =	vst v63  }
.LBB2_10:
0x50: {  	_ =	sfence.sel $0x180000  }
0x51: {  	s2 =	simm.s32 $0x2;
	[bflag:$0x0] =	sbarrier.arrive $0xFFFF  }
0x52: {  	s30 =	simm.s32 $0x3;
	[sflag:s2] =	ssyncpa.u1 $0x1  }
0x53: {  	s31 =	simm.s32 $0x1;
	[sflag:s30] =	ssyncpa.u1 $0x1  }
0x54: {  	[sflag:s31] =	ssyncpa.u1 $0x1  }
0x55: {  	p0 =	sne.s32 s0, $0x0;
	_ =	strace $0x9000004A  }
0x56: {  	s0 =	sadd.s32 @!p0 $0x100000, s1;
	[bflag:$0x2] =	sbarrier.arrive $0xFFFF  }
0x57: {  	[sflag:s0] =	ssyncadd.tile.s32 @!p0 $0x1;
	_ =	shalt  }
.Lfunc_end2:
_tile_overlayer_lowered:
.L_overlay_start_2:
0x58: {  	(tag) =	ssettag $0x2  }
0x59: {  	s0 =	rddreg [dreg:$0x0];
	s2 =	stileid.u32  }
0x5a: {  	s1 =	rddreg [dreg:$0x1];
	p0 =	sne.s32 s2, $0x0  }
0x5b: {  	s3 =	rddreg [dreg:$0x2];
	[bflag:$0x3] =	sbarrier.arrive $0xFFFF;
	s2 =	simm.s32 @!p0 $0x1C01  }
0x5c: {  	[timem:s3], [sflag:s2] =	dma.local @!p0 [hbm:s0], s1  }
0x5d: {  	s0 =	simm.s32 @!p0 $0x1  }
0x5e: {  	_ =	swait.ge @!p0 [sflag:s0], s1  }
0x5f: {  	s1 =	ssub.s32 @!p0 $0x0, s1;
	[sflag:s0] =	ssyncset.done @!p0 $0x0  }
0x60: {  	[sflag:s0] =	ssyncadd.s32 @!p0 s1  }
0x61: {  	[bflag:$0x3] =	sbarrier.arrive $0xFFFF  }
0x62: {  	_ =	shalt  }

// kernel: kernel.5.cloned.1.call-start
scs
__scs_entry_jumppad:
0x0: {  	(pc) =	sbr.rel $0x88, $3  }
0x1: {  	(tag) =	ssettag $0x0;
	lr =	simm.s32 $0x1  }
0x2: {  	[smem:$0x3F8F] =	sst lr;
	_ =	strace $0xD0000000  }
0x3: {  	_ = 	snop  }
0x4: {  	_ = 	snop  }
0x5: {  	_ = 	snop  }
0x6: {  	_ = 	snop  }
0x7: {  	_ = 	snop  }
__scs_overlays_trampoline_lowered:
0x8: {  	[smem:$0x3F9E] =	sst s0  }
0x9: {  	[smem:$0x3F9F] =	sst s1  }
0xa: {  	[smem:$0x3FA0] =	sst s2  }
0xb: {  	[smem:$0x3FA1] =	sst s3  }
0xc: {  	[smem:$0x3FA2] =	sst s4  }
0xd: {  	[smem:$0x3FA3] =	sst s5  }
0xe: {  	[smem:$0x3FA4] =	sst s6  }
0xf: {  	[smem:$0x3FA5] =	sst s7  }
0x10: {  	[smem:$0x3FA6] =	sst s8  }
0x11: {  	[smem:$0x3FA7] =	sst s9;
	s0 =	simm.s32 @!p0 $0x0  }
0x12: {  	s1 =	sld [smem:$0x3F8D];
	s0 =	simm.s32 @p0 $0x1  }
0x13: {  	[smem:$0x3FA8] =	sst s0;
	s0 =	simm.s32 @!p1 $0x0  }
0x14: {  	s2 =	sld [smem:$0x3F8C];
	s0 =	simm.s32 @p1 $0x1  }
0x15: {  	[smem:$0x3FA9] =	sst s0;
	s0 =	simm.s32 @!p2 $0x0  }
0x16: {  	s3 =	sld [smem:$0x3FDB];
	s0 =	simm.s32 @p2 $0x1  }
0x17: {  	s4 =	simm.s32 $0x1BF5;
	[smem:$0x3FAB] =	sst s0  }
0x18: {  	s0 =	sld [smem:$0x3F8E];
	_ =	swait.ge [sflag:s4], $0x0  }
0x19: {  	s7 =	sld [smem:$0x3F8F]  }
0x1a: {  	s8 =	sadd.s32 $0xFFFFE003, lr  }
0x1b: {  	s9 =	sadd.s32 $0xFFFFFEF7, lr;
	s5 =	simm.s32 $0xFFFFFFFF;
	p2 =	slt.u32 s8, $0xFFFFF086  }
0x1c: {  	p1 =	slt.u32 s9, $0xF7A;
	s5 =	simm.s32 @!p2 $0x0  }
0x1d: {  	s5 =	simm.s32 @p1 $0x1;
	p0 =	seq.s32 s7, s2  }
0x1e: {  	s7 =	smul.u32 @!p0 $0xF7A, s2;
	p2 =	seq.s32 @!p0 s5, $0x0  }
0x1f: {  	s9 =	smul.u32 $0xF7A, s1;
	s8 =	simm.s32 @!p0 $0x1BF5;
	p2 =	por !p2, p0  }
0x20: {  	[sflag:s8] =	ssyncset.s32 @!p0 $0xFFFFF086;
	s6 =	sadd.s32 @!p0 s3, s7;
	s7 =	simm.s32 @!p0 $0x108  }
0x21: {  	s3 =	sadd.s32 s3, s9;
	s6 =	sadd.s32 @!p0 $0x88, s6;
	s7 =	simm.s32 @p2 $0x1082  }
0x22: {  	[simem:s7], [sflag:s8] =	dma.local @!p0 [hbm:s6], $0xF7A  }
0x23: {  	s9 =	sor.u32 $0xD0000000, s2;
	s6 =	simm.s32 $0x108;
	_ =	swait.ge @!p0 [sflag:s8], $0x0  }
0x24: {  	s3 =	sadd.s32 $0x88, s3;
	s6 =	simm.s32 @!p1 $0x1082;
	[sflag:s4] =	ssyncset.s32 $0xFFFFF086  }
0x25: {  	[simem:s6], [sflag:s4] =	dma.local [hbm:s3], $0xF7A  }
0x26: {  	[smem:$0x3F8F] =	sst s1;
	(tag) =	ssettag s2;
	_ =	strace s9  }
0x27: {  	s1 =	sld [smem:$0x3F9F]  }
0x28: {  	s2 =	sld [smem:$0x3FA0]  }
0x29: {  	s4 =	sld [smem:$0x3FA2]  }
0x2a: {  	p0 =	seq.s32 s5, $0x0;
	s5 =	sld [smem:$0x3FA3]  }
0x2b: {  	s6 =	sld [smem:$0x3FA4]  }
0x2c: {  	s7 =	sld [smem:$0x3FA5]  }
0x2d: {  	s3 =	simm.s32 $0x108;
	s8 =	sld [smem:$0x3FA6]  }
0x2e: {  	s3 =	simm.s32 @!p0 $0x1082;
	s9 =	sld [smem:$0x3FA7]  }
0x2f: {  	lr =	sadd.s32 s0, s3;
	s0 =	sld [smem:$0x3F9E]  }
0x30: {  	s3 =	sld [smem:$0x3FA1]  }
0x31: {  	[smem:$0x3FAA] =	sst s10  }
0x32: {  	s10 =	sld [smem:$0x3FA8];
	_ =	sdelay $0x3  }
0x33: {  	p0 =	seq.s32 s10, $0x1;
	s10 =	sld [smem:$0x3FAA];
	_ =	sdelay $0x3  }
0x34: {  	[smem:$0x3FAA] =	sst s10  }
0x35: {  	s10 =	sld [smem:$0x3FA9];
	_ =	sdelay $0x3  }
0x36: {  	p1 =	seq.s32 s10, $0x1;
	s10 =	sld [smem:$0x3FAA];
	_ =	sdelay $0x3  }
0x37: {  	[smem:$0x3FAA] =	sst s10  }
0x38: {  	s10 =	sld [smem:$0x3FAB]  }
0x39: {  	_ = 	snop;
	(pc) =	sbr.ind lr, $3  }
0x3a: {  	_ = 	snop  }
0x3b: {  	_ = 	snop  }
0x3c: {  	p2 =	seq.s32 s10, $0x1;
	s10 =	sld [smem:$0x3FAA]  }
0x3d: {  	_ =	shalt  }
0x3e: {  	_ =	shalt  }
0x3f: {  	_ =	shalt  }
0x40: {  	_ =	shalt  }
0x41: {  	_ =	shalt  }
0x42: {  	_ =	shalt  }
0x43: {  	_ =	shalt  }
0x44: {  	_ =	shalt  }
0x45: {  	_ =	shalt  }
0x46: {  	_ =	shalt  }
0x47: {  	_ =	shalt  }
0x48: {  	_ =	shalt  }
0x49: {  	_ =	shalt  }
0x4a: {  	_ =	shalt  }
0x4b: {  	_ =	shalt  }
0x4c: {  	_ =	shalt  }
0x4d: {  	_ =	shalt  }
0x4e: {  	_ =	shalt  }
0x4f: {  	_ =	shalt  }
0x50: {  	_ =	shalt  }
0x51: {  	_ =	shalt  }
0x52: {  	_ =	shalt  }
0x53: {  	_ =	shalt  }
0x54: {  	_ =	shalt  }
0x55: {  	_ =	shalt  }
0x56: {  	_ =	shalt  }
0x57: {  	_ =	shalt  }
0x58: {  	_ =	shalt  }
0x59: {  	_ =	shalt  }
0x5a: {  	_ =	shalt  }
0x5b: {  	_ =	shalt  }
0x5c: {  	_ =	shalt  }
0x5d: {  	_ =	shalt  }
0x5e: {  	_ =	shalt  }
0x5f: {  	_ =	shalt  }
0x60: {  	_ =	shalt  }
0x61: {  	_ =	shalt  }
0x62: {  	_ =	shalt  }
0x63: {  	_ =	shalt  }
0x64: {  	_ =	shalt  }
0x65: {  	_ =	shalt  }
0x66: {  	_ =	shalt  }
0x67: {  	_ =	shalt  }
0x68: {  	_ =	shalt  }
0x69: {  	_ =	shalt  }
0x6a: {  	_ =	shalt  }
0x6b: {  	_ =	shalt  }
0x6c: {  	_ =	shalt  }
0x6d: {  	_ =	shalt  }
0x6e: {  	_ =	shalt  }
0x6f: {  	_ =	shalt  }
0x70: {  	_ =	shalt  }
0x71: {  	_ =	shalt  }
0x72: {  	_ =	shalt  }
0x73: {  	_ =	shalt  }
0x74: {  	_ =	shalt  }
0x75: {  	_ =	shalt  }
0x76: {  	_ =	shalt  }
0x77: {  	_ =	shalt  }
0x78: {  	_ =	shalt  }
0x79: {  	_ =	shalt  }
0x7a: {  	_ =	shalt  }
0x7b: {  	_ =	shalt  }
0x7c: {  	_ =	shalt  }
0x7d: {  	_ =	shalt  }
0x7e: {  	_ =	shalt  }
0x7f: {  	_ =	shalt  }
0x80: {  	_ =	shalt  }
0x81: {  	_ =	shalt  }
0x82: {  	_ =	shalt  }
0x83: {  	_ =	shalt  }
0x84: {  	_ =	shalt  }
0x85: {  	_ =	shalt  }
0x86: {  	_ =	shalt  }
0x87: {  	_ =	shalt  }
.Lfunc_end0:
.L_simem_size_0:
called_computation.2_lowered:
.L_overlay_start_0:
0x88: {  	s2 =	sld [smem:$0x3FD9]  }
0x89: {  	s3 =	sld [smem:$0x3FFE];
	_ =	sdelay $0x1  }
0x8a: {  	s1 =	srdreg.scid  }
0x8b: {  	s0 =	sand.u32 $0x1, s1  }
0x8c: {  	s17 =	sshll.u32 s0, $0xA;
	s2 =	sadd.s32 s3, s2  }
0x8d: {  	s2 =	sadd.s32 s2, s17  }
0x8e: {  	[smem:$0x3FB6] =	sst s2  }
0x8f: {  	_ = 	snop  }
0x90: {  	s2 =	sld [smem:$0x3FD0];
	(tm) =	ssettm $0x1  }
0x91: {  	s18 =	sld [smem:$0x3FFB];
	_ =	sdelay $0x3  }
0x92: {  	_ =	strace s18  }
0x93: {  	s3 =	sld [smem:$0x3FFC];
	_ =	sdelay $0x3  }
0x94: {  	_ =	strace s3  }
0x95: {  	s3 =	sld [smem:$0x3FFD];
	_ =	sdelay $0x3  }
0x96: {  	_ =	strace s3  }
0x97: {  	_ =	strace $0x8FFFFFFF  }
0x98: {  	s19 =	sld [smem:$0x3FDB];
	_ =	sdelay $0x1  }
0x99: {  	s4 =	simm.s32 $_scs_section_size  }
0x9a: {  	s5 =	simm.s32 $_size__tile_overlayer_lowered;
	s6 =	simm.s32 $_tile_overlayer_lowered  }
0x9b: {  	s22 =	simm.s32 $0x1BFF;
	s21 =	sshll.u32 s6, $0x1;
	s3 =	sadd.s32 s4, s19  }
0x9c: {  	s7 =	simm.s32 $0x0;
	s20 =	sshll.u32 s5, $0x1;
	s5 =	sadd.s32 s21, s3  }
0x9d: {  	[timem:s7], [sflag:s22] =	dma.local [hbm:s5], s20  }
0x9e: {  	_ =	swait.ge [sflag:s22], s20  }
0x9f: {  	s4 =	ssub.s32 $0x0, s20;
	[sflag:s22] =	ssyncset.done $0x0  }
0xa0: {  	[sflag:s22] =	ssyncadd.s32 s4;
	_ =	sdelay $0x1  }
0xa1: {  	s23 =	simm.s32 $0x1B8B  }
0xa2: {  	_ =	swait.ge [sflag:s23], $0x1  }
0xa3: {  	[sflag:s23] =	ssyncset.done $0x0  }
0xa4: {  	s25 =	simm.s32 $0x1B8E;
	s24 =	sld [smem:$0x3FFE];
	[sflag:s23] =	ssyncadd.s32 $0xFFFFFFFF  }
0xa5: {  	s26 =	simm.s32 $execute0_lowered;
	[smem:$0x3FD2] =	sst s25  }
0xa6: {  	s5 =	sshll.u32 s26, $0x1;
	_ =	strace $0x80000046;
	[dreg:$0x1] =	wrdreg $0xFFFFFFFF  }
0xa7: {  	s28 =	simm.s32 $_size_execute0_lowered;
	s3 =	sadd.s32 s3, s5;
	[dreg:$0x0] =	wrdreg $0x0  }
0xa8: {  	s5 =	sshll.u32 s28, $0x1;
	[dreg:$0x2] =	wrdreg s3  }
0xa9: {  	[dreg:$0x3] =	wrdreg s5  }
0xaa: {  	[dreg:$0x4] =	wrdreg $0xC0  }
0xab: {  	_ =	task [dreg:s7], $0x5FFFF  }
0xac: {  	[dreg:$0x1] =	wrdreg $0xFFFFFFFF  }
0xad: {  	[dreg:$0x0] =	wrdreg $0x60  }
0xae: {  	[dreg:$0x2] =	wrdreg s24  }
0xaf: {  	[dreg:$0x3] =	wrdreg s2  }
0xb0: {  	[dreg:$0x4] =	wrdreg $0x9  }
0xb1: {  	_ =	task.clear_ibuf [dreg:s7], $0x5FFFF;
	_ =	strace $0x90000046  }
0xb2: {  	s29 =	simm.s32 $0x9;
	_ =	strace $0x80000048  }
0xb3: {  	_ =	swait.ge [sflag:s29], $0x1  }
0xb4: {  	[sflag:s29] =	ssyncadd.s32 $0xFFFFFFFF  }
0xb5: {  	_ =	strace $0x90000048  }
0xb6: {  	_ =	sfence  }
0xb7: {  	s30 =	sld [smem:$0x0];
	_ =	sdelay $0x2  }
0xb8: {  	s31 =	sshll.u32 s1, $0xD;
	s1 =	sshrl.u32 s1, $0x2  }
0xb9: {  	s3 =	sand.u32 $0x4000, s31;
	s1 =	sadd.s32 s1, s30  }
0xba: {  	s0 =	sor.u32 s3, s0;
	s1 =	sshll.u32 s1, $0x11  }
0xbb: {  	s0 =	sor.u32 s1, s0  }
0xbc: {  	s0 =	sadd.s32 $0x8F2B, s0  }
0xbd: {  	[sflag:s0] =	ssyncadd.remote.s32 $0x1  }
0xbe: {  	_ =	sfence.sel $0xFFFF  }
0xbf: {  	[dreg:$0x0] =	wrdreg $0xFFFFFFFF;
	(pc) =	sbr.abs _section_cstart, $3  }
0xc0: {  	[dreg:$0x1] =	wrdreg $0xFFFFFFFF  }
0xc1: {  	_ =	task.clear_ibuf [dreg:s7], $0x2FFFF;
	_ =	strace $0x9FFFFFFF  }
0xc2: {  	(tm) =	ssettm $0x7FFFFFFF  }
0xc3: {  	_ =	shalt  }
tec
execute0_lowered:
.L_overlay_start_1:
0x0: {  	(tag) =	ssettag $0x1  }
0x1: {  	s0 =	srdreg.scid;
	s1 =	rddreg [dreg:$0x0]  }
0x2: {  	s5 =	rddreg [dreg:$0x1];
	s4 =	stileid.u32;
	s2 =	simm.s32 $0x0  }
0x3: {  	s23 =	simm.s32 $0x1;
	s24 =	simm.s32 $0x12500;
	s0 =	sand.u32 $0x1, s0  }
0x4: {  	s25 =	simm.s32 $0x16EA0;
	s26 =	simm.s32 $0x19360;
	s3 =	sshll.u32 s0, $0x4  }
0x5: {  	s28 =	simm.s32 $0x0;
	s0 =	ssub.s32 $0x2, s0;
	s3 =	sor.u32 s4, s3  }
0x6: {  	[smem:$0x7FF] =	sst s2;
	s31 =	sshrl.u32 s0, $0x1;
	s4 =	smul.u32 $0x620, s3  }
0x7: {  	_ =	strace $0x80000047;
	s6 =	smul.u32 $0x24C, s3;
	s0 =	ssub.s32 s0, s31  }
0x8: {  	s3 =	sadd.s32 $0x1C00, s1;
	s22 =	smax.u32 s0, $0x1;
	s7 =	sshrl.u32 s4, $0x3  }
0x9: {  	s30 =	sadd.s32 s6, s1;
	s1 =	sadd.s32 s7, s1;
	s5 =	sadd.s32 s5, s7  }
0xa: {  	s4 =	sadd.s32 $0x4200, s30;
	s6 =	sadd.s32 $0x200, s1;
	s7 =	sadd.s32 $0x1880, s5  }
0xb: {  	s8 =	sadd.s32 $0x3100, s5;
	s9 =	sadd.s32 $0x4980, s5;
	s10 =	sadd.s32 $0x6200, s5  }
0xc: {  	v0 =	vlaneseq.u32;
	s11 =	sadd.s32 $0x7A80, s5;
	s12 =	sadd.s32 $0x9300, s5;
	s13 =	sadd.s32 $0xAB80, s5  }
0xd: {  	v0 =	vmul.u32 $0x3, v0;
	s14 =	sadd.s32 $0xC400, s5;
	s15 =	sadd.s32 $0xDC80, s5;
	s16 =	sadd.s32 $0xF500, s5  }
0xe: {  	s17 =	sadd.s32 $0x10D80, s5;
	s18 =	sadd.s32 $0x12600, s5;
	s19 =	sadd.s32 $0x13E80, s5  }
0xf: {  	v3 =	vimm.f32 $0.0e+00;
	v1 =	vadd.s32 $0x1, v0;
	v2 =	vadd.s32 $0x2, v0;
	s20 =	sadd.s32 $0x15700, s5;
	s21 =	sadd.s32 $0x16F80, s5;
	s1 =	simm.s32 $0x18D40  }
.LBB2_1:
0x10: {  	[tilespmem:s2], [sflag:$0x1] =	stream.linear.gather [hbm4b:s3+s2], $0x12500, $0x38;
	[tilespmem:$0x19980] =	vst v63  }
0x11: {  	_ =	swait.ge [sflag:s23], $0x12500  }
0x12: {  	[sflag:s23] =	ssyncset.done $0x0  }
0x13: {  	[sflag:s23] =	ssyncadd.s32 $0xFFFEDB00  }
0x14: {  	[tilespmem:s24], [sflag:$0x1] =	stream.linear.gather [hbm4b:s4+s2], $0x1260, $0x38;
	[tilespmem:$0x19980] =	vst v63  }
0x15: {  	_ =	swait.ge [sflag:s23], $0x1260  }
0x16: {  	[sflag:s23] =	ssyncset.done $0x0  }
0x17: {  	[sflag:s23] =	ssyncadd.s32 $0xFFFFEDA0  }
0x18: {  	[tilespmem:s25], [sflag:$0x1] =	stream.linear.gather [hbm4b:s6+s2], $0x620, $0x38;
	[tilespmem:$0x19980] =	vst v63  }
0x19: {  	_ =	swait.ge [sflag:s23], $0x620  }
0x1a: {  	[sflag:s23] =	ssyncset.done $0x0  }
0x1b: {  	s29 =	simm.s32 $0x0;
	s30 =	simm.s32 $0x0;
	[sflag:s23] =	ssyncadd.s32 $0xFFFFF9E0  }
.LBB2_2:
0x1c: {  	v4 =	vmov s29  }
0x1d: {  	v4 =	vmul.u32 $0x3, v4;
	_ =	sdelay $0x1  }
0x1e: {  	v4 =	vbroadcast v4, $0x0;
	_ =	sdelay $0x1  }
0x1f: {  	v5 =	vadd.s32 v0, v4;
	_ =	sdelay $0x4  }
0x20: {  	v5 =	vld.idx.msk [tilespmem:v5+s24+$0x0], $0xffff;
	_ =	sdelay $0x4  }
0x21: {  	v5 =	vmul.u32 $0x3, v5;
	_ =	sdelay $0x5  }
0x22: {  	v6 =	vld.idx.msk [tilespmem:v5+s2+$0x0], $0xffff  }
0x23: {  	v7 =	vadd.s32 $0x1, v5;
	_ =	sdelay $0x2  }
0x24: {  	s31 =	sshra.s32 s30, $0x2  }
0x25: {  	[tilespmem:s31+$0x13780] =	vst v6  }
0x26: {  	v6 =	vld.idx.msk [tilespmem:v7+s2+$0x0], $0xffff  }
0x27: {  	v5 =	vadd.s32 $0x2, v5;
	_ =	sdelay $0x3  }
0x28: {  	[tilespmem:s31+$0x13DA0] =	vst v6  }
0x29: {  	v5 =	vld.idx.msk [tilespmem:v5+s2+$0x0], $0xffff  }
0x2a: {  	v60 =	vadd.s32 v1, v4;
	_ =	sdelay $0x3  }
0x2b: {  	[tilespmem:s31+$0x143C0] =	vst v5  }
0x2c: {  	v5 =	vld.idx.msk [tilespmem:v60+s24+$0x0], $0xffff;
	_ =	sdelay $0x4  }
0x2d: {  	v5 =	vmul.u32 $0x3, v5;
	_ =	sdelay $0x5  }
0x2e: {  	v61 =	vld.idx.msk [tilespmem:v5+s2+$0x0], $0xffff  }
0x2f: {  	v62 =	vadd.s32 $0x1, v5;
	_ =	sdelay $0x3  }
0x30: {  	[tilespmem:s31+$0x149E0] =	vst v61  }
0x31: {  	v6 =	vld.idx.msk [tilespmem:v62+s2+$0x0], $0xffff  }
0x32: {  	v5 =	vadd.s32 $0x2, v5;
	_ =	sdelay $0x2  }
0x33: {  	s0 =	sand.u32 $0x7F0, s29  }
0x34: {  	[tilespmem:s0+$0x15000] =	vst v6  }
0x35: {  	v5 =	vld.idx.msk [tilespmem:v5+s2+$0x0], $0xffff  }
0x36: {  	v4 =	vadd.s32 v2, v4;
	_ =	sdelay $0x3  }
0x37: {  	[tilespmem:s31+$0x15620] =	vst v5  }
0x38: {  	v4 =	vld.idx.msk [tilespmem:v4+s24+$0x0], $0xffff;
	_ =	sdelay $0x4  }
0x39: {  	v4 =	vmul.u32 $0x3, v4;
	_ =	sdelay $0x5  }
0x3a: {  	v5 =	vld.idx.msk [tilespmem:v4+s2+$0x0], $0xffff  }
0x3b: {  	v63 =	vadd.s32 $0x1, v4;
	_ =	sdelay $0x3  }
0x3c: {  	[tilespmem:s31+$0x15C40] =	vst v5  }
0x3d: {  	v5 =	vld.idx.msk [tilespmem:v63+s2+$0x0], $0xffff  }
0x3e: {  	v4 =	vadd.s32 $0x2, v4;
	_ =	sdelay $0x3  }
0x3f: {  	[tilespmem:s31+$0x16260] =	vst v5  }
0x40: {  	v4 =	vld.idx.msk [tilespmem:v4+s2+$0x0], $0xffff;
	_ =	sdelay $0x4  }
0x41: {  	[tilespmem:s0+$0x16880] =	vst v4  }
0x42: {  	p0 =	sne.s32 s30, $0x1840;
	[tilespmem:s31+$0x174C0] =	vst v3  }
.Ltmp0:
0x43: {  	[tilespmem:s31+$0x17AE0] =	vst v3;
	(pc) =	sbr.rel @p0 .LBB2_2-.Ltmp0, $4  }
0x44: {  	[tilespmem:s0+$0x18100] =	vst v3  }
0x45: {  	[tilespmem:s31+$0x18720] =	vst v3  }
0x46: {  	[tilespmem:s31+$0x18D40] =	vst v3  }
0x47: {  	s29 =	sadd.s32 $0x10, s29;
	s30 =	sadd.s32 $0x40, s30;
	[tilespmem:s31+$0x19360] =	vst v3  }
0x48: {  	s0 =	simm.s32 $0x13780  }
0x49: {  	[hbm4b:s5+s2] =	stream.linear.scatter [tilespmem:s0], [sflag:$0x1], $0x620, $0x38;
	[tilespmem:$0x19980] =	vst v63  }
0x4a: {  	_ =	swait.ge [sflag:s23], $0x620  }
0x4b: {  	[sflag:s23] =	ssyncset.done $0x0  }
0x4c: {  	s29 =	simm.s32 $0x13DA0;
	[sflag:s23] =	ssyncadd.s32 $0xFFFFF9E0  }
0x4d: {  	[hbm4b:s7+s2] =	stream.linear.scatter [tilespmem:s29], [sflag:$0x1], $0x620, $0x38;
	[tilespmem:$0x19980] =	vst v63  }
0x4e: {  	_ =	swait.ge [sflag:s23], $0x620  }
0x4f: {  	[sflag:s23] =	ssyncset.done $0x0  }
0x50: {  	s30 =	simm.s32 $0x143C0;
	[sflag:s23] =	ssyncadd.s32 $0xFFFFF9E0  }
0x51: {  	[hbm4b:s8+s2] =	stream.linear.scatter [tilespmem:s30], [sflag:$0x1], $0x620, $0x38;
	[tilespmem:$0x19980] =	vst v63  }
0x52: {  	_ =	swait.ge [sflag:s23], $0x620  }
0x53: {  	[sflag:s23] =	ssyncset.done $0x0  }
0x54: {  	s31 =	simm.s32 $0x149E0;
	[sflag:s23] =	ssyncadd.s32 $0xFFFFF9E0  }
0x55: {  	[hbm4b:s9+s2] =	stream.linear.scatter [tilespmem:s31], [sflag:$0x1], $0x620, $0x38;
	[tilespmem:$0x19980] =	vst v63  }
0x56: {  	_ =	swait.ge [sflag:s23], $0x620  }
0x57: {  	[sflag:s23] =	ssyncset.done $0x0  }
0x58: {  	s29 =	simm.s32 $0x15000;
	[sflag:s23] =	ssyncadd.s32 $0xFFFFF9E0  }
0x59: {  	[hbm4b:s10+s2] =	stream.linear.scatter [tilespmem:s29], [sflag:$0x1], $0x620, $0x38;
	[tilespmem:$0x19980] =	vst v63  }
0x5a: {  	_ =	swait.ge [sflag:s23], $0x620  }
0x5b: {  	[sflag:s23] =	ssyncset.done $0x0  }
0x5c: {  	s30 =	simm.s32 $0x15620;
	[sflag:s23] =	ssyncadd.s32 $0xFFFFF9E0  }
0x5d: {  	[hbm4b:s11+s2] =	stream.linear.scatter [tilespmem:s30], [sflag:$0x1], $0x620, $0x38;
	[tilespmem:$0x19980] =	vst v63  }
0x5e: {  	_ =	swait.ge [sflag:s23], $0x620  }
0x5f: {  	[sflag:s23] =	ssyncset.done $0x0  }
0x60: {  	s31 =	simm.s32 $0x15C40;
	[sflag:s23] =	ssyncadd.s32 $0xFFFFF9E0  }
0x61: {  	[hbm4b:s12+s2] =	stream.linear.scatter [tilespmem:s31], [sflag:$0x1], $0x620, $0x38;
	[tilespmem:$0x19980] =	vst v63  }
0x62: {  	_ =	swait.ge [sflag:s23], $0x620  }
0x63: {  	[sflag:s23] =	ssyncset.done $0x0  }
0x64: {  	s29 =	simm.s32 $0x16260;
	[sflag:s23] =	ssyncadd.s32 $0xFFFFF9E0  }
0x65: {  	[hbm4b:s13+s2] =	stream.linear.scatter [tilespmem:s29], [sflag:$0x1], $0x620, $0x38;
	[tilespmem:$0x19980] =	vst v63  }
0x66: {  	_ =	swait.ge [sflag:s23], $0x620  }
0x67: {  	[sflag:s23] =	ssyncset.done $0x0  }
0x68: {  	s30 =	simm.s32 $0x16880;
	[sflag:s23] =	ssyncadd.s32 $0xFFFFF9E0  }
0x69: {  	[hbm4b:s14+s2] =	stream.linear.scatter [tilespmem:s30], [sflag:$0x1], $0x620, $0x38;
	[tilespmem:$0x19980] =	vst v63  }
0x6a: {  	_ =	swait.ge [sflag:s23], $0x620  }
0x6b: {  	[sflag:s23] =	ssyncset.done $0x0  }
0x6c: {  	[sflag:s23] =	ssyncadd.s32 $0xFFFFF9E0  }
0x6d: {  	[hbm4b:s15+s2] =	stream.linear.scatter [tilespmem:s25], [sflag:$0x1], $0x620, $0x38;
	[tilespmem:$0x19980] =	vst v63  }
0x6e: {  	_ =	swait.ge [sflag:s23], $0x620  }
0x6f: {  	[sflag:s23] =	ssyncset.done $0x0  }
0x70: {  	s31 =	simm.s32 $0x174C0;
	[sflag:s23] =	ssyncadd.s32 $0xFFFFF9E0  }
0x71: {  	[hbm4b:s16+s2] =	stream.linear.scatter [tilespmem:s31], [sflag:$0x1], $0x620, $0x38;
	[tilespmem:$0x19980] =	vst v63  }
0x72: {  	_ =	swait.ge [sflag:s23], $0x620  }
0x73: {  	[sflag:s23] =	ssyncset.done $0x0  }
0x74: {  	s29 =	simm.s32 $0x17AE0;
	[sflag:s23] =	ssyncadd.s32 $0xFFFFF9E0  }
0x75: {  	[hbm4b:s17+s2] =	stream.linear.scatter [tilespmem:s29], [sflag:$0x1], $0x620, $0x38;
	[tilespmem:$0x19980] =	vst v63  }
0x76: {  	_ =	swait.ge [sflag:s23], $0x620  }
0x77: {  	[sflag:s23] =	ssyncset.done $0x0  }
0x78: {  	s30 =	simm.s32 $0x18100;
	[sflag:s23] =	ssyncadd.s32 $0xFFFFF9E0  }
0x79: {  	[hbm4b:s18+s2] =	stream.linear.scatter [tilespmem:s30], [sflag:$0x1], $0x620, $0x38;
	[tilespmem:$0x19980] =	vst v63  }
0x7a: {  	_ =	swait.ge [sflag:s23], $0x620  }
0x7b: {  	[sflag:s23] =	ssyncset.done $0x0  }
0x7c: {  	s31 =	simm.s32 $0x18720;
	[sflag:s23] =	ssyncadd.s32 $0xFFFFF9E0  }
0x7d: {  	[hbm4b:s19+s2] =	stream.linear.scatter [tilespmem:s31], [sflag:$0x1], $0x620, $0x38;
	[tilespmem:$0x19980] =	vst v63  }
0x7e: {  	_ =	swait.ge [sflag:s23], $0x620  }
0x7f: {  	[sflag:s23] =	ssyncset.done $0x0  }
0x80: {  	[sflag:s23] =	ssyncadd.s32 $0xFFFFF9E0  }
0x81: {  	[hbm4b:s20+s2] =	stream.linear.scatter [tilespmem:s1], [sflag:$0x1], $0x620, $0x38;
	[tilespmem:$0x19980] =	vst v63  }
0x82: {  	s28 =	sadd.s32 $0x1, s28;
	_ =	swait.ge [sflag:s23], $0x620  }
0x83: {  	p0 =	sne.s32 s28, s22;
	[sflag:s23] =	ssyncset.done $0x0  }
.Ltmp1:
0x84: {  	[sflag:s23] =	ssyncadd.s32 $0xFFFFF9E0;
	(pc) =	sbr.rel @p0 .LBB2_1-.Ltmp1, $4  }
0x85: {  	[hbm4b:s21+s2] =	stream.linear.scatter [tilespmem:s26], [sflag:$0x1], $0x620, $0x38;
	[tilespmem:$0x19980] =	vst v63  }
0x86: {  	_ =	swait.ge [sflag:s23], $0x620  }
0x87: {  	[sflag:s23] =	ssyncset.done $0x0  }
0x88: {  	[sflag:s23] =	ssyncadd.s32 $0xFFFFF9E0  }
0x89: {  	_ =	sfence.sel $0x180000  }
0x8a: {  	[bflag:$0x0] =	sbarrier.arrive $0xFFFF  }
0x8b: {  	_ =	strace $0x90000047  }
0x8c: {  	s0 =	stileid.u32;
	[bflag:$0x2] =	sbarrier.arrive $0xFFFF  }
0x8d: {  	p0 =	sne.s32 s0, $0x0;
	s0 =	rddreg [dreg:$0x2]  }
0x8e: {  	s0 =	sadd.s32 @!p0 $0x100000, s0  }
0x8f: {  	[sflag:s0] =	ssyncadd.tile.s32 @!p0 $0x1;
	_ =	shalt  }
.Lfunc_end2:
_tile_overlayer_lowered:
.L_overlay_start_2:
0x90: {  	(tag) =	ssettag $0x2  }
0x91: {  	s0 =	rddreg [dreg:$0x0];
	s2 =	stileid.u32  }
0x92: {  	s1 =	rddreg [dreg:$0x1];
	p0 =	sne.s32 s2, $0x0  }
0x93: {  	s3 =	rddreg [dreg:$0x2];
	[bflag:$0x3] =	sbarrier.arrive $0xFFFF;
	s2 =	simm.s32 @!p0 $0x1C01  }
0x94: {  	[timem:s3], [sflag:s2] =	dma.local @!p0 [hbm:s0], s1  }
0x95: {  	s0 =	simm.s32 @!p0 $0x1  }
0x96: {  	_ =	swait.ge @!p0 [sflag:s0], s1  }
0x97: {  	s1 =	ssub.s32 @!p0 $0x0, s1;
	[sflag:s0] =	ssyncset.done @!p0 $0x0  }
0x98: {  	[sflag:s0] =	ssyncadd.s32 @!p0 s1  }
0x99: {  	[bflag:$0x3] =	sbarrier.arrive $0xFFFF  }
0x9a: {  	_ =	shalt  }

// kernel: scatter_offload_async_start
scs
__scs_entry_jumppad:
0x0: {  	(pc) =	sbr.rel $0x88, $3  }
0x1: {  	(tag) =	ssettag $0x0;
	lr =	simm.s32 $0x1  }
0x2: {  	[smem:$0x3F8F] =	sst lr;
	_ =	strace $0xD0000000  }
0x3: {  	_ = 	snop  }
0x4: {  	_ = 	snop  }
0x5: {  	_ = 	snop  }
0x6: {  	_ = 	snop  }
0x7: {  	_ = 	snop  }
__scs_overlays_trampoline_lowered:
0x8: {  	[smem:$0x3F9E] =	sst s0  }
0x9: {  	[smem:$0x3F9F] =	sst s1  }
0xa: {  	[smem:$0x3FA0] =	sst s2  }
0xb: {  	[smem:$0x3FA1] =	sst s3  }
0xc: {  	[smem:$0x3FA2] =	sst s4  }
0xd: {  	[smem:$0x3FA3] =	sst s5  }
0xe: {  	[smem:$0x3FA4] =	sst s6  }
0xf: {  	[smem:$0x3FA5] =	sst s7  }
0x10: {  	[smem:$0x3FA6] =	sst s8  }
0x11: {  	[smem:$0x3FA7] =	sst s9;
	s0 =	simm.s32 @!p0 $0x0  }
0x12: {  	s1 =	sld [smem:$0x3F8D];
	s0 =	simm.s32 @p0 $0x1  }
0x13: {  	[smem:$0x3FA8] =	sst s0;
	s0 =	simm.s32 @!p1 $0x0  }
0x14: {  	s2 =	sld [smem:$0x3F8C];
	s0 =	simm.s32 @p1 $0x1  }
0x15: {  	[smem:$0x3FA9] =	sst s0;
	s0 =	simm.s32 @!p2 $0x0  }
0x16: {  	s3 =	sld [smem:$0x3FDB];
	s0 =	simm.s32 @p2 $0x1  }
0x17: {  	s4 =	simm.s32 $0x1BF5;
	[smem:$0x3FAB] =	sst s0  }
0x18: {  	s0 =	sld [smem:$0x3F8E];
	_ =	swait.ge [sflag:s4], $0x0  }
0x19: {  	s7 =	sld [smem:$0x3F8F]  }
0x1a: {  	s8 =	sadd.s32 $0xFFFFE003, lr  }
0x1b: {  	s9 =	sadd.s32 $0xFFFFFEF7, lr;
	s5 =	simm.s32 $0xFFFFFFFF;
	p2 =	slt.u32 s8, $0xFFFFF086  }
0x1c: {  	p1 =	slt.u32 s9, $0xF7A;
	s5 =	simm.s32 @!p2 $0x0  }
0x1d: {  	s5 =	simm.s32 @p1 $0x1;
	p0 =	seq.s32 s7, s2  }
0x1e: {  	s7 =	smul.u32 @!p0 $0xF7A, s2;
	p2 =	seq.s32 @!p0 s5, $0x0  }
0x1f: {  	s9 =	smul.u32 $0xF7A, s1;
	s8 =	simm.s32 @!p0 $0x1BF5;
	p2 =	por !p2, p0  }
0x20: {  	[sflag:s8] =	ssyncset.s32 @!p0 $0xFFFFF086;
	s6 =	sadd.s32 @!p0 s3, s7;
	s7 =	simm.s32 @!p0 $0x108  }
0x21: {  	s3 =	sadd.s32 s3, s9;
	s6 =	sadd.s32 @!p0 $0x88, s6;
	s7 =	simm.s32 @p2 $0x1082  }
0x22: {  	[simem:s7], [sflag:s8] =	dma.local @!p0 [hbm:s6], $0xF7A  }
0x23: {  	s9 =	sor.u32 $0xD0000000, s2;
	s6 =	simm.s32 $0x108;
	_ =	swait.ge @!p0 [sflag:s8], $0x0  }
0x24: {  	s3 =	sadd.s32 $0x88, s3;
	s6 =	simm.s32 @!p1 $0x1082;
	[sflag:s4] =	ssyncset.s32 $0xFFFFF086  }
0x25: {  	[simem:s6], [sflag:s4] =	dma.local [hbm:s3], $0xF7A  }
0x26: {  	[smem:$0x3F8F] =	sst s1;
	(tag) =	ssettag s2;
	_ =	strace s9  }
0x27: {  	s1 =	sld [smem:$0x3F9F]  }
0x28: {  	s2 =	sld [smem:$0x3FA0]  }
0x29: {  	s4 =	sld [smem:$0x3FA2]  }
0x2a: {  	p0 =	seq.s32 s5, $0x0;
	s5 =	sld [smem:$0x3FA3]  }
0x2b: {  	s6 =	sld [smem:$0x3FA4]  }
0x2c: {  	s7 =	sld [smem:$0x3FA5]  }
0x2d: {  	s3 =	simm.s32 $0x108;
	s8 =	sld [smem:$0x3FA6]  }
0x2e: {  	s3 =	simm.s32 @!p0 $0x1082;
	s9 =	sld [smem:$0x3FA7]  }
0x2f: {  	lr =	sadd.s32 s0, s3;
	s0 =	sld [smem:$0x3F9E]  }
0x30: {  	s3 =	sld [smem:$0x3FA1]  }
0x31: {  	[smem:$0x3FAA] =	sst s10  }
0x32: {  	s10 =	sld [smem:$0x3FA8];
	_ =	sdelay $0x3  }
0x33: {  	p0 =	seq.s32 s10, $0x1;
	s10 =	sld [smem:$0x3FAA];
	_ =	sdelay $0x3  }
0x34: {  	[smem:$0x3FAA] =	sst s10  }
0x35: {  	s10 =	sld [smem:$0x3FA9];
	_ =	sdelay $0x3  }
0x36: {  	p1 =	seq.s32 s10, $0x1;
	s10 =	sld [smem:$0x3FAA];
	_ =	sdelay $0x3  }
0x37: {  	[smem:$0x3FAA] =	sst s10  }
0x38: {  	s10 =	sld [smem:$0x3FAB]  }
0x39: {  	_ = 	snop;
	(pc) =	sbr.ind lr, $3  }
0x3a: {  	_ = 	snop  }
0x3b: {  	_ = 	snop  }
0x3c: {  	p2 =	seq.s32 s10, $0x1;
	s10 =	sld [smem:$0x3FAA]  }
0x3d: {  	_ =	shalt  }
0x3e: {  	_ =	shalt  }
0x3f: {  	_ =	shalt  }
0x40: {  	_ =	shalt  }
0x41: {  	_ =	shalt  }
0x42: {  	_ =	shalt  }
0x43: {  	_ =	shalt  }
0x44: {  	_ =	shalt  }
0x45: {  	_ =	shalt  }
0x46: {  	_ =	shalt  }
0x47: {  	_ =	shalt  }
0x48: {  	_ =	shalt  }
0x49: {  	_ =	shalt  }
0x4a: {  	_ =	shalt  }
0x4b: {  	_ =	shalt  }
0x4c: {  	_ =	shalt  }
0x4d: {  	_ =	shalt  }
0x4e: {  	_ =	shalt  }
0x4f: {  	_ =	shalt  }
0x50: {  	_ =	shalt  }
0x51: {  	_ =	shalt  }
0x52: {  	_ =	shalt  }
0x53: {  	_ =	shalt  }
0x54: {  	_ =	shalt  }
0x55: {  	_ =	shalt  }
0x56: {  	_ =	shalt  }
0x57: {  	_ =	shalt  }
0x58: {  	_ =	shalt  }
0x59: {  	_ =	shalt  }
0x5a: {  	_ =	shalt  }
0x5b: {  	_ =	shalt  }
0x5c: {  	_ =	shalt  }
0x5d: {  	_ =	shalt  }
0x5e: {  	_ =	shalt  }
0x5f: {  	_ =	shalt  }
0x60: {  	_ =	shalt  }
0x61: {  	_ =	shalt  }
0x62: {  	_ =	shalt  }
0x63: {  	_ =	shalt  }
0x64: {  	_ =	shalt  }
0x65: {  	_ =	shalt  }
0x66: {  	_ =	shalt  }
0x67: {  	_ =	shalt  }
0x68: {  	_ =	shalt  }
0x69: {  	_ =	shalt  }
0x6a: {  	_ =	shalt  }
0x6b: {  	_ =	shalt  }
0x6c: {  	_ =	shalt  }
0x6d: {  	_ =	shalt  }
0x6e: {  	_ =	shalt  }
0x6f: {  	_ =	shalt  }
0x70: {  	_ =	shalt  }
0x71: {  	_ =	shalt  }
0x72: {  	_ =	shalt  }
0x73: {  	_ =	shalt  }
0x74: {  	_ =	shalt  }
0x75: {  	_ =	shalt  }
0x76: {  	_ =	shalt  }
0x77: {  	_ =	shalt  }
0x78: {  	_ =	shalt  }
0x79: {  	_ =	shalt  }
0x7a: {  	_ =	shalt  }
0x7b: {  	_ =	shalt  }
0x7c: {  	_ =	shalt  }
0x7d: {  	_ =	shalt  }
0x7e: {  	_ =	shalt  }
0x7f: {  	_ =	shalt  }
0x80: {  	_ =	shalt  }
0x81: {  	_ =	shalt  }
0x82: {  	_ =	shalt  }
0x83: {  	_ =	shalt  }
0x84: {  	_ =	shalt  }
0x85: {  	_ =	shalt  }
0x86: {  	_ =	shalt  }
0x87: {  	_ =	shalt  }
.Lfunc_end0:
.L_simem_size_0:
called_computation_lowered:
.L_overlay_start_0:
0x88: {  	s2 =	sld [smem:$0x3FD9]  }
0x89: {  	s3 =	sld [smem:$0x3FFE];
	_ =	sdelay $0x1  }
0x8a: {  	s1 =	srdreg.scid  }
0x8b: {  	s0 =	sand.u32 $0x1, s1  }
0x8c: {  	s15 =	sshll.u32 s0, $0xA;
	s2 =	sadd.s32 s3, s2  }
0x8d: {  	s2 =	sadd.s32 s2, s15  }
0x8e: {  	[smem:$0x3FB6] =	sst s2  }
0x8f: {  	_ = 	snop  }
0x90: {  	(tm) =	ssettm $0x1  }
0x91: {  	s16 =	sld [smem:$0x3FFB];
	_ =	sdelay $0x3  }
0x92: {  	_ =	strace s16  }
0x93: {  	s2 =	sld [smem:$0x3FFC];
	_ =	sdelay $0x3  }
0x94: {  	_ =	strace s2  }
0x95: {  	s2 =	sld [smem:$0x3FFD];
	_ =	sdelay $0x3  }
0x96: {  	_ =	strace s2  }
0x97: {  	_ =	strace $0x8FFFFFFF  }
0x98: {  	s17 =	sld [smem:$0x3FDB];
	_ =	sdelay $0x1  }
0x99: {  	s18 =	simm.s32 $_scs_section_size  }
0x9a: {  	s4 =	simm.s32 $_size__tile_overlayer_lowered;
	s5 =	simm.s32 $_tile_overlayer_lowered  }
0x9b: {  	s21 =	simm.s32 $0x1BFF;
	s20 =	sshll.u32 s5, $0x1;
	s2 =	sadd.s32 s18, s17  }
0x9c: {  	s6 =	simm.s32 $0x0;
	s19 =	sshll.u32 s4, $0x1;
	s4 =	sadd.s32 s20, s2  }
0x9d: {  	[timem:s6], [sflag:s21] =	dma.local [hbm:s4], s19  }
0x9e: {  	_ =	swait.ge [sflag:s21], s19  }
0x9f: {  	s3 =	ssub.s32 $0x0, s19;
	[sflag:s21] =	ssyncset.done $0x0  }
0xa0: {  	[sflag:s21] =	ssyncadd.s32 s3;
	_ =	sdelay $0x1  }
0xa1: {  	s22 =	simm.s32 $0x1B8B  }
0xa2: {  	_ =	swait.ge [sflag:s22], $0x1  }
0xa3: {  	[sflag:s22] =	ssyncset.done $0x0  }
0xa4: {  	s23 =	sld [smem:$0x3FFE];
	[sflag:s22] =	ssyncadd.s32 $0xFFFFFFFF  }
0xa5: {  	s25 =	simm.s32 $0x1B8E;
	s24 =	sld [smem:$0x0]  }
0xa6: {  	s26 =	simm.s32 $execute0_lowered;
	[smem:$0x3FD2] =	sst s25  }
0xa7: {  	s5 =	sshll.u32 s26, $0x1;
	_ =	strace $0x8000004C;
	[dreg:$0x1] =	wrdreg $0xFFFFFFFF  }
0xa8: {  	s28 =	simm.s32 $_size_execute0_lowered;
	s2 =	sadd.s32 s2, s5;
	[dreg:$0x0] =	wrdreg $0x0  }
0xa9: {  	s5 =	sshll.u32 s28, $0x1;
	[dreg:$0x2] =	wrdreg s2  }
0xaa: {  	[dreg:$0x3] =	wrdreg s5  }
0xab: {  	[dreg:$0x4] =	wrdreg $0xC0  }
0xac: {  	_ =	task [dreg:s6], $0x5FFFF  }
0xad: {  	[dreg:$0x1] =	wrdreg $0xFFFFFFFF  }
0xae: {  	[dreg:$0x0] =	wrdreg $0x60  }
0xaf: {  	[dreg:$0x2] =	wrdreg s23  }
0xb0: {  	[dreg:$0x3] =	wrdreg s1  }
0xb1: {  	[dreg:$0x4] =	wrdreg s24  }
0xb2: {  	[dreg:$0x5] =	wrdreg $0x9  }
0xb3: {  	_ =	task.clear_ibuf [dreg:s6], $0x6FFFF;
	_ =	strace $0x9000004C  }
0xb4: {  	s29 =	simm.s32 $0x9;
	_ =	strace $0x8000004E  }
0xb5: {  	_ =	swait.ge [sflag:s29], $0x1  }
0xb6: {  	[sflag:s29] =	ssyncadd.s32 $0xFFFFFFFF  }
0xb7: {  	_ =	strace $0x9000004E  }
0xb8: {  	_ =	sfence  }
0xb9: {  	s30 =	sld [smem:$0x0];
	_ =	sdelay $0x2  }
0xba: {  	s31 =	sshll.u32 s1, $0xD;
	s1 =	sshrl.u32 s1, $0x2  }
0xbb: {  	s3 =	sand.u32 $0x4000, s31;
	s1 =	sadd.s32 s1, s30  }
0xbc: {  	s0 =	sor.u32 s3, s0;
	s1 =	sshll.u32 s1, $0x11  }
0xbd: {  	s0 =	sor.u32 s1, s0  }
0xbe: {  	s0 =	sadd.s32 $0x8F2B, s0  }
0xbf: {  	[sflag:s0] =	ssyncadd.remote.s32 $0x1  }
0xc0: {  	_ =	sfence.sel $0xFFFF  }
0xc1: {  	[dreg:$0x0] =	wrdreg $0xFFFFFFFF;
	(pc) =	sbr.abs _section_cstart, $3  }
0xc2: {  	[dreg:$0x1] =	wrdreg $0xFFFFFFFF  }
0xc3: {  	_ =	task.clear_ibuf [dreg:s6], $0x2FFFF;
	_ =	strace $0x9FFFFFFF  }
0xc4: {  	(tm) =	ssettm $0x7FFFFFFF  }
0xc5: {  	_ =	shalt  }
tec
execute0_lowered:
.L_overlay_start_1:
0x0: {  	(tag) =	ssettag $0x1  }
0x1: {  	s2 =	rddreg [dreg:$0x0]  }
0x2: {  	s4 =	rddreg [dreg:$0x1];
	_ =	strace $0x8000004D;
	s0 =	simm.s32 $0x1  }
0x3: {  	s3 =	simm.s32 $0x508;
	v0 =	vimm.s32 $0x0;
	[sflag:s0] =	ssyncpa.u1 $0x0  }
0x4: {  	[tilespmem:s3+$0x70] =	vst v0  }
0x5: {  	[tilespmem:s3+$0x60] =	vst v0  }
0x6: {  	[tilespmem:s3+$0x50] =	vst v0  }
0x7: {  	[tilespmem:s3+$0x40] =	vst v0  }
0x8: {  	[tilespmem:s3+$0x30] =	vst v0  }
0x9: {  	s1 =	sadd.s32 $0xB000, s2;
	s0 =	sadd.s32 $0x1C00, s2;
	s6 =	sadd.s32 $0x127A000, s2;
	[tilespmem:s3+$0x20] =	vst v0  }
0xa: {  	s2 =	sadd.s32 $0x6600, s2;
	s7 =	sand.u32 $0x1, s4;
	s4 =	simm.s32 $0x40;
	[tilespmem:s3+$0x10] =	vst v0  }
.LBB2_1:
0xb: {  	s4 =	sadd.s32 $0x40, s4;
	[tilespmem:s3+$0x0] =	vst v0;
	s3 =	sadd.s32 $0x80, s3  }
0xc: {  	p0 =	slt.u32 s4, $0x2940;
	[tilespmem:s3+$0x70] =	vst v0  }
0xd: {  	[tilespmem:s3+$0x60] =	vst v0  }
.Ltmp0:
0xe: {  	[tilespmem:s3+$0x50] =	vst v0;
	(pc) =	sbr.rel @p0 .LBB2_1-.Ltmp0, $4  }
0xf: {  	[tilespmem:s3+$0x40] =	vst v0  }
0x10: {  	[tilespmem:s3+$0x30] =	vst v0  }
0x11: {  	[tilespmem:s3+$0x20] =	vst v0  }
0x12: {  	[tilespmem:s3+$0x10] =	vst v0  }
0x13: {  	s8 =	stileid.u32  }
0x14: {  	s24 =	simm.s32 $0x2;
	s26 =	simm.s32 $0x9;
	s28 =	simm.s32 $0xA  }
0x15: {  	[dreg:$0x4] =	wrdreg s7;
	s29 =	smul.u32 $0x24A0, s7;
	s30 =	simm.s32 $0xB  }
0x16: {  	p1 =	por $0x0, $0x0;
	s18 =	simm.s32 $0x1;
	s4 =	smul.u32 $0x92, s8  }
0x17: {  	s19 =	simm.s32 $0x80;
	s20 =	simm.s32 $0x400;
	s5 =	smin.u32 s8, $0x8  }
0x18: {  	p0 =	slt.u32 s8, $0x8;
	s4 =	sadd.s32 s5, s4;
	s5 =	simm.s32 $0x1260  }
0x19: {  	s17 =	simm.s32 $0xC;
	s21 =	sshll.u32 s4, $0x5;
	s5 =	simm.s32 @!p0 $0x1240  }
0x1a: {  	[tilespmem:s3+$0x0] =	vst v0;
	s22 =	simm.s32 $0x0;
	[sflag:s24] =	ssyncpa.u1 $0x0;
	s25 =	sadd.s32 s5, s21  }
0x1b: {  	v0 =	vimm.s32 $0xFFFFFFFF;
	s31 =	smul.u32 $0x1400, s8;
	s24 =	simm.s32 $0x0;
	s9 =	smin.u32 s25, $0x12500  }
0x1c: {  	[tilespmem:$0xAA08] =	vst v0;
	[sflag:s26] =	ssyncpa.u1 $0x0;
	s12 =	sadd.s32 s29, s2;
	s3 =	ssub.s32 s9, s21  }
.Ltmp1:
0x1d: {  	s0 =	sadd.s32 s29, s0;
	p0 =	sgt.s32 s3, $0x0;
	(pc) =	sbr.rel .LBB2_3-.Ltmp1, $4  }
0x1e: {  	[sflag:s28] =	ssyncpa.u1 $0x0;
	[dreg:$0x6] =	wrdreg s0;
	s3 =	simm.s32 @!p0 $0x0  }
0x1f: {  	s16 =	sshrl.u32 s31, $0x2;
	[sflag:s30] =	ssyncpa.u1 $0x0;
	s13 =	sshrl.u32 s3, $0x5  }
0x20: {  	s23 =	smov.u32 s21;
	s14 =	sadd.s32 $0x1, s13;
	[dreg:$0x5] =	wrdreg s13  }
0x21: {  	v0 =	vlaneseq.u32;
	s25 =	simm.s32 $0x0;
	p0 =	por $0x1, $0x1;
	[dreg:$0x7] =	wrdreg s14  }
.LBB2_30:
0x22: {  	s2 =	sshrl.u32 s4, $0x2  }
.LBB2_32:
0x23: {  	_ =	swait.ge [sflag:s17], s2  }
0x24: {  	s31 =	ssub.s32 $0x0, s2;
	v1 =	vmov s28;
	vm0 =	veq.s32 v0, $0x0;
	[sflag:s17] =	ssyncset.done $0x0  }
0x25: {  	vm15 =	veq.s32 v0, $0x2;
	v1 =	vsel vm0, s0, v1;
	[sflag:s17] =	ssyncadd.s32 s31  }
0x26: {  	v1 =	vsel vm15, s25, v1;
	[sflag:s17] =	ssyncpa.u1 $0x1  }
0x27: {  	[tilespmem:$0xAA08] =	vst v1  }
.LBB2_33:
0x28: {  	s0 =	sadd.s32 $0x20, s23  }
0x29: {  	s2 =	smov.u32 s21;
	p2 =	slt.s32 s0, s9  }
0x2a: {  	s2 =	smov.u32 @p2 s0;
	p2 =	sne.s32 s24, s14  }
.Ltmp2:
0x2b: {  	_ = 	snop;
	(pc) =	sbr.rel @!p2 .LBB2_34-.Ltmp2, $4  }
0x2c: {  	_ = 	snop  }
0x2d: {  	s25 =	smov.u32 s22  }
0x2e: {  	s31 =	sadd.s32 $0x1, s24;
	s22 =	smov.u32 s23;
	p0 =	por !p0, !p0  }
0x2f: {  	p1 =	por !p1, !p1;
	s24 =	smov.u32 s31;
	s23 =	smov.u32 s2  }
.LBB2_3:
0x30: {  	p2 =	sge.u32 s24, s13  }
0x31: {  	s0 =	smov.u32 s23;
	p3 =	sgt.s32 @!p2 s23, $0x124E0  }
0x32: {  	s2 =	sshra.s32 @!p2 s23, $0x1F;
	s3 =	smulhi.u32 @!p2 $0xAAAAAAAB, s24;
	p3 =	por !p3, p2  }
0x33: {  	s2 =	sand.u32 @!p2 s2, s23;
	s0 =	simm.s32 @p3 $0x124E0  }
0x34: {  	s0 =	ssub.s32 @!p2 s0, s2;
	s2 =	sshrl.u32 @!p2 s3, $0x1  }
0x35: {  	s0 =	sadd.s32 @!p2 $0xFFFEDB20, s0;
	s2 =	smul.u32 @!p2 $0x3, s2  }
0x36: {  	s4 =	sand.u32 @!p2 $0x7, s23;
	s3 =	sshll.u32 @!p2 s0, $0x2;
	p3 =	sgt.s32 @!p2 s0, $0x1F  }
0x37: {  	s0 =	ssub.s32 @!p2 $0x80, s3;
	s2 =	ssub.s32 @!p2 s24, s2;
	p3 =	por !p3, p2  }
0x38: {  	s3 =	sshrl.u32 @!p2 s23, $0x3;
	s0 =	sshrl.u32 @!p2 s0, $0x2;
	s2 =	sshll.u32 @!p2 s2, $0x5  }
0x39: {  	s3 =	sadd.s32 @!p2 s3, s12;
	s0 =	simm.s32 @!p3 $0x0;
	s2 =	sadd.s32 @!p2 $0xFA48, s2  }
0x3a: {  	[tilespmem:s2], [sflag:$0xA] =	stream.linear.gather @!p2 [hbm4b:s3+s4], s0, $0x38;
	[tilespmem:$0x19AE8] =	vst v63  }
0x3b: {  	s0 =	sadd.s32 $0xFFFFFFFF, s24  }
0x3c: {  	p2 =	slt.u32 s0, s13  }
.Ltmp3:
0x3d: {  	_ = 	snop;
	(pc) =	sbr.rel @!p2 .LBB2_9-.Ltmp3, $1  }
0x3e: {  	_ =	sdelay $0x3  }
0x3f: {  	p2 =	sgt.s32 s22, $0x124E0;
	s2 =	smov.u32 s22;
	s3 =	sshra.s32 s22, $0x1F  }
0x40: {  	s2 =	simm.s32 @!p2 $0x124E0;
	s3 =	sand.u32 s3, s22  }
0x41: {  	s2 =	ssub.s32 s2, s3  }
0x42: {  	s29 =	smulhi.u32 $0xAAAAAAAB, s0;
	s2 =	sadd.s32 $0xFFFEDB20, s2  }
0x43: {  	s30 =	sand.u32 $0x1, s0;
	s4 =	sshll.u32 s2, $0x2  }
0x44: {  	s5 =	simm.s32 $0xA;
	s3 =	sshrl.u32 s29, $0x1;
	s4 =	ssub.s32 $0x80, s4  }
0x45: {  	s3 =	smul.u32 $0x3, s3;
	p2 =	sgt.s32 s2, $0x1F;
	s2 =	sshrl.u32 s4, $0x2  }
0x46: {  	s8 =	sshrl.u32 s22, $0x3;
	s11 =	sand.u32 $0x7, s22;
	s2 =	simm.s32 @p2 $0x0  }
0x47: {  	s31 =	ssub.s32 s0, s3;
	s4 =	sshll.u32 s30, $0x5;
	_ =	swait.ge [sflag:s5], s2  }
0x48: {  	s7 =	ssub.s32 $0x0, s2;
	[sflag:s5] =	ssyncset.done $0x0;
	s10 =	rddreg [dreg:$0x6]  }
0x49: {  	s4 =	sadd.s32 $0xFAA8, s4;
	[sflag:s5] =	ssyncadd.s32 s7;
	s3 =	sadd.s32 s8, s10  }
0x4a: {  	[tilespmem:s4], [sflag:$0xB] =	stream.linear.gather [hbm4b:s3+s11], s2, $0x38;
	[tilespmem:$0x19AE8] =	vst v63  }
0x4b: {  	s2 =	sshll.u32 s31, $0x5  }
0x4c: {  	v1 =	vld.msk [tilespmem:s2+$0xFA48], $0xffff;
	_ =	sdelay $0x3  }
0x4d: {  	s15 =	simm.s32 $0x0  }
0x4e: {  	(v2sf) =	vpush v1, s15;
	_ =	sdelay $0x5  }
0x4f: {  	s26 =	simm.s32 $0x1  }
0x50: {  	(v2sf) =	vpush v1, s26;
	_ =	sdelay $0x4  }
0x51: {  	s31 =	simm.s32 $0x2  }
0x52: {  	(v2sf) =	vpush v1, s31  }
0x53: {  	s7 =	simm.s32 $0x3  }
0x54: {  	s28 =	spop (v2sf);
	(v2sf) =	vpush v1, s7;
	_ =	sdelay $0x1  }
0x55: {  	s3 =	simm.s32 $0x1;
	s29 =	sshrl.u32 s28, $0x3  }
0x56: {  	s3 =	simm.s32 @!p0 $0x0;
	s0 =	sshll.u32 s28, $0x7;
	s4 =	smul.u32 $0x1400, s29  }
0x57: {  	s3 =	smul.u32 $0x14000, s3;
	s0 =	sand.u32 $0x380, s0  }
0x58: {  	s0 =	sor.u32 s0, s4  }
0x59: {  	s30 =	sshrl.u32 s3, $0x2;
	s0 =	sshrl.u32 s0, $0x3  }
0x5a: {  	s3 =	sadd.s32 $0xFAE8, s30;
	s5 =	spop (v2sf);
	s0 =	sadd.s32 s6, s0  }
0x5b: {  	[tilespmem:s3], [sflag:$0x9] =	stream.strided.gather [hbm4b:s0+s19], $0x280, s20, s19, $0x38;
	[tilespmem:$0x19AE8] =	vst v63  }
0x5c: {  	s7 =	sshrl.u32 s5, $0x3;
	s4 =	simm.s32 $0x4;
	s0 =	sadd.s32 $0x122E8, s30  }
.LBB2_5:
0x5d: {  	(v2sf) =	vpush v1, s4;
	s7 =	smul.u32 $0x1400, s7;
	s5 =	sshll.u32 s5, $0x7;
	p2 =	seq.s32 s4, $0xF  }
.Ltmp4:
0x5e: {  	s4 =	sadd.s32 $0x1, s4;
	s5 =	sand.u32 $0x380, s5;
	(pc) =	sbr.rel @!p2 .LBB2_5-.Ltmp4, $4  }
0x5f: {  	s7 =	sor.u32 s5, s7  }
0x60: {  	s5 =	spop (v2sf);
	s10 =	sshrl.u32 s7, $0x3  }
0x61: {  	s3 =	sadd.s32 $0x280, s3;
	s7 =	sshrl.u32 s5, $0x3;
	s10 =	sadd.s32 s6, s10  }
0x62: {  	[tilespmem:s3], [sflag:$0x9] =	stream.strided.gather [hbm4b:s10+s19], $0x280, s20, s19, $0x38;
	[tilespmem:$0x19AE8] =	vst v63  }
0x63: {  	s4 =	smul.u32 $0x1400, s7;
	s5 =	sshll.u32 s5, $0x7  }
0x64: {  	s5 =	sand.u32 $0x380, s5  }
0x65: {  	s30 =	spop (v2sf);
	s3 =	sadd.s32 $0x280, s3;
	s4 =	sor.u32 s5, s4  }
0x66: {  	s31 =	sshrl.u32 s30, $0x3;
	s5 =	sshll.u32 s30, $0x7;
	s4 =	sshrl.u32 s4, $0x3  }
0x67: {  	s7 =	smul.u32 $0x1400, s31;
	s5 =	sand.u32 $0x380, s5;
	s4 =	sadd.s32 s6, s4  }
0x68: {  	[tilespmem:s3], [sflag:$0x9] =	stream.strided.gather [hbm4b:s4+s19], $0x280, s20, s19, $0x38;
	[tilespmem:$0x19AE8] =	vst v63  }
0x69: {  	s4 =	sor.u32 s5, s7  }
0x6a: {  	s4 =	sshrl.u32 s4, $0x3  }
0x6b: {  	s3 =	sadd.s32 $0x280, s3;
	s4 =	sadd.s32 s6, s4  }
0x6c: {  	[tilespmem:s3], [sflag:$0x9] =	stream.strided.gather [hbm4b:s4+s19], $0x280, s20, s19, $0x38;
	[tilespmem:$0x19AE8] =	vst v63  }
0x6d: {  	s8 =	spop (v2sf)  }
0x6e: {  	s10 =	sshrl.u32 s8, $0x3  }
0x6f: {  	s5 =	sshll.u32 s8, $0x7;
	s11 =	smul.u32 $0x1400, s10  }
0x70: {  	s5 =	sand.u32 $0x380, s5  }
0x71: {  	s4 =	sor.u32 s5, s11  }
0x72: {  	s4 =	sshrl.u32 s4, $0x3  }
0x73: {  	s3 =	sadd.s32 $0x280, s3;
	s4 =	sadd.s32 s6, s4  }
0x74: {  	[tilespmem:s3], [sflag:$0x9] =	stream.strided.gather [hbm4b:s4+s19], $0x280, s20, s19, $0x38;
	[tilespmem:$0x19AE8] =	vst v63  }
0x75: {  	v1 =	vld.msk [tilespmem:s2+$0xFA58], $0xffff;
	_ =	sdelay $0x3  }
0x76: {  	s15 =	simm.s32 $0x0  }
0x77: {  	(v2sf) =	vpush v1, s15;
	_ =	sdelay $0x7  }
0x78: {  	s26 =	simm.s32 $0x1  }
0x79: {  	(v2sf) =	vpush v1, s26;
	_ =	sdelay $0x4  }
0x7a: {  	s30 =	simm.s32 $0x2  }
0x7b: {  	s28 =	spop (v2sf);
	(v2sf) =	vpush v1, s30  }
0x7c: {  	s31 =	simm.s32 $0x3  }
0x7d: {  	(v2sf) =	vpush v1, s31;
	_ =	sdelay $0x1  }
0x7e: {  	s29 =	sshrl.u32 s28, $0x3  }
0x7f: {  	s2 =	sshll.u32 s28, $0x7;
	s3 =	smul.u32 $0x1400, s29  }
0x80: {  	s2 =	sand.u32 $0x380, s2  }
0x81: {  	s2 =	sor.u32 s2, s3  }
0x82: {  	s2 =	sshrl.u32 s2, $0x3  }
0x83: {  	s3 =	spop (v2sf);
	s2 =	sadd.s32 s6, s2  }
0x84: {  	[tilespmem:s0], [sflag:$0x9] =	stream.strided.gather [hbm4b:s2+s19], $0x280, s20, s19, $0x38;
	[tilespmem:$0x19AE8] =	vst v63  }
0x85: {  	s4 =	sshrl.u32 s3, $0x3;
	s2 =	simm.s32 $0x4  }
.LBB2_7:
0x86: {  	(v2sf) =	vpush v1, s2;
	s4 =	smul.u32 $0x1400, s4;
	s3 =	sshll.u32 s3, $0x7;
	p2 =	seq.s32 s2, $0xF  }
.Ltmp5:
0x87: {  	s2 =	sadd.s32 $0x1, s2;
	s3 =	sand.u32 $0x380, s3;
	(pc) =	sbr.rel @!p2 .LBB2_7-.Ltmp5, $4  }
0x88: {  	s4 =	sor.u32 s3, s4  }
0x89: {  	s3 =	spop (v2sf);
	s5 =	sshrl.u32 s4, $0x3  }
0x8a: {  	s0 =	sadd.s32 $0x280, s0;
	s4 =	sshrl.u32 s3, $0x3;
	s5 =	sadd.s32 s6, s5  }
0x8b: {  	[tilespmem:s0], [sflag:$0x9] =	stream.strided.gather [hbm4b:s5+s19], $0x280, s20, s19, $0x38;
	[tilespmem:$0x19AE8] =	vst v63  }
0x8c: {  	s2 =	smul.u32 $0x1400, s4;
	s3 =	sshll.u32 s3, $0x7  }
0x8d: {  	s3 =	sand.u32 $0x380, s3  }
0x8e: {  	s15 =	spop (v2sf);
	s0 =	sadd.s32 $0x280, s0;
	s2 =	sor.u32 s3, s2  }
0x8f: {  	s26 =	sshrl.u32 s15, $0x3;
	s3 =	sshll.u32 s15, $0x7;
	s2 =	sshrl.u32 s2, $0x3  }
0x90: {  	s28 =	smul.u32 $0x1400, s26;
	s3 =	sand.u32 $0x380, s3;
	s2 =	sadd.s32 s6, s2  }
0x91: {  	[tilespmem:s0], [sflag:$0x9] =	stream.strided.gather [hbm4b:s2+s19], $0x280, s20, s19, $0x38;
	[tilespmem:$0x19AE8] =	vst v63  }
0x92: {  	s2 =	sor.u32 s3, s28  }
0x93: {  	s2 =	sshrl.u32 s2, $0x3  }
0x94: {  	s0 =	sadd.s32 $0x280, s0;
	s2 =	sadd.s32 s6, s2  }
0x95: {  	[tilespmem:s0], [sflag:$0x9] =	stream.strided.gather [hbm4b:s2+s19], $0x280, s20, s19, $0x38;
	[tilespmem:$0x19AE8] =	vst v63  }
0x96: {  	s29 =	spop (v2sf)  }
0x97: {  	s30 =	sshrl.u32 s29, $0x3  }
0x98: {  	s3 =	sshll.u32 s29, $0x7;
	s31 =	smul.u32 $0x1400, s30  }
0x99: {  	s3 =	sand.u32 $0x380, s3  }
0x9a: {  	s2 =	sor.u32 s3, s31  }
0x9b: {  	s2 =	sshrl.u32 s2, $0x3  }
0x9c: {  	s0 =	sadd.s32 $0x280, s0;
	s2 =	sadd.s32 s6, s2  }
0x9d: {  	[tilespmem:s0], [sflag:$0x9] =	stream.strided.gather [hbm4b:s2+s19], $0x280, s20, s19, $0x38;
	[tilespmem:$0x19AE8] =	vst v63  }
.LBB2_9:
0x9e: {  	p2 =	slt.u32 s24, $0x2  }
.Ltmp6:
0x9f: {  	_ = 	snop;
	(pc) =	sbr.rel @p2 .LBB2_33-.Ltmp6, $1  }
0xa0: {  	_ =	sdelay $0x3  }
0xa1: {  	p2 =	sgt.s32 s25, $0x124E0;
	s0 =	smov.u32 s25;
	s2 =	sshra.s32 s25, $0x1F  }
0xa2: {  	s0 =	simm.s32 @!p2 $0x124E0;
	s2 =	sand.u32 s2, s25  }
0xa3: {  	s0 =	ssub.s32 s0, s2  }
0xa4: {  	s0 =	sadd.s32 $0xFFFEDB20, s0  }
0xa5: {  	s3 =	simm.s32 $0x9;
	s29 =	sshll.u32 s0, $0x2  }
0xa6: {  	_ =	swait.ge [sflag:s3], $0x5000;
	s2 =	ssub.s32 $0x80, s29  }
0xa7: {  	[sflag:s3] =	ssyncset.done $0x0;
	p2 =	sgt.s32 s0, $0x1F;
	s0 =	sshrl.u32 s2, $0x2  }
0xa8: {  	s30 =	simm.s32 $0xB;
	[sflag:s3] =	ssyncadd.s32 $0xFFFFB000;
	s0 =	simm.s32 @p2 $0x0  }
0xa9: {  	_ =	swait.ge [sflag:s30], s0  }
0xaa: {  	s0 =	ssub.s32 $0x0, s0;
	[sflag:s30] =	ssyncset.done $0x0  }
0xab: {  	[sflag:s30] =	ssyncadd.s32 s0  }
0xac: {  	v1 =	vld [tilespmem:$0xAA08];
	_ =	sdelay $0x4  }
0xad: {  	(v2sf) =	vpush v1, $0x0  }
0xae: {  	(v2sf) =	vpush v1, $0x1  }
0xaf: {  	(v2sf) =	vpush v1, $0x2;
	_ =	sdelay $0x3  }
0xb0: {  	s0 =	sadd.s32 $0x20, s25  }
0xb1: {  	s3 =	ssub.s32 $0x24A00, s25;
	p2 =	slt.s32 s9, s0  }
0xb2: {  	s0 =	smov.u32 @p2 s9;
	p2 =	sgt.s32 s3, $0x0  }
0xb3: {  	s26 =	ssub.s32 s0, s25;
	s3 =	simm.s32 @!p2 $0x0  }
0xb4: {  	p2 =	slt.s32 s3, s26  }
0xb5: {  	s26 =	smov.u32 @p2 s3  }
0xb6: {  	p2 =	slt.s32 s26, $0x1  }
.Ltmp7:
0xb7: {  	_ = 	snop;
	(pc) =	sbr.rel @p2 .LBB2_14-.Ltmp7, $4  }
0xb8: {  	s2 =	simm.s32 $0x1  }
0xb9: {  	s2 =	simm.s32 @!p1 $0x0;
	s4 =	spop (v2sf)  }
0xba: {  	s31 =	sshll.u32 s2, $0x5;
	s5 =	spop (v2sf)  }
0xbb: {  	s0 =	sadd.s32 $0xFAA8, s31;
	s25 =	spop (v2sf)  }
0xbc: {  	s3 =	smin.u32 s26, $0x10  }
0xbd: {  	v1 =	vmov s3  }
0xbe: {  	vm1 =	vgt.u32 v1, v0;
	_ =	sdelay $0x1  }
0xbf: {  	p3 =	sgt.s32 s26, $0x10  }
.Ltmp8:
0xc0: {  	_ = 	snop;
	(pc) =	sbr.rel @!p3 .LBB2_13-.Ltmp8, $3  }
0xc1: {  	_ =	sdelay $0x1  }
0xc2: {  	v1 =	vld.msk [tilespmem:s0+$0x0 ss:$0x1], vm1  }
0xc3: {  	s15 =	simm.s32 $0x10;
	s28 =	sadd.s32 $0xFFFFFFF0, s26;
	s3 =	smov.u32 s0;
	vm0 =	vmmov vm1  }
.LBB2_12:
0xc4: {  	s7 =	smin.u32 s28, $0x10;
	s15 =	sadd.s32 $0x10, s15  }
0xc5: {  	v2 =	vmov s7;
	p3 =	slt.s32 s15, s26  }
0xc6: {  	vm1 =	vgt.u32 v2, v0  }
0xc7: {  	v2 =	vshrl.u32 v1, $0x3  }
0xc8: {  	v1 =	vshll.u32 v1, $0x4;
	v2 =	vmul.u32 $0x280, v2  }
0xc9: {  	v1 =	vand.u32 $0x70, v1  }
.Ltmp9:
0xca: {  	v1 =	vor.u32 v1, v2;
	(pc) =	sbr.rel @p3 .LBB2_12-.Ltmp9, $3  }
0xcb: {  	[tilespmem:s3+$0x0] =	vst.msk vm0, v1;
	s3 =	sadd.s32 $0x10, s3;
	vm0 =	vmmov vm1  }
0xcc: {  	v1 =	vld.msk [tilespmem:s3+$0x0 ss:$0x1], vm1;
	_ =	sdelay $0x1  }
0xcd: {  	s28 =	sadd.s32 $0xFFFFFFF0, s28  }
.LBB2_13:
0xce: {  	_ =	sdelay $0x2  }
0xcf: {  	v2 =	vshrl.u32 v1, $0x3  }
0xd0: {  	v1 =	vshll.u32 v1, $0x4;
	v2 =	vmul.u32 $0x280, v2  }
0xd1: {  	v1 =	vand.u32 $0x70, v1  }
0xd2: {  	v1 =	vor.u32 v1, v2  }
0xd3: {  	[tilespmem:s3+$0x0] =	vst.msk vm0, v1  }
.LBB2_14:
0xd4: {  	s3 =	sand.u32 $0x1, s24  }
0xd5: {  	p3 =	sne.s32 s5, $0xFFFFFFFF;
	s3 =	sshll.u32 s3, $0x5  }
0xd6: {  	v1 =	vld.msk @!p3 [tilespmem:s3+$0xFAA8], $0x1;
	_ =	sdelay $0x4  }
0xd7: {  	(v2sf) =	vpush @!p3 v1, $0x0;
	_ =	sdelay $0xc  }
.Ltmp10:
0xd8: {  	_ = 	snop;
	(pc) =	sbr.rel @p2 .LBB2_31-.Ltmp10, $4  }
0xd9: {  	_ = 	snop  }
0xda: {  	s31 =	spop @!p3 (v2sf)  }
0xdb: {  	s25 =	simm.s32 @!p3 $0x0;
	s28 =	smov.u32 s31  }
0xdc: {  	[sflag:s17] =	ssyncpa.u1 $0x0;
	s31 =	smov.u32 @p3 s4;
	s28 =	smov.u32 @p3 s5  }
0xdd: {  	v1 =	vld.msk [tilespmem:s0+$0x0], $0x1;
	_ =	sdelay $0x4  }
0xde: {  	(v2sf) =	vpush v1, $0x0;
	_ =	sdelay $0xe  }
0xdf: {  	s2 =	smul.u32 $0x14000, s2;
	s5 =	spop (v2sf)  }
0xe0: {  	s13 =	smov.u32 s9;
	s29 =	simm.s32 $0x0;
	p2 =	seq.s32 s31, s5  }
0xe1: {  	s2 =	sshrl.u32 s2, $0x2;
	p3 =	sgt.s32 @!p2 s31, $0x0;
	s7 =	smul.u32 @!p2 $0xA00, s29  }
0xe2: {  	s30 =	sadd.s32 $0xFAE8, s2;
	s2 =	smov.u32 s31;
	p3 =	por !p3, p2  }
0xe3: {  	s9 =	smov.u32 s12;
	s2 =	simm.s32 @p3 $0x0;
	s7 =	sshra.s32 @!p2 s7, $0x2  }
0xe4: {  	s4 =	sadd.s32 $0xFAA8, s3;
	s11 =	smin.u32 @!p2 s2, $0x3D4070;
	s2 =	sadd.s32 @!p2 $0x5788, s7  }
0xe5: {  	s3 =	sand.u32 @!p2 $0x3FFFF8, s11;
	s12 =	sadd.s32 @!p2 $0x80, s11;
	s14 =	sadd.s32 @!p2 $0x100, s11  }
0xe6: {  	s17 =	sadd.s32 @!p2 s1, s3;
	s3 =	sand.u32 @!p2 $0x7, s11;
	s12 =	sand.u32 @!p2 $0x7FFFF8, s12  }
0xe7: {  	[tilespmem:s2], [sflag:$0x2] =	stream.linear.gather @!p2 [hbm4b:s17+s3], $0x80, $0x38;
	[tilespmem:$0x19AE8] =	vst v63  }
0xe8: {  	s15 =	sadd.s32 @!p2 $0x5808, s7;
	s2 =	sadd.s32 @!p2 s1, s12;
	s12 =	sand.u32 @!p2 $0x7FFFF8, s14  }
0xe9: {  	[tilespmem:s15], [sflag:$0x2] =	stream.linear.gather @!p2 [hbm4b:s2+s3], $0x80, $0x38;
	[tilespmem:$0x19AE8] =	vst v63  }
0xea: {  	s10 =	ssub.s32 $0x0, s26;
	s2 =	sadd.s32 @!p2 s1, s12;
	s12 =	sadd.s32 @!p2 $0x5888, s7  }
0xeb: {  	[tilespmem:s12], [sflag:$0x2] =	stream.linear.gather @!p2 [hbm4b:s2+s3], $0x80, $0x38;
	[tilespmem:$0x19AE8] =	vst v63  }
0xec: {  	s2 =	sadd.s32 $0x1, s10  }
0xed: {  	s14 =	sadd.s32 @!p2 $0x180, s11;
	p3 =	seq.s32 s2, $0x0  }
.Ltmp11:
0xee: {  	s14 =	sand.u32 @!p2 $0x7FFFF8, s14;
	(pc) =	sbr.rel @p3 .LBB2_17-.Ltmp11, $4  }
0xef: {  	s10 =	sadd.s32 @!p2 s1, s14;
	s12 =	sadd.s32 @!p2 $0x5908, s7  }
0xf0: {  	[tilespmem:s12], [sflag:$0x2] =	stream.linear.gather @!p2 [hbm4b:s10+s3], $0x80, $0x38;
	[tilespmem:$0x19AE8] =	vst v63  }
0xf1: {  	s15 =	simm.s32 @!p2 $0x1;
	s10 =	sadd.s32 @!p2 $0x200, s11  }
0xf2: {  	s15 =	smov.u32 @p2 s29;
	s7 =	sadd.s32 @!p2 $0x5988, s7;
	s10 =	sand.u32 @!p2 $0x7FFFF8, s10  }
.LBB2_16:
0xf3: {  	s11 =	smov.u32 s15  }
0xf4: {  	s2 =	sadd.s32 $0x1, s2;
	s10 =	sadd.s32 @!p2 s1, s10;
	s0 =	sadd.s32 $0x1, s0  }
0xf5: {  	[tilespmem:s7], [sflag:$0x2] =	stream.linear.gather @!p2 [hbm4b:s10+s3], $0x80, $0x38;
	[tilespmem:$0x19AE8] =	vst v63  }
0xf6: {  	p3 =	seq.s32 s2, $0x0;
	s3 =	smov.u32 s5;
	v1 =	vld.msk [tilespmem:s0+$0x0], $0x1;
	_ =	sdelay $0x4  }
0xf7: {  	(v2sf) =	vpush v1, $0x0;
	_ =	sdelay $0xe  }
0xf8: {  	s5 =	spop (v2sf)  }
0xf9: {  	p2 =	seq.s32 s3, s5  }
0xfa: {  	p4 =	sgt.s32 @!p2 s3, $0x0;
	s7 =	smul.u32 @!p2 $0xA00, s15;
	s15 =	sadd.s32 @!p2 $0x1, s15  }
0xfb: {  	p4 =	por !p4, p2;
	s15 =	smov.u32 @p2 s11  }
0xfc: {  	s3 =	simm.s32 @p4 $0x0;
	s7 =	sshra.s32 @!p2 s7, $0x2  }
0xfd: {  	s10 =	smin.u32 @!p2 s3, $0x3D4070;
	s11 =	sadd.s32 @!p2 $0x5788, s7;
	s12 =	sadd.s32 @!p2 $0x5808, s7  }
0xfe: {  	s3 =	sand.u32 @!p2 $0x3FFFF8, s10;
	s14 =	sadd.s32 @!p2 $0x80, s10;
	s17 =	sadd.s32 @!p2 $0x100, s10  }
0xff: {  	s8 =	sadd.s32 @!p2 s1, s3;
	s3 =	sand.u32 @!p2 $0x7, s10;
	s14 =	sand.u32 @!p2 $0x7FFFF8, s14  }
0x100: {  	[tilespmem:s11], [sflag:$0x2] =	stream.linear.gather @!p2 [hbm4b:s8+s3], $0x80, $0x38;
	[tilespmem:$0x19AE8] =	vst v63  }
0x101: {  	s8 =	sadd.s32 @!p2 s1, s14;
	s11 =	sand.u32 @!p2 $0x7FFFF8, s17;
	s14 =	sadd.s32 @!p2 $0x180, s10  }
0x102: {  	[tilespmem:s12], [sflag:$0x2] =	stream.linear.gather @!p2 [hbm4b:s8+s3], $0x80, $0x38;
	[tilespmem:$0x19AE8] =	vst v63  }
0x103: {  	s8 =	sadd.s32 @!p2 s1, s11  }
.Ltmp12:
0x104: {  	s11 =	sadd.s32 @!p2 $0x5888, s7;
	s12 =	sand.u32 @!p2 $0x7FFFF8, s14;
	(pc) =	sbr.rel @!p3 .LBB2_16-.Ltmp12, $4  }
0x105: {  	[tilespmem:s11], [sflag:$0x2] =	stream.linear.gather @!p2 [hbm4b:s8+s3], $0x80, $0x38;
	[tilespmem:$0x19AE8] =	vst v63  }
0x106: {  	s10 =	sadd.s32 @!p2 $0x200, s10;
	s8 =	sadd.s32 @!p2 s1, s12;
	s11 =	sadd.s32 @!p2 $0x5908, s7  }
0x107: {  	[tilespmem:s11], [sflag:$0x2] =	stream.linear.gather @!p2 [hbm4b:s8+s3], $0x80, $0x38;
	[tilespmem:$0x19AE8] =	vst v63  }
0x108: {  	s10 =	sand.u32 @!p2 $0x7FFFF8, s10;
	s7 =	sadd.s32 @!p2 $0x5988, s7  }
.LBB2_17:
0x109: {  	s0 =	sadd.s32 @!p2 s1, s10;
	s2 =	smul.u32 $0xA00, s15  }
0x10a: {  	[tilespmem:s7], [sflag:$0x2] =	stream.linear.gather @!p2 [hbm4b:s0+s3], $0x80, $0x38;
	[tilespmem:$0x19AE8] =	vst v63  }
.Ltmp13:
0x10b: {  	s17 =	simm.s32 $0x2;
	(pc) =	sbr.rel .LBB2_18-.Ltmp13, $4  }
0x10c: {  	v1 =	vmov s4;
	s4 =	simm.s32 $0x0;
	s5 =	simm.s32 $0x0;
	s15 =	sshrl.u32 s2, $0x2  }
0x10d: {  	s12 =	smov.u32 s9;
	s9 =	smov.u32 s13;
	_ =	swait.ge [sflag:s17], s15  }
0x10e: {  	s0 =	ssub.s32 $0x0, s15;
	[sflag:s17] =	ssyncset.done $0x0;
	s13 =	rddreg [dreg:$0x5]  }
0x10f: {  	s14 =	rddreg [dreg:$0x7];
	[sflag:s17] =	ssyncadd.s32 s0;
	s17 =	simm.s32 $0xC  }
.LBB2_28:
0x110: {  	[tilespmem:s2+$0x0] =	vst v2;
	s29 =	sadd.s32 $0x1, s29  }
.LBB2_29:
0x111: {  	s5 =	sadd.s32 $0x1, s5  }
0x112: {  	p2 =	sne.s32 s5, s26  }
.Ltmp14:
0x113: {  	_ = 	snop;
	(pc) =	sbr.rel @!p2 .LBB2_30-.Ltmp14, $2  }
0x114: {  	_ =	sdelay $0x2  }
0x115: {  	s30 =	sadd.s32 $0x280, s30;
	s31 =	smov.u32 s0  }
.LBB2_18:
0x116: {  	_ =	sdelay $0x3  }
0x117: {  	v2 =	vld.idx.msk [tilespmem:v1+s5+$0x0 ss:$0x1], $0x1;
	_ =	sdelay $0x4  }
0x118: {  	(v2sf) =	vpush v2, $0x0;
	_ =	sdelay $0xe  }
0x119: {  	s0 =	spop (v2sf)  }
0x11a: {  	p2 =	sne.s32 s31, s0  }
.Ltmp15:
0x11b: {  	_ = 	snop;
	(pc) =	sbr.rel @p2 .LBB2_22-.Ltmp15, $3  }
0x11c: {  	_ = 	snop  }
0x11d: {  	s2 =	smul.u32 $0xA00, s25;
	_ =	sdelay $0x1  }
0x11e: {  	s2 =	sshra.s32 s2, $0x2  }
0x11f: {  	s2 =	sadd.s32 $0x508, s2;
	s3 =	simm.s32 $0x0;
	v2 =	vld [tilespmem:s30+$0x0];
	s7 =	smov.u32 s30  }
.LBB2_20:
0x120: {  	s3 =	sadd.s32 $0x10, s3  }
0x121: {  	p2 =	slt.u32 s3, $0x270  }
.Ltmp16:
0x122: {  	_ = 	snop;
	(pc) =	sbr.rel @p2 .LBB2_20-.Ltmp16, $3  }
0x123: {  	_ =	sdelay $0x1  }
0x124: {  	s7 =	sadd.s32 $0x10, s7;
	[tilespmem:s2+$0x0] =	vst.add.f32.msk $0xffff, v2;
	s2 =	sadd.s32 $0x10, s2  }
0x125: {  	v2 =	vld [tilespmem:s7+$0x0]  }
.Ltmp17:
0x126: {  	_ = 	snop;
	(pc) =	sbr.rel .LBB2_29-.Ltmp17, $2  }
0x127: {  	_ =	sdelay $0x2  }
0x128: {  	[tilespmem:s2+$0x0] =	vst.add.f32.msk $0xffff, v2  }
.LBB2_22:
0x129: {  	p2 =	seq.s32 s31, s28  }
.Ltmp18:
0x12a: {  	_ = 	snop;
	(pc) =	sbr.rel @!p2 .LBB2_23-.Ltmp18, $1  }
0x12b: {  	_ =	sdelay $0x3  }
.Ltmp19:
0x12c: {  	s2 =	sadd.s32 $0x508, s2;
	(pc) =	sbr.rel .LBB2_26-.Ltmp19, $4  }
0x12d: {  	[spmem:s16] =	stream.linear.scatter [tilespmem:s2], [sflag:$0x1], $0x280, $0x38;
	[tilespmem:$0x19AE8] =	vst v63  }
0x12e: {  	_ =	swait.ge [sflag:s18], $0x280  }
0x12f: {  	[sflag:s18] =	ssyncset.done $0x0  }
0x130: {  	[sflag:s18] =	ssyncadd.s32 $0xFFFFFD80  }
.LBB2_23:
0x131: {  	s3 =	smul.u32 $0xA00, s29;
	_ =	sdelay $0x1  }
0x132: {  	s3 =	sshra.s32 s3, $0x2  }
0x133: {  	s15 =	sadd.s32 $0x5788, s3;
	s3 =	sadd.s32 $0x508, s2  }
0x134: {  	s10 =	simm.s32 $0x0;
	v2 =	vld [tilespmem:s15+$0x0];
	s7 =	smov.u32 s3  }
.LBB2_24:
0x135: {  	s10 =	sadd.s32 $0x10, s10  }
0x136: {  	p2 =	slt.u32 s10, $0x270  }
.Ltmp20:
0x137: {  	_ = 	snop;
	(pc) =	sbr.rel @p2 .LBB2_24-.Ltmp20, $3  }
0x138: {  	_ =	sdelay $0x1  }
0x139: {  	s15 =	sadd.s32 $0x10, s15;
	[tilespmem:s7+$0x0] =	vst.add.f32.msk $0xffff, v2;
	s7 =	sadd.s32 $0x10, s7  }
0x13a: {  	v2 =	vld [tilespmem:s15+$0x0]  }
0x13b: {  	_ =	sdelay $0x1  }
0x13c: {  	p2 =	sgt.u32 s31, $0x3D4070  }
0x13d: {  	s8 =	sand.u32 @!p2 $0x3FFFF8, s31  }
0x13e: {  	[tilespmem:s7+$0x0] =	vst.add.f32.msk $0xffff, v2;
	s7 =	sadd.s32 @!p2 s1, s8;
	s8 =	sand.u32 @!p2 $0x7, s31  }
0x13f: {  	[hbm4b:s7+s8] =	stream.linear.scatter @!p2 [tilespmem:s3], [sflag:$0xC], $0x80, $0x38;
	[tilespmem:$0x19AE8] =	vst v63  }
0x140: {  	s3 =	sadd.s32 @!p2 $0x80, s31  }
0x141: {  	s3 =	sand.u32 @!p2 $0x7FFFF8, s3  }
0x142: {  	s7 =	sadd.s32 @!p2 $0x588, s2;
	s3 =	sadd.s32 @!p2 s1, s3  }
0x143: {  	[hbm4b:s3+s8] =	stream.linear.scatter @!p2 [tilespmem:s7], [sflag:$0xC], $0x80, $0x38;
	[tilespmem:$0x19AE8] =	vst v63  }
0x144: {  	s3 =	sadd.s32 @!p2 $0x100, s31  }
0x145: {  	s3 =	sand.u32 @!p2 $0x7FFFF8, s3  }
0x146: {  	s7 =	sadd.s32 @!p2 $0x608, s2;
	s3 =	sadd.s32 @!p2 s1, s3  }
0x147: {  	[hbm4b:s3+s8] =	stream.linear.scatter @!p2 [tilespmem:s7], [sflag:$0xC], $0x80, $0x38;
	[tilespmem:$0x19AE8] =	vst v63  }
0x148: {  	s3 =	sadd.s32 @!p2 $0x180, s31  }
0x149: {  	s3 =	sand.u32 @!p2 $0x7FFFF8, s3  }
0x14a: {  	s7 =	sadd.s32 @!p2 $0x688, s2;
	s3 =	sadd.s32 @!p2 s1, s3  }
0x14b: {  	[hbm4b:s3+s8] =	stream.linear.scatter @!p2 [tilespmem:s7], [sflag:$0xC], $0x80, $0x38;
	[tilespmem:$0x19AE8] =	vst v63  }
0x14c: {  	s3 =	sadd.s32 @!p2 $0x200, s31;
	s7 =	simm.s32 $0x0  }
0x14d: {  	s3 =	sand.u32 @!p2 $0x7FFFF8, s3;
	s7 =	simm.s32 @!p2 $0xA00  }
0x14e: {  	s2 =	sadd.s32 @!p2 $0x708, s2;
	s3 =	sadd.s32 @!p2 s1, s3;
	s4 =	sadd.s32 s7, s4  }
0x14f: {  	[hbm4b:s3+s8] =	stream.linear.scatter @!p2 [tilespmem:s2], [sflag:$0xC], $0x80, $0x38;
	[tilespmem:$0x19AE8] =	vst v63  }
.LBB2_26:
0x150: {  	s2 =	sadd.s32 $0x1, s25  }
0x151: {  	s25 =	sand.u32 $0x1F, s2  }
0x152: {  	s2 =	smul.u32 $0xA00, s25;
	_ =	sdelay $0x1  }
0x153: {  	s2 =	sshrl.u32 s2, $0x2  }
0x154: {  	s3 =	simm.s32 $0x0;
	v2 =	vld [tilespmem:s30+$0x0];
	s7 =	smov.u32 s30;
	s2 =	sadd.s32 $0x508, s2  }
.LBB2_27:
0x155: {  	s3 =	sadd.s32 $0x10, s3  }
0x156: {  	p2 =	slt.u32 s3, $0x270  }
.Ltmp21:
0x157: {  	_ = 	snop;
	(pc) =	sbr.rel @p2 .LBB2_27-.Ltmp21, $3  }
0x158: {  	_ =	sdelay $0x1  }
0x159: {  	[tilespmem:s2+$0x0] =	vst v2;
	s2 =	sadd.s32 $0x10, s2;
	s7 =	sadd.s32 $0x10, s7  }
0x15a: {  	v2 =	vld [tilespmem:s7+$0x0]  }
.Ltmp22:
0x15b: {  	_ = 	snop;
	(pc) =	sbr.rel .LBB2_28-.Ltmp22, $1  }
0x15c: {  	_ =	sdelay $0x3  }
.LBB2_31:
.Ltmp23:
0x15d: {  	(pc) =	sbr.rel .LBB2_32-.Ltmp23, $4  }
0x15e: {  	_ = 	snop  }
0x15f: {  	s0 =	simm.s32 $0x2  }
0x160: {  	_ =	swait.ge [sflag:s0], $0x0  }
0x161: {  	s2 =	simm.s32 $0x0;
	[sflag:s0] =	ssyncset.done $0x0;
	s0 =	smov.u32 s31  }
.LBB2_34:
0x162: {  	_ =	sfence.sel $0x180000  }
0x163: {  	s0 =	simm.s32 $0x9;
	[bflag:$0x0] =	sbarrier.arrive $0xFFFF  }
0x164: {  	s24 =	simm.s32 $0xA;
	[sflag:s0] =	ssyncpa.u1 $0x1  }
0x165: {  	s25 =	simm.s32 $0xB;
	[sflag:s24] =	ssyncpa.u1 $0x1  }
0x166: {  	s26 =	simm.s32 $0x2;
	[sflag:s25] =	ssyncpa.u1 $0x1  }
0x167: {  	[sflag:s26] =	ssyncpa.u1 $0x1  }
0x168: {  	v0 =	vld [tilespmem:$0xAA08];
	_ =	sdelay $0x4  }
0x169: {  	(v2sf) =	vpush v0, $0x0  }
0x16a: {  	(v2sf) =	vpush v0, $0x1  }
0x16b: {  	(v2sf) =	vpush v0, $0x2;
	_ =	sdelay $0xc  }
0x16c: {  	s0 =	spop (v2sf)  }
0x16d: {  	s2 =	spop (v2sf)  }
0x16e: {  	s3 =	smov.u32 s0;
	p0 =	sne.s32 s0, s2;
	s4 =	spop (v2sf)  }
0x16f: {  	s3 =	simm.s32 @!p0 $0xFFFFFFFF;
	p0 =	seq.s32 s4, $0xFFFFFFFF  }
0x170: {  	v2 =	vimm.s32 $0x1;
	v3 =	vlaneseq.u32;
	v1 =	vmov s3;
	p1 =	sne.s32 @!p0 s0, s2  }
0x171: {  	s18 =	stileid.u32;
	v0 =	vperm.xlane v0, v2;
	s0 =	simm.s32 @!p0 $0x1;
	v1 =	vperm.xlane v1, v3;
	p1 =	por !p1, p0  }
0x172: {  	vm0 =	vcmask $0x3F04;
	s3 =	sshll.u32 s18, $0x1;
	s2 =	smul.u32 @!p0 $0xA00, s4;
	s0 =	simm.s32 @p1 $0x0  }
0x173: {  	s6 =	simm.s32 $0xAA08;
	v0 =	vsel vm0, v1, v0;
	s0 =	sor.u32 @!p0 s0, s3  }
0x174: {  	s5 =	sor.u32 $0x5000, s3;
	s2 =	sshra.s32 @!p0 s2, $0x2;
	[tilespmem:$0xAA08] =	vst v0;
	s0 =	smul.u32 @!p0 $0xA00, s0  }
0x175: {  	[spmem:s5] =	stream.linear.scatter [tilespmem:s6], [sflag:$0x1], $0x2, $0x38;
	[tilespmem:$0x19AE8] =	vst v63  }
0x176: {  	s2 =	sadd.s32 @!p0 $0x508, s2;
	s0 =	sshrl.u32 @!p0 s0, $0x2  }
0x177: {  	[spmem:s0] =	stream.linear.scatter @!p0 [tilespmem:s2], [sflag:$0x1], $0x280, $0x38;
	[tilespmem:$0x19AE8] =	vst v63  }
0x178: {  	s0 =	simm.s32 @!p0 $0x282  }
0x179: {  	s28 =	simm.s32 $0x1;
	s0 =	simm.s32 @p0 $0x2  }
0x17a: {  	_ =	swait.ge [sflag:s28], s0  }
0x17b: {  	s0 =	ssub.s32 $0x0, s0;
	[sflag:s28] =	ssyncset.done $0x0  }
0x17c: {  	p0 =	sne.s32 s18, $0x0;
	[sflag:s28] =	ssyncadd.s32 s0  }
.Ltmp24:
0x17d: {  	_ =	sfence.stream.spmem;
	(pc) =	sbr.rel @p0 .LBB2_59-.Ltmp24, $4  }
0x17e: {  	s29 =	simm.s32 $0x3;
	[bflag:$0x0] =	sbarrier.arrive $0xFFFF  }
0x17f: {  	s30 =	simm.s32 $0x4;
	[sflag:s29] =	ssyncpa.u1 $0x1  }
0x180: {  	s31 =	simm.s32 $0x3C;
	[sflag:s30] =	ssyncpa.u1 $0x1  }
0x181: {  	s17 =	rddreg [dreg:$0x4];
	[sflag:s31] =	ssyncpa.u1 $0x1  }
0x182: {  	_ =	sfence.stream.spmem;
	s0 =	simm.s32 $0x5  }
0x183: {  	s2 =	simm.s32 $0x5000;
	s3 =	simm.s32 $0xAA18;
	[sflag:s0] =	ssyncpa.u1 $0x0  }
0x184: {  	[tilespmem:s3], [sflag:$0x5] =	stream.linear.gather [spmem:s2], $0x20, $0x38;
	[tilespmem:$0x19AE8] =	vst v63  }
0x185: {  	s26 =	simm.s32 $0x0;
	s28 =	simm.s32 $0xAA38  }
0x186: {  	[tilespmem:s28], [sflag:$0x5] =	stream.linear.gather [spmem:s26], $0x5000, $0x38;
	[tilespmem:$0x19AE8] =	vst v63  }
0x187: {  	_ =	swait.ge [sflag:s0], $0x5020  }
0x188: {  	[sflag:s0] =	ssyncset.done $0x0  }
0x189: {  	s29 =	simm.s32 $0x0;
	[sflag:s0] =	ssyncadd.s32 $0xFFFFAFE0  }
0x18a: {  	v0 =	vld.msk [tilespmem:s29+$0xAA18], $0x1;
	_ =	sdelay $0x1  }
0x18b: {  	s30 =	simm.s32 $0x1  }
0x18c: {  	v1 =	vld.msk [tilespmem:s30+$0xAA18], $0x1;
	_ =	sdelay $0x1  }
0x18d: {  	(v2sf) =	vpush v0, $0x0;
	_ =	sdelay $0x2  }
0x18e: {  	(v2sf) =	vpush v1, $0x0;
	_ =	sdelay $0x2  }
0x18f: {  	s31 =	simm.s32 $0x2  }
0x190: {  	v0 =	vld.msk [tilespmem:s31+$0xAA18], $0x1;
	_ =	sdelay $0x2  }
0x191: {  	s2 =	simm.s32 $0xFFFFFFFF;
	s3 =	simm.s32 $0xFFFFFFFF;
	s0 =	simm.s32 $0xC  }
.LBB2_36:
0x192: {  	s4 =	smov.u32 s3;
	s5 =	smov.u32 s2  }
0x193: {  	s2 =	sshra.s32 s0, $0x2;
	p1 =	sne.s32 s0, $0x7C;
	s0 =	sadd.s32 $0x4, s0;
	(v2sf) =	vpush v0, $0x0  }
0x194: {  	v0 =	vld.msk [tilespmem:s2+$0xAA18], $0x1  }
.Ltmp25:
0x195: {  	(pc) =	sbr.rel @p1 .LBB2_36-.Ltmp25, $4  }
0x196: {  	s3 =	spop (v2sf)  }
0x197: {  	p2 =	sne.s32 s5, $0xFFFFFFFF;
	s2 =	smov.u32 s3  }
0x198: {  	p3 =	seq.s32 s3, $0xFFFFFFFF;
	s2 =	smov.u32 @p2 s5  }
0x199: {  	s3 =	smov.u32 @p3 s4;
	s2 =	smov.u32 @p3 s5  }
0x19a: {  	(v2sf) =	vpush v0, $0x0;
	_ =	sdelay $0x7  }
0x19b: {  	s0 =	spop (v2sf)  }
0x19c: {  	p1 =	sne.s32 s2, $0xFFFFFFFF;
	s6 =	simm.s32 $0x0;
	s9 =	simm.s32 $0xAA38  }
0x19d: {  	s10 =	simm.s32 $0xA808;
	s11 =	simm.s32 $0xA888;
	s4 =	smov.u32 s0  }
0x19e: {  	s12 =	simm.s32 $0xA908;
	p2 =	seq.s32 s0, $0xFFFFFFFF;
	s4 =	smov.u32 @p1 s2  }
0x19f: {  	s13 =	simm.s32 $0xA988;
	s4 =	smov.u32 @p2 s2;
	s2 =	spop (v2sf)  }
0x1a0: {  	s0 =	smov.u32 @p2 s3;
	p1 =	sne.s32 s4, $0xFFFFFFFF;
	s5 =	smov.u32 s2  }
.Ltmp26:
0x1a1: {  	p2 =	seq.s32 s2, $0xFFFFFFFF;
	s5 =	smov.u32 @p1 s4;
	(pc) =	sbr.rel .LBB2_38-.Ltmp26, $4  }
0x1a2: {  	s14 =	simm.s32 $0x0;
	s5 =	smov.u32 @p2 s4;
	s7 =	spop (v2sf)  }
0x1a3: {  	s2 =	smov.u32 @p2 s0;
	p1 =	sne.s32 s5, $0xFFFFFFFF;
	s8 =	smov.u32 s7  }
0x1a4: {  	s0 =	simm.s32 $0x6;
	p2 =	seq.s32 s7, $0xFFFFFFFF;
	s8 =	smov.u32 @p1 s5  }
0x1a5: {  	[sflag:s0] =	ssyncpa.u1 $0x0;
	s7 =	smov.u32 @p2 s2;
	s8 =	smov.u32 @p2 s5  }
.LBB2_53:
0x1a6: {  	s14 =	sadd.s32 $0x1, s14  }
0x1a7: {  	p1 =	sne.s32 s14, $0x20  }
.Ltmp27:
0x1a8: {  	_ = 	snop;
	(pc) =	sbr.rel @!p1 .LBB2_54-.Ltmp27, $2  }
0x1a9: {  	_ =	sdelay $0x2  }
0x1aa: {  	s9 =	sadd.s32 $0x280, s9  }
.LBB2_38:
0x1ab: {  	v0 =	vld.msk [tilespmem:s14+$0xAA18], $0x1;
	_ =	sdelay $0x4  }
0x1ac: {  	(v2sf) =	vpush v0, $0x0;
	_ =	sdelay $0xe  }
0x1ad: {  	s2 =	spop (v2sf)  }
0x1ae: {  	p1 =	seq.s32 s2, $0xFFFFFFFF  }
.Ltmp28:
0x1af: {  	_ = 	snop;
	(pc) =	sbr.rel @p1 .LBB2_53-.Ltmp28, $1  }
0x1b0: {  	_ =	sdelay $0x3  }
0x1b1: {  	p1 =	slt.s32 s6, $0x1  }
.Ltmp29:
0x1b2: {  	_ = 	snop;
	(pc) =	sbr.rel @p1 .LBB2_46-.Ltmp29, $1  }
0x1b3: {  	_ =	sdelay $0x3  }
0x1b4: {  	s3 =	simm.s32 $0xAA18;
	p1 =	por $0x0, $0x0  }
0x1b5: {  	v1 =	vld.msk @!p1 [tilespmem:s3+$0x0], $0x1;
	_ =	sdelay $0x4  }
0x1b6: {  	(v2sf) =	vpush @!p1 v1, $0x0;
	_ =	sdelay $0xd  }
0x1b7: {  	p3 =	sne.s32 s6, $0x1  }
.Ltmp30:
0x1b8: {  	s4 =	spop @!p1 (v2sf);
	(pc) =	sbr.rel @!p3 .LBB2_42-.Ltmp30, $4  }
0x1b9: {  	p2 =	seq.s32 @!p1 s2, s4  }
0x1ba: {  	s4 =	simm.s32 $0x0;
	p2 =	por !p2, p1  }
0x1bb: {  	s15 =	simm.s32 $0xFFFFFFFF;
	s4 =	simm.s32 @p2 $0xFFFFFFFF  }
0x1bc: {  	s5 =	simm.s32 $0x1;
	s4 =	smov.u32 @p1 s15  }
.LBB2_41:
0x1bd: {  	s15 =	smov.u32 s4;
	p1 =	sne.s32 s4, $0xFFFFFFFF  }
0x1be: {  	s3 =	sadd.s32 $0x1, s3;
	s4 =	smov.u32 s5;
	s5 =	sadd.s32 $0x1, s5  }
0x1bf: {  	p2 =	sne.s32 s6, s5;
	v1 =	vld.msk @!p1 [tilespmem:s3+$0x0], $0x1;
	_ =	sdelay $0x4  }
0x1c0: {  	(v2sf) =	vpush @!p1 v1, $0x0;
	_ =	sdelay $0xe  }
.Ltmp31:
0x1c1: {  	s16 =	spop @!p1 (v2sf);
	(pc) =	sbr.rel @p2 .LBB2_41-.Ltmp31, $4  }
0x1c2: {  	p3 =	seq.s32 @!p1 s2, s16  }
0x1c3: {  	p3 =	por !p3, p1  }
0x1c4: {  	s4 =	simm.s32 @p3 $0xFFFFFFFF  }
0x1c5: {  	s4 =	smov.u32 @p1 s15  }
.LBB2_42:
0x1c6: {  	p1 =	seq.s32 s4, $0xFFFFFFFF  }
.Ltmp32:
0x1c7: {  	_ = 	snop;
	(pc) =	sbr.rel @p1 .LBB2_46-.Ltmp32, $1  }
0x1c8: {  	_ =	sdelay $0x3  }
0x1c9: {  	s2 =	smul.u32 $0xA00, s4;
	_ =	sdelay $0x1  }
0x1ca: {  	s2 =	sshra.s32 s2, $0x2  }
0x1cb: {  	s3 =	simm.s32 $0x0;
	v0 =	vld [tilespmem:s9+$0x0];
	s4 =	smov.u32 s9;
	s2 =	sadd.s32 $0xAA38, s2  }
.LBB2_44:
0x1cc: {  	s3 =	sadd.s32 $0x10, s3  }
0x1cd: {  	p1 =	slt.u32 s3, $0x270  }
.Ltmp33:
0x1ce: {  	_ = 	snop;
	(pc) =	sbr.rel @p1 .LBB2_44-.Ltmp33, $3  }
0x1cf: {  	_ =	sdelay $0x1  }
0x1d0: {  	s4 =	sadd.s32 $0x10, s4;
	[tilespmem:s2+$0x0] =	vst.add.f32.msk $0xffff, v0;
	s2 =	sadd.s32 $0x10, s2  }
0x1d1: {  	v0 =	vld [tilespmem:s4+$0x0]  }
.Ltmp34:
0x1d2: {  	_ = 	snop;
	(pc) =	sbr.rel .LBB2_53-.Ltmp34, $2  }
0x1d3: {  	_ =	sdelay $0x2  }
0x1d4: {  	[tilespmem:s2+$0x0] =	vst.add.f32.msk $0xffff, v0  }
.LBB2_46:
0x1d5: {  	p1 =	sgt.u32 s2, $0x3D4070  }
0x1d6: {  	p2 =	seq.s32 @!p1 s2, s8  }
0x1d7: {  	p1 =	por p1, p2  }
0x1d8: {  	p2 =	seq.s32 @!p1 s2, s7  }
0x1d9: {  	p1 =	por p1, p2  }
.Ltmp35:
0x1da: {  	_ = 	snop;
	(pc) =	sbr.rel @p1 .LBB2_50-.Ltmp35, $1  }
0x1db: {  	_ =	sdelay $0x3  }
0x1dc: {  	s3 =	sand.u32 $0x3FFFF8, s2;
	s5 =	sand.u32 $0x7, s2  }
0x1dd: {  	s28 =	sadd.s32 $0x80, s2;
	s4 =	sadd.s32 s1, s3;
	s3 =	simm.s32 $0xA788  }
0x1de: {  	[tilespmem:s3], [sflag:$0x6] =	stream.linear.gather [hbm4b:s4+s5], $0x80, $0x38;
	[tilespmem:$0x19AE8] =	vst v63  }
0x1df: {  	s4 =	sand.u32 $0x7FFFF8, s28  }
0x1e0: {  	s29 =	sadd.s32 $0x100, s2;
	s4 =	sadd.s32 s1, s4  }
0x1e1: {  	[tilespmem:s10], [sflag:$0x6] =	stream.linear.gather [hbm4b:s4+s5], $0x80, $0x38;
	[tilespmem:$0x19AE8] =	vst v63  }
0x1e2: {  	s4 =	sand.u32 $0x7FFFF8, s29  }
0x1e3: {  	s30 =	sadd.s32 $0x180, s2;
	s4 =	sadd.s32 s1, s4  }
0x1e4: {  	[tilespmem:s11], [sflag:$0x6] =	stream.linear.gather [hbm4b:s4+s5], $0x80, $0x38;
	[tilespmem:$0x19AE8] =	vst v63  }
0x1e5: {  	s31 =	sadd.s32 $0x200, s2;
	s4 =	sand.u32 $0x7FFFF8, s30  }
0x1e6: {  	s2 =	sand.u32 $0x7FFFF8, s31;
	s4 =	sadd.s32 s1, s4  }
0x1e7: {  	[tilespmem:s12], [sflag:$0x6] =	stream.linear.gather [hbm4b:s4+s5], $0x80, $0x38;
	[tilespmem:$0x19AE8] =	vst v63  }
0x1e8: {  	s2 =	sadd.s32 s1, s2  }
0x1e9: {  	[tilespmem:s13], [sflag:$0x6] =	stream.linear.gather [hbm4b:s2+s5], $0x80, $0x38;
	[tilespmem:$0x19AE8] =	vst v63  }
0x1ea: {  	_ =	swait.ge [sflag:s0], $0x280  }
0x1eb: {  	[sflag:s0] =	ssyncset.done $0x0  }
0x1ec: {  	[sflag:s0] =	ssyncadd.s32 $0xFFFFFD80  }
0x1ed: {  	s4 =	smov.u32 s9;
	s2 =	simm.s32 $0x0;
	v1 =	vld [tilespmem:s3+$0x0]  }
.LBB2_48:
0x1ee: {  	s2 =	sadd.s32 $0x10, s2  }
0x1ef: {  	p1 =	slt.u32 s2, $0x270  }
.Ltmp36:
0x1f0: {  	_ = 	snop;
	(pc) =	sbr.rel @p1 .LBB2_48-.Ltmp36, $3  }
0x1f1: {  	_ =	sdelay $0x1  }
0x1f2: {  	s3 =	sadd.s32 $0x10, s3;
	[tilespmem:s4+$0x0] =	vst.add.f32.msk $0xffff, v1;
	s4 =	sadd.s32 $0x10, s4  }
0x1f3: {  	v1 =	vld [tilespmem:s3+$0x0]  }
0x1f4: {  	_ =	sdelay $0x3  }
0x1f5: {  	[tilespmem:s4+$0x0] =	vst.add.f32.msk $0xffff, v1  }
.LBB2_50:
0x1f6: {  	s2 =	smul.u32 $0xA00, s6;
	_ =	sdelay $0x1  }
0x1f7: {  	[tilespmem:s6+$0xAA18] =	vst.msk $0x1, v0;
	s2 =	sshra.s32 s2, $0x2  }
0x1f8: {  	s3 =	simm.s32 $0x0;
	s4 =	smov.u32 s9;
	v0 =	vld [tilespmem:s9+$0x0];
	s2 =	sadd.s32 $0xAA38, s2  }
.LBB2_51:
0x1f9: {  	s3 =	sadd.s32 $0x10, s3  }
0x1fa: {  	p1 =	slt.u32 s3, $0x270  }
.Ltmp37:
0x1fb: {  	_ = 	snop;
	(pc) =	sbr.rel @p1 .LBB2_51-.Ltmp37, $3  }
0x1fc: {  	_ =	sdelay $0x1  }
0x1fd: {  	s4 =	sadd.s32 $0x10, s4;
	[tilespmem:s2+$0x0] =	vst v0;
	s2 =	sadd.s32 $0x10, s2  }
0x1fe: {  	v0 =	vld [tilespmem:s4+$0x0]  }
.Ltmp38:
0x1ff: {  	_ = 	snop;
	(pc) =	sbr.rel .LBB2_53-.Ltmp38, $2  }
0x200: {  	_ =	sdelay $0x2  }
0x201: {  	s6 =	sadd.s32 $0x1, s6;
	[tilespmem:s2+$0x0] =	vst v0  }
.LBB2_54:
0x202: {  	s0 =	simm.s32 $0x6;
	p1 =	seq.s32 s6, $0x0  }
0x203: {  	[sflag:s0] =	ssyncpa.u1 $0x1;
	v0 =	vimm.s32 @p1 $0xFFFFFFFF  }
0x204: {  	s0 =	sadd.s32 $0xFFFFFFFF, s6;
	[tilespmem:$0xFA38] =	vst @p1 v0  }
0x205: {  	v0 =	vld.msk @!p1 [tilespmem:s0+$0xAA18], $0x1;
	_ =	sdelay $0x1  }
0x206: {  	v1 =	vld.msk @!p1 [tilespmem:$0xAA18], $0x1;
	_ =	sdelay $0x2  }
0x207: {  	p2 =	seq.s32 @!p1 s0, $0x0;
	v0 =	vbroadcast @!p1 v0, $0x0  }
0x208: {  	vm0 =	vmmov @!p1 $0x1;
	p3 =	por !p2, p1  }
0x209: {  	p2 =	sne.s32 @!p1 s8, s7;
	v1 =	vnsel @!p1 vm0, $0xFFFFFFFF, v1;
	vm0 =	vcmask @!p1 $0x308;
	v0 =	vpsel !p3, $0xFFFFFFFF, v0  }
0x20a: {  	p3 =	por !p2, p1;
	v0 =	vsel @!p1 vm0, v1, v0  }
0x20b: {  	s2 =	simm.s32 @!p1 $0xAA38;
	s3 =	simm.s32 @!p1 $0x0;
	s4 =	smul.u32 @!p3 $0xA00, s0;
	[tilespmem:$0xFA38] =	vst @!p1 v0  }
0x20c: {  	[spmem:s3] =	stream.linear.scatter @!p1 [tilespmem:s2], [sflag:$0x1], $0x280, $0x38;
	[tilespmem:$0x19AE8] =	vst v63  }
0x20d: {  	s2 =	sshra.s32 @!p3 s4, $0x2  }
0x20e: {  	s3 =	simm.s32 @!p3 $0x280;
	s2 =	sadd.s32 @!p3 $0xAA38, s2  }
0x20f: {  	[spmem:s3] =	stream.linear.scatter @!p3 [tilespmem:s2], [sflag:$0x1], $0x280, $0x38;
	[tilespmem:$0x19AE8] =	vst v63  }
0x210: {  	s2 =	simm.s32 @!p3 $0x1  }
0x211: {  	_ =	swait.ge @!p3 [sflag:s2], $0x500  }
0x212: {  	p1 =	por p2, p1;
	[sflag:s2] =	ssyncset.done @!p3 $0x0  }
0x213: {  	[sflag:s2] =	ssyncadd.s32 @!p3 $0xFFFFFB00;
	s2 =	simm.s32 @!p1 $0x1  }
0x214: {  	_ =	swait.ge @!p1 [sflag:s2], $0x280  }
0x215: {  	s29 =	simm.s32 $0xFA38;
	[sflag:s2] =	ssyncset.done @!p1 $0x0  }
0x216: {  	s30 =	simm.s32 $0x5000;
	s31 =	simm.s32 $0x1;
	[sflag:s2] =	ssyncadd.s32 @!p1 $0xFFFFFD80  }
0x217: {  	[spmem:s30] =	stream.linear.scatter [tilespmem:s29], [sflag:$0x1], $0x10, $0x38;
	[tilespmem:$0x19AE8] =	vst v63  }
0x218: {  	_ =	swait.ge [sflag:s31], $0x10  }
0x219: {  	[sflag:s31] =	ssyncset.done $0x0  }
0x21a: {  	p1 =	seq.s32 s17, $0x0;
	s9 =	rddreg [dreg:$0x1];
	[sflag:s31] =	ssyncadd.s32 $0xFFFFFFF0  }
0x21b: {  	s3 =	sshll.u32 @p1 s9, $0xE;
	s8 =	rddreg [dreg:$0x2]  }
0x21c: {  	s2 =	sadd.s32 @p1 $0x15C3C, s3;
	s3 =	sshll.u32 @p1 s8, $0x11  }
0x21d: {  	_ =	sfence.stream.spmem;
	s2 =	sor.u32 @p1 s3, s2  }
0x21e: {  	[sflag:s2] =	ssyncadd.remote.s32 @p1 $0x1;
	s2 =	simm.s32 @p1 $0x4  }
0x21f: {  	s4 =	simm.s32 @!p1 $0x3C;
	s3 =	sand.u32 $0xFFFFFFFE, s9;
	_ =	swait.ge @p1 [sflag:s2], $0xA2  }
0x220: {  	s5 =	simm.s32 @!p1 $0x0;
	s3 =	sadd.s32 @!p1 $0x4, s3;
	[sflag:s2] =	ssyncset.done @p1 $0x0  }
0x221: {  	s7 =	simm.s32 @!p1 $0x500;
	[sflag:s2] =	ssyncadd.s32 @p1 $0xFFFFFF5E;
	s2 =	sshll.u32 @!p1 s3, $0x1A  }
0x222: {  	s3 =	sshll.u32 @!p1 s3, $0xD;
	s2 =	sor.u32 @!p1 s2, s8;
	_ =	swait.eq @!p1 [sflag:s4], $0x1  }
0x223: {  	s3 =	sor.u32 @!p1 $0x1C04, s3;
	s4 =	simm.s32 @!p1 $0x1C03;
	s2 =	sor.u32 @!p1 $0x80004000, s2  }
0x224: {  	[spmem:s7], [sflag:s3] =	dma.general @!p1 [spmem:s5], [sflag:s4], length:$0xA0, [dreg:$0x0], stride_count:$0x0, ici_dest:s2, dma_misc:DstOpCode:WRITE  }
0x225: {  	p2 =	slt.s32 s0, $0x2;
	s5 =	simm.s32 @!p1 $0xA00;
	s7 =	simm.s32 @!p1 $0xA02  }
0x226: {  	[spmem:s7], [sflag:s3] =	dma.general @!p1 [spmem:s5], [sflag:s4], length:$0x2, [dreg:$0x0], stride_count:$0x0, ici_dest:s2, dma_misc:DstOpCode:WRITE  }
.Ltmp39:
0x227: {  	s2 =	simm.s32 @!p1 $0x3;
	(pc) =	sbr.rel @p2 .LBB2_58-.Ltmp39, $4  }
0x228: {  	s3 =	sshll.u32 @!p1 s9, $0xE;
	_ =	swait.ge @!p1 [sflag:s2], $0xA2  }
0x229: {  	s4 =	sshll.u32 @!p1 s8, $0x11;
	s3 =	sadd.s32 @!p1 $0x11C3C, s3;
	[sflag:s2] =	ssyncset.done @!p1 $0x0  }
0x22a: {  	[sflag:s2] =	ssyncadd.s32 @!p1 $0xFFFFFF5E;
	s2 =	sor.u32 @!p1 s4, s3  }
0x22b: {  	s0 =	simm.s32 $0x0;
	[sflag:s2] =	ssyncadd.remote.s32 @!p1 $0xFFFFFFFF  }
0x22c: {  	s0 =	simm.s32 $0xAA19  }
0x22d: {  	v0 =	vld.msk [tilespmem:s0+$0x0], $0x1;
	_ =	sdelay $0x4  }
0x22e: {  	(v2sf) =	vpush v0, $0x0;
	_ =	sdelay $0xe  }
0x22f: {  	s4 =	sadd.s32 $0xFFFFFFFE, s6;
	s3 =	spop (v2sf)  }
0x230: {  	s0 =	simm.s32 $0xACB8;
	s4 =	sadd.s32 $0xFFFFFFFF, s4;
	p1 =	sgt.u32 s3, $0x3D4070  }
0x231: {  	s2 =	sand.u32 @!p1 $0x3FFFF8, s3;
	s5 =	sadd.s32 @!p1 $0x80, s3;
	s6 =	sadd.s32 @!p1 $0x100, s3  }
0x232: {  	s7 =	sand.u32 @!p1 $0x7, s3;
	s2 =	sadd.s32 @!p1 s1, s2;
	s5 =	sand.u32 @!p1 $0x7FFFF8, s5  }
0x233: {  	[hbm4b:s2+s7] =	stream.linear.scatter @!p1 [tilespmem:s0], [sflag:$0x5], $0x80, $0x38;
	[tilespmem:$0x19AE8] =	vst v63  }
0x234: {  	s6 =	sand.u32 @!p1 $0x7FFFF8, s6;
	s2 =	simm.s32 @!p1 $0xAD38;
	s5 =	sadd.s32 @!p1 s1, s5  }
0x235: {  	[hbm4b:s5+s7] =	stream.linear.scatter @!p1 [tilespmem:s2], [sflag:$0x5], $0x80, $0x38;
	[tilespmem:$0x19AE8] =	vst v63  }
0x236: {  	p2 =	sne.s32 s4, $0x0;
	s2 =	simm.s32 @!p1 $0xADB8;
	s5 =	sadd.s32 @!p1 s1, s6  }
0x237: {  	[hbm4b:s5+s7] =	stream.linear.scatter @!p1 [tilespmem:s2], [sflag:$0x5], $0x80, $0x38;
	[tilespmem:$0x19AE8] =	vst v63  }
.Ltmp40:
0x238: {  	s8 =	sadd.s32 @!p1 $0x200, s3;
	s6 =	sadd.s32 @!p1 $0x180, s3;
	(pc) =	sbr.rel @!p2 .LBB2_57-.Ltmp40, $4  }
0x239: {  	s8 =	sand.u32 @!p1 $0x7FFFF8, s8;
	s3 =	simm.s32 $0x0;
	s5 =	sand.u32 @!p1 $0x7FFFF8, s6  }
0x23a: {  	s3 =	simm.s32 @!p1 $0xA00;
	s6 =	simm.s32 @!p1 $0xAE38;
	s5 =	sadd.s32 @!p1 s1, s5  }
0x23b: {  	[hbm4b:s5+s7] =	stream.linear.scatter @!p1 [tilespmem:s6], [sflag:$0x5], $0x80, $0x38;
	[tilespmem:$0x19AE8] =	vst v63  }
0x23c: {  	s2 =	simm.s32 $0x0;
	s5 =	simm.s32 $0xAA1A;
	s6 =	simm.s32 $0xAF38  }
.LBB2_56:
0x23d: {  	s0 =	sadd.s32 @!p1 $0x200, s0;
	s8 =	sadd.s32 @!p1 s1, s8;
	s2 =	sadd.s32 s2, s3  }
0x23e: {  	[hbm4b:s8+s7] =	stream.linear.scatter @!p1 [tilespmem:s0], [sflag:$0x5], $0x80, $0x38;
	[tilespmem:$0x19AE8] =	vst v63  }
0x23f: {  	s4 =	sadd.s32 $0xFFFFFFFF, s4;
	s0 =	smov.u32 s6;
	v0 =	vld.msk [tilespmem:s5+$0x0], $0x1  }
0x240: {  	p2 =	sne.s32 s4, $0x0;
	_ =	sdelay $0x3  }
0x241: {  	(v2sf) =	vpush v0, $0x0;
	_ =	sdelay $0xe  }
0x242: {  	s3 =	spop (v2sf)  }
0x243: {  	s6 =	sadd.s32 $0x280, s6;
	s5 =	sadd.s32 $0x1, s5;
	p1 =	sgt.u32 s3, $0x3D4070  }
0x244: {  	s7 =	sand.u32 @!p1 $0x3FFFF8, s3;
	s8 =	sadd.s32 @!p1 $0x80, s3;
	s9 =	sadd.s32 @!p1 $0x100, s3  }
0x245: {  	s10 =	sadd.s32 @!p1 s1, s7;
	s7 =	sand.u32 @!p1 $0x7, s3;
	s8 =	sand.u32 @!p1 $0x7FFFF8, s8  }
0x246: {  	[hbm4b:s10+s7] =	stream.linear.scatter @!p1 [tilespmem:s0], [sflag:$0x5], $0x80, $0x38;
	[tilespmem:$0x19AE8] =	vst v63  }
0x247: {  	s9 =	sand.u32 @!p1 $0x7FFFF8, s9;
	s10 =	sadd.s32 @!p1 $0x80, s0;
	s8 =	sadd.s32 @!p1 s1, s8  }
0x248: {  	[hbm4b:s8+s7] =	stream.linear.scatter @!p1 [tilespmem:s10], [sflag:$0x5], $0x80, $0x38;
	[tilespmem:$0x19AE8] =	vst v63  }
0x249: {  	s9 =	sadd.s32 @!p1 s1, s9;
	s8 =	sadd.s32 @!p1 $0x100, s0;
	s10 =	sadd.s32 @!p1 $0x180, s3  }
0x24a: {  	[hbm4b:s9+s7] =	stream.linear.scatter @!p1 [tilespmem:s8], [sflag:$0x5], $0x80, $0x38;
	[tilespmem:$0x19AE8] =	vst v63  }
.Ltmp41:
0x24b: {  	_ = 	snop;
	(pc) =	sbr.rel @p2 .LBB2_56-.Ltmp41, $4  }
0x24c: {  	s9 =	sadd.s32 @!p1 $0x180, s0  }
0x24d: {  	s8 =	sand.u32 @!p1 $0x7FFFF8, s10;
	s10 =	sadd.s32 @!p1 $0x200, s3;
	s3 =	simm.s32 $0x0  }
0x24e: {  	s3 =	simm.s32 @!p1 $0xA00;
	s11 =	sadd.s32 @!p1 s1, s8;
	s8 =	sand.u32 @!p1 $0x7FFFF8, s10  }
0x24f: {  	[hbm4b:s11+s7] =	stream.linear.scatter @!p1 [tilespmem:s9], [sflag:$0x5], $0x80, $0x38;
	[tilespmem:$0x19AE8] =	vst v63  }
.LBB2_57:
0x250: {  	s0 =	sadd.s32 @!p1 $0x200, s0;
	s4 =	sadd.s32 @!p1 s1, s8;
	s31 =	sadd.s32 s2, s3  }
0x251: {  	[hbm4b:s4+s7] =	stream.linear.scatter @!p1 [tilespmem:s0], [sflag:$0x5], $0x80, $0x38;
	[tilespmem:$0x19AE8] =	vst v63  }
0x252: {  	s0 =	sshrl.u32 s31, $0x2  }
.LBB2_58:
0x253: {  	s2 =	simm.s32 $0x5  }
0x254: {  	_ =	swait.ge [sflag:s2], s0  }
0x255: {  	s31 =	ssub.s32 $0x0, s0;
	[sflag:s2] =	ssyncset.done $0x0  }
0x256: {  	[sflag:s2] =	ssyncadd.s32 s31  }
0x257: {  	[sflag:s2] =	ssyncpa.u1 $0x1  }
.LBB2_59:
0x258: {  	s0 =	sor.u32 s17, s18  }
0x259: {  	p1 =	sne.s32 s0, $0x0  }
.Ltmp42:
0x25a: {  	_ = 	snop;
	(pc) =	sbr.rel @p1 .LBB2_82-.Ltmp42, $3  }
0x25b: {  	_ =	sdelay $0x1  }
0x25c: {  	[bflag:$0x0] =	sbarrier.arrive $0xFFFF  }
0x25d: {  	_ =	sfence  }
0x25e: {  	s3 =	simm.s32 $0x7  }
0x25f: {  	s0 =	simm.s32 $0x5000;
	s2 =	simm.s32 $0xAA18;
	[sflag:s3] =	ssyncpa.u1 $0x0  }
0x260: {  	[tilespmem:s2], [sflag:$0x7] =	stream.linear.gather [spmem:s0], $0x20, $0x38;
	[tilespmem:$0x19AE8] =	vst v63  }
0x261: {  	s2 =	simm.s32 $0x0;
	s0 =	simm.s32 $0xAA38  }
0x262: {  	[tilespmem:s0], [sflag:$0x7] =	stream.linear.gather [spmem:s2], $0x5000, $0x38;
	[tilespmem:$0x19AE8] =	vst v63  }
.Ltmp43:
0x263: {  	_ = 	snop;
	(pc) =	sbr.rel .LBB2_61-.Ltmp43, $4  }
0x264: {  	_ =	swait.ge [sflag:s3], $0x5020  }
0x265: {  	s4 =	simm.s32 $0xA808;
	s5 =	simm.s32 $0xA888;
	[sflag:s3] =	ssyncset.done $0x0  }
0x266: {  	s6 =	simm.s32 $0xA908;
	[sflag:s3] =	ssyncadd.s32 $0xFFFFAFE0;
	s3 =	simm.s32 $0x8  }
0x267: {  	s7 =	simm.s32 $0xA988;
	s8 =	simm.s32 $0x0;
	[sflag:s3] =	ssyncpa.u1 $0x0  }
.LBB2_76:
0x268: {  	s8 =	sadd.s32 $0x1, s8  }
0x269: {  	p1 =	sne.s32 s8, $0x20  }
.Ltmp44:
0x26a: {  	_ = 	snop;
	(pc) =	sbr.rel @!p1 .LBB2_77-.Ltmp44, $2  }
0x26b: {  	_ =	sdelay $0x2  }
0x26c: {  	s0 =	sadd.s32 $0x280, s0  }
.LBB2_61:
0x26d: {  	v0 =	vld.msk [tilespmem:s8+$0xAA18], $0x1;
	_ =	sdelay $0x4  }
0x26e: {  	(v2sf) =	vpush v0, $0x0;
	_ =	sdelay $0xe  }
0x26f: {  	s9 =	spop (v2sf)  }
0x270: {  	p1 =	seq.s32 s9, $0xFFFFFFFF  }
.Ltmp45:
0x271: {  	_ = 	snop;
	(pc) =	sbr.rel @p1 .LBB2_76-.Ltmp45, $1  }
0x272: {  	_ =	sdelay $0x3  }
0x273: {  	p1 =	slt.s32 s2, $0x1  }
.Ltmp46:
0x274: {  	_ = 	snop;
	(pc) =	sbr.rel @p1 .LBB2_69-.Ltmp46, $1  }
0x275: {  	_ =	sdelay $0x3  }
0x276: {  	s10 =	simm.s32 $0xAA18;
	p1 =	por $0x0, $0x0  }
0x277: {  	v1 =	vld.msk @!p1 [tilespmem:s10+$0x0], $0x1;
	_ =	sdelay $0x4  }
0x278: {  	(v2sf) =	vpush @!p1 v1, $0x0;
	_ =	sdelay $0xd  }
0x279: {  	p3 =	sne.s32 s2, $0x1  }
.Ltmp47:
0x27a: {  	s11 =	spop @!p1 (v2sf);
	(pc) =	sbr.rel @!p3 .LBB2_65-.Ltmp47, $4  }
0x27b: {  	p2 =	seq.s32 @!p1 s9, s11  }
0x27c: {  	s11 =	simm.s32 $0x0;
	p2 =	por !p2, p1  }
0x27d: {  	s13 =	simm.s32 $0xFFFFFFFF;
	s11 =	simm.s32 @p2 $0xFFFFFFFF  }
0x27e: {  	s12 =	simm.s32 $0x1;
	s11 =	smov.u32 @p1 s13  }
.LBB2_64:
0x27f: {  	s13 =	smov.u32 s11;
	p1 =	sne.s32 s11, $0xFFFFFFFF  }
0x280: {  	s10 =	sadd.s32 $0x1, s10;
	s11 =	smov.u32 s12;
	s12 =	sadd.s32 $0x1, s12  }
0x281: {  	p2 =	sne.s32 s2, s12;
	v1 =	vld.msk @!p1 [tilespmem:s10+$0x0], $0x1;
	_ =	sdelay $0x4  }
0x282: {  	(v2sf) =	vpush @!p1 v1, $0x0;
	_ =	sdelay $0xe  }
.Ltmp48:
0x283: {  	s14 =	spop @!p1 (v2sf);
	(pc) =	sbr.rel @p2 .LBB2_64-.Ltmp48, $4  }
0x284: {  	p3 =	seq.s32 @!p1 s9, s14  }
0x285: {  	p3 =	por !p3, p1  }
0x286: {  	s11 =	simm.s32 @p3 $0xFFFFFFFF  }
0x287: {  	s11 =	smov.u32 @p1 s13  }
.LBB2_65:
0x288: {  	p1 =	seq.s32 s11, $0xFFFFFFFF  }
.Ltmp49:
0x289: {  	_ = 	snop;
	(pc) =	sbr.rel @p1 .LBB2_69-.Ltmp49, $1  }
0x28a: {  	_ =	sdelay $0x3  }
0x28b: {  	s9 =	smul.u32 $0xA00, s11;
	_ =	sdelay $0x1  }
0x28c: {  	s9 =	sshra.s32 s9, $0x2  }
0x28d: {  	s10 =	simm.s32 $0x0;
	v0 =	vld [tilespmem:s0+$0x0];
	s11 =	smov.u32 s0;
	s9 =	sadd.s32 $0xAA38, s9  }
.LBB2_67:
0x28e: {  	s10 =	sadd.s32 $0x10, s10  }
0x28f: {  	p1 =	slt.u32 s10, $0x270  }
.Ltmp50:
0x290: {  	_ = 	snop;
	(pc) =	sbr.rel @p1 .LBB2_67-.Ltmp50, $3  }
0x291: {  	_ =	sdelay $0x1  }
0x292: {  	s11 =	sadd.s32 $0x10, s11;
	[tilespmem:s9+$0x0] =	vst.add.f32.msk $0xffff, v0;
	s9 =	sadd.s32 $0x10, s9  }
0x293: {  	v0 =	vld [tilespmem:s11+$0x0]  }
.Ltmp51:
0x294: {  	_ = 	snop;
	(pc) =	sbr.rel .LBB2_76-.Ltmp51, $2  }
0x295: {  	_ =	sdelay $0x2  }
0x296: {  	[tilespmem:s9+$0x0] =	vst.add.f32.msk $0xffff, v0  }
.LBB2_69:
0x297: {  	p1 =	sgt.u32 s9, $0x3D4070  }
.Ltmp52:
0x298: {  	_ = 	snop;
	(pc) =	sbr.rel @p1 .LBB2_73-.Ltmp52, $1  }
0x299: {  	_ =	sdelay $0x3  }
0x29a: {  	s10 =	sand.u32 $0x3FFFF8, s9;
	s12 =	sand.u32 $0x7, s9  }
0x29b: {  	s28 =	sadd.s32 $0x80, s9;
	s11 =	sadd.s32 s1, s10;
	s10 =	simm.s32 $0xA788  }
0x29c: {  	[tilespmem:s10], [sflag:$0x8] =	stream.linear.gather [hbm4b:s11+s12], $0x80, $0x38;
	[tilespmem:$0x19AE8] =	vst v63  }
0x29d: {  	s11 =	sand.u32 $0x7FFFF8, s28  }
0x29e: {  	s29 =	sadd.s32 $0x100, s9;
	s11 =	sadd.s32 s1, s11  }
0x29f: {  	[tilespmem:s4], [sflag:$0x8] =	stream.linear.gather [hbm4b:s11+s12], $0x80, $0x38;
	[tilespmem:$0x19AE8] =	vst v63  }
0x2a0: {  	s11 =	sand.u32 $0x7FFFF8, s29  }
0x2a1: {  	s30 =	sadd.s32 $0x180, s9;
	s11 =	sadd.s32 s1, s11  }
0x2a2: {  	[tilespmem:s5], [sflag:$0x8] =	stream.linear.gather [hbm4b:s11+s12], $0x80, $0x38;
	[tilespmem:$0x19AE8] =	vst v63  }
0x2a3: {  	s31 =	sadd.s32 $0x200, s9;
	s11 =	sand.u32 $0x7FFFF8, s30  }
0x2a4: {  	s9 =	sand.u32 $0x7FFFF8, s31;
	s11 =	sadd.s32 s1, s11  }
0x2a5: {  	[tilespmem:s6], [sflag:$0x8] =	stream.linear.gather [hbm4b:s11+s12], $0x80, $0x38;
	[tilespmem:$0x19AE8] =	vst v63  }
0x2a6: {  	s9 =	sadd.s32 s1, s9  }
0x2a7: {  	[tilespmem:s7], [sflag:$0x8] =	stream.linear.gather [hbm4b:s9+s12], $0x80, $0x38;
	[tilespmem:$0x19AE8] =	vst v63  }
0x2a8: {  	_ =	swait.ge [sflag:s3], $0x280  }
0x2a9: {  	[sflag:s3] =	ssyncset.done $0x0  }
0x2aa: {  	[sflag:s3] =	ssyncadd.s32 $0xFFFFFD80  }
0x2ab: {  	s11 =	smov.u32 s0;
	s9 =	simm.s32 $0x0;
	v1 =	vld [tilespmem:s10+$0x0]  }
.LBB2_71:
0x2ac: {  	s9 =	sadd.s32 $0x10, s9  }
0x2ad: {  	p1 =	slt.u32 s9, $0x270  }
.Ltmp53:
0x2ae: {  	_ = 	snop;
	(pc) =	sbr.rel @p1 .LBB2_71-.Ltmp53, $3  }
0x2af: {  	_ =	sdelay $0x1  }
0x2b0: {  	s10 =	sadd.s32 $0x10, s10;
	[tilespmem:s11+$0x0] =	vst.add.f32.msk $0xffff, v1;
	s11 =	sadd.s32 $0x10, s11  }
0x2b1: {  	v1 =	vld [tilespmem:s10+$0x0]  }
0x2b2: {  	_ =	sdelay $0x3  }
0x2b3: {  	[tilespmem:s11+$0x0] =	vst.add.f32.msk $0xffff, v1  }
.LBB2_73:
0x2b4: {  	s9 =	smul.u32 $0xA00, s2;
	_ =	sdelay $0x1  }
0x2b5: {  	[tilespmem:s2+$0xAA18] =	vst.msk $0x1, v0;
	s9 =	sshra.s32 s9, $0x2  }
0x2b6: {  	s10 =	simm.s32 $0x0;
	s11 =	smov.u32 s0;
	v0 =	vld [tilespmem:s0+$0x0];
	s9 =	sadd.s32 $0xAA38, s9  }
.LBB2_74:
0x2b7: {  	s10 =	sadd.s32 $0x10, s10  }
0x2b8: {  	p1 =	slt.u32 s10, $0x270  }
.Ltmp54:
0x2b9: {  	_ = 	snop;
	(pc) =	sbr.rel @p1 .LBB2_74-.Ltmp54, $3  }
0x2ba: {  	_ =	sdelay $0x1  }
0x2bb: {  	s11 =	sadd.s32 $0x10, s11;
	[tilespmem:s9+$0x0] =	vst v0;
	s9 =	sadd.s32 $0x10, s9  }
0x2bc: {  	v0 =	vld [tilespmem:s11+$0x0]  }
.Ltmp55:
0x2bd: {  	_ = 	snop;
	(pc) =	sbr.rel .LBB2_76-.Ltmp55, $2  }
0x2be: {  	_ =	sdelay $0x2  }
0x2bf: {  	s2 =	sadd.s32 $0x1, s2;
	[tilespmem:s9+$0x0] =	vst v0  }
.LBB2_77:
0x2c0: {  	p1 =	slt.s32 s2, $0x1  }
.Ltmp56:
0x2c1: {  	_ = 	snop;
	(pc) =	sbr.rel @p1 .LBB2_81-.Ltmp56, $3  }
0x2c2: {  	_ =	sdelay $0x1  }
0x2c3: {  	s0 =	simm.s32 $0x8  }
0x2c4: {  	[sflag:s0] =	ssyncpa.u1 $0x1;
	s0 =	simm.s32 $0x0  }
0x2c5: {  	s3 =	simm.s32 $0xAA18  }
0x2c6: {  	v0 =	vld.msk [tilespmem:s3+$0x0], $0x1;
	_ =	sdelay $0x4  }
0x2c7: {  	(v2sf) =	vpush v0, $0x0;
	_ =	sdelay $0xe  }
0x2c8: {  	s2 =	sadd.s32 $0xFFFFFFFF, s2;
	s5 =	spop (v2sf)  }
0x2c9: {  	s3 =	simm.s32 $0xAA38;
	p2 =	sne.s32 s2, $0x0;
	p1 =	sgt.u32 s5, $0x3D4070  }
0x2ca: {  	s4 =	sand.u32 @!p1 $0x3FFFF8, s5;
	s7 =	sadd.s32 @!p1 $0x80, s5;
	s8 =	sadd.s32 @!p1 $0x100, s5  }
0x2cb: {  	s6 =	sand.u32 @!p1 $0x7, s5;
	s4 =	sadd.s32 @!p1 s1, s4;
	s7 =	sand.u32 @!p1 $0x7FFFF8, s7  }
0x2cc: {  	[hbm4b:s4+s6] =	stream.linear.scatter @!p1 [tilespmem:s3], [sflag:$0x7], $0x80, $0x38;
	[tilespmem:$0x19AE8] =	vst v63  }
0x2cd: {  	s8 =	sand.u32 @!p1 $0x7FFFF8, s8;
	s4 =	simm.s32 @!p1 $0xAAB8;
	s7 =	sadd.s32 @!p1 s1, s7  }
0x2ce: {  	[hbm4b:s7+s6] =	stream.linear.scatter @!p1 [tilespmem:s4], [sflag:$0x7], $0x80, $0x38;
	[tilespmem:$0x19AE8] =	vst v63  }
0x2cf: {  	s4 =	simm.s32 @!p1 $0xAB38;
	s7 =	sadd.s32 @!p1 s1, s8;
	s8 =	sadd.s32 @!p1 $0x180, s5  }
0x2d0: {  	[hbm4b:s7+s6] =	stream.linear.scatter @!p1 [tilespmem:s4], [sflag:$0x7], $0x80, $0x38;
	[tilespmem:$0x19AE8] =	vst v63  }
.Ltmp57:
0x2d1: {  	s4 =	sand.u32 @!p1 $0x7FFFF8, s8;
	(pc) =	sbr.rel @!p2 .LBB2_80-.Ltmp57, $4  }
0x2d2: {  	s7 =	simm.s32 $0x0;
	s8 =	simm.s32 @!p1 $0xABB8;
	s4 =	sadd.s32 @!p1 s1, s4  }
0x2d3: {  	[hbm4b:s4+s6] =	stream.linear.scatter @!p1 [tilespmem:s8], [sflag:$0x7], $0x80, $0x38;
	[tilespmem:$0x19AE8] =	vst v63  }
0x2d4: {  	s7 =	simm.s32 @!p1 $0xA00;
	s8 =	sadd.s32 @!p1 $0x200, s5  }
0x2d5: {  	s4 =	simm.s32 $0xAA19;
	s5 =	simm.s32 $0xACB8;
	s8 =	sand.u32 @!p1 $0x7FFFF8, s8  }
.LBB2_79:
0x2d6: {  	s3 =	sadd.s32 @!p1 $0x200, s3;
	s8 =	sadd.s32 @!p1 s1, s8;
	s0 =	sadd.s32 s0, s7  }
0x2d7: {  	[hbm4b:s8+s6] =	stream.linear.scatter @!p1 [tilespmem:s3], [sflag:$0x7], $0x80, $0x38;
	[tilespmem:$0x19AE8] =	vst v63  }
0x2d8: {  	s2 =	sadd.s32 $0xFFFFFFFF, s2;
	s3 =	smov.u32 s5;
	v0 =	vld.msk [tilespmem:s4+$0x0], $0x1  }
0x2d9: {  	p2 =	sne.s32 s2, $0x0;
	_ =	sdelay $0x3  }
0x2da: {  	(v2sf) =	vpush v0, $0x0;
	_ =	sdelay $0xe  }
0x2db: {  	s7 =	spop (v2sf)  }
0x2dc: {  	s5 =	sadd.s32 $0x280, s5;
	s4 =	sadd.s32 $0x1, s4;
	p1 =	sgt.u32 s7, $0x3D4070  }
0x2dd: {  	s6 =	sand.u32 @!p1 $0x3FFFF8, s7;
	s8 =	sadd.s32 @!p1 $0x80, s7;
	s9 =	sadd.s32 @!p1 $0x100, s7  }
0x2de: {  	s10 =	sadd.s32 @!p1 s1, s6;
	s6 =	sand.u32 @!p1 $0x7, s7;
	s8 =	sand.u32 @!p1 $0x7FFFF8, s8  }
0x2df: {  	[hbm4b:s10+s6] =	stream.linear.scatter @!p1 [tilespmem:s3], [sflag:$0x7], $0x80, $0x38;
	[tilespmem:$0x19AE8] =	vst v63  }
0x2e0: {  	s9 =	sand.u32 @!p1 $0x7FFFF8, s9;
	s10 =	sadd.s32 @!p1 $0x80, s3;
	s8 =	sadd.s32 @!p1 s1, s8  }
0x2e1: {  	[hbm4b:s8+s6] =	stream.linear.scatter @!p1 [tilespmem:s10], [sflag:$0x7], $0x80, $0x38;
	[tilespmem:$0x19AE8] =	vst v63  }
0x2e2: {  	s9 =	sadd.s32 @!p1 s1, s9;
	s8 =	sadd.s32 @!p1 $0x100, s3;
	s10 =	sadd.s32 @!p1 $0x180, s7  }
0x2e3: {  	[hbm4b:s9+s6] =	stream.linear.scatter @!p1 [tilespmem:s8], [sflag:$0x7], $0x80, $0x38;
	[tilespmem:$0x19AE8] =	vst v63  }
.Ltmp58:
0x2e4: {  	_ = 	snop;
	(pc) =	sbr.rel @p2 .LBB2_79-.Ltmp58, $4  }
0x2e5: {  	s9 =	sadd.s32 @!p1 $0x180, s3  }
0x2e6: {  	s8 =	sand.u32 @!p1 $0x7FFFF8, s10;
	s10 =	sadd.s32 @!p1 $0x200, s7;
	s7 =	simm.s32 $0x0  }
0x2e7: {  	s7 =	simm.s32 @!p1 $0xA00;
	s11 =	sadd.s32 @!p1 s1, s8;
	s8 =	sand.u32 @!p1 $0x7FFFF8, s10  }
0x2e8: {  	[hbm4b:s11+s6] =	stream.linear.scatter @!p1 [tilespmem:s9], [sflag:$0x7], $0x80, $0x38;
	[tilespmem:$0x19AE8] =	vst v63  }
.LBB2_80:
0x2e9: {  	s2 =	sadd.s32 @!p1 $0x200, s3;
	s1 =	sadd.s32 @!p1 s1, s8;
	s0 =	sadd.s32 s0, s7  }
0x2ea: {  	[hbm4b:s1+s6] =	stream.linear.scatter @!p1 [tilespmem:s2], [sflag:$0x7], $0x80, $0x38;
	[tilespmem:$0x19AE8] =	vst v63  }
0x2eb: {  	s0 =	sshrl.u32 s0, $0x2  }
.LBB2_81:
0x2ec: {  	s1 =	simm.s32 $0x7  }
0x2ed: {  	_ =	swait.ge [sflag:s1], s0  }
0x2ee: {  	s31 =	ssub.s32 $0x0, s0;
	[sflag:s1] =	ssyncset.done $0x0  }
0x2ef: {  	[sflag:s1] =	ssyncadd.s32 s31  }
0x2f0: {  	[sflag:s1] =	ssyncpa.u1 $0x1  }
.LBB2_82:
0x2f1: {  	_ =	sfence;
	s0 =	simm.s32 $0x1  }
0x2f2: {  	[sflag:s0] =	ssyncpa.u1 $0x1  }
0x2f3: {  	_ =	strace $0x9000004D  }
0x2f4: {  	[bflag:$0x2] =	sbarrier.arrive $0xFFFF  }
0x2f5: {  	s0 =	rddreg [dreg:$0x3]  }
0x2f6: {  	s0 =	sadd.s32 @!p0 $0x100000, s0  }
0x2f7: {  	[sflag:s0] =	ssyncadd.tile.s32 @!p0 $0x1;
	_ =	shalt  }
.Lfunc_end2:
_tile_overlayer_lowered:
.L_overlay_start_2:
0x2f8: {  	(tag) =	ssettag $0x2  }
0x2f9: {  	s0 =	rddreg [dreg:$0x0];
	s2 =	stileid.u32  }
0x2fa: {  	s1 =	rddreg [dreg:$0x1];
	p0 =	sne.s32 s2, $0x0  }
0x2fb: {  	s3 =	rddreg [dreg:$0x2];
	[bflag:$0x3] =	sbarrier.arrive $0xFFFF;
	s2 =	simm.s32 @!p0 $0x1C01  }
0x2fc: {  	[timem:s3], [sflag:s2] =	dma.local @!p0 [hbm:s0], s1  }
0x2fd: {  	s0 =	simm.s32 @!p0 $0x1  }
0x2fe: {  	_ =	swait.ge @!p0 [sflag:s0], s1  }
0x2ff: {  	s1 =	ssub.s32 @!p0 $0x0, s1;
	[sflag:s0] =	ssyncset.done @!p0 $0x0  }
0x300: {  	[sflag:s0] =	ssyncadd.s32 @!p0 s1  }
0x301: {  	[bflag:$0x3] =	sbarrier.arrive $0xFFFF  }
0x302: {  	_ =	shalt  }

</sc_bundles>
